<compile_context>
chip_gen: v7x
topology: tpu7x:2x2x1
jax: 0.10.2.dev20260603
libtpu: 0.0.44.dev20260713+nightly
codegen_flags: <defaults>
</compile_context>

<pallas_src>
import functools
import math

import jax
import jax.numpy as jnp
from jax import lax
from jax.experimental import pallas as pl
from jax.experimental.pallas import tpu as pltpu
from jax.experimental.pallas import tpu_sc as plsc

D_MODEL = 64
SCALE = math.sqrt(D_MODEL)
LANES = 16
NUM_CORES = 2
NUM_SUBCORES = 16
NUM_WORKERS = NUM_CORES * NUM_SUBCORES


@functools.lru_cache(maxsize=None)
def _build(n_total: int, vocab8: int, d: int, chunk: int):
    per_w = n_total // NUM_WORKERS
    n_chunks = per_w // chunk
    assert n_chunks % 2 == 0 and n_chunks >= 4
    n_groups = n_chunks // 2
    slices_per_row = d // LANES

    mesh = plsc.VectorSubcoreMesh(core_axis_name="c", subcore_axis_name="s")

    @functools.partial(
        pl.kernel,
        out_type=jax.ShapeDtypeStruct((n_total, d), jnp.float32),
        mesh=mesh,
        scratch_types=[
            pltpu.VMEM((per_w + LANES,), jnp.int32),
            pltpu.VMEM((2, chunk, d), jnp.float32),
            pltpu.VMEM((2, chunk, d), jnp.float32),
            pltpu.SemaphoreType.DMA,
            pltpu.SemaphoreType.DMA,
            pltpu.SemaphoreType.DMA,
            pltpu.SemaphoreType.DMA,
        ],
        compiler_params=pltpu.CompilerParams(use_tc_tiling_on_sc=True),
    )
    def emb_kernel(x_hbm, table_hbm, out_hbm, idx_v, gbuf, sbuf,
                   gsem0, gsem1, osem0, osem1):
        gsems = (gsem0, gsem1)
        osems = (osem0, osem1)
        wid = lax.axis_index("s") * NUM_CORES + lax.axis_index("c")
        base = wid * per_w
        pltpu.sync_copy(x_hbm.at[pl.ds(base, per_w)],
                        idx_v.at[pl.ds(0, per_w)])

        def fire_gather(c, b):
            cb = c * chunk

            @pl.loop(0, chunk // LANES)
            def issue(g):
                vec = idx_v[pl.ds(cb + g * LANES, LANES)]
                for l in range(LANES):
                    iv = vec[l]
                    pltpu.async_copy(
                        table_hbm.at[iv >> 3, iv & 7, :],
                        gbuf.at[b, g * LANES + l], gsems[b])

        fire_gather(0, 0)
        fire_gather(1, 1)

        @pl.loop(0, n_groups)
        def group(g):
            for b in range(2):
                c = g * 2 + b
                cb = c * chunk
                pltpu.make_async_copy(
                    out_hbm.at[pl.ds(0, chunk)], gbuf.at[b],
                    gsems[b]).wait()
                @pl.when(g > 0)
                def _():
                    pltpu.make_async_copy(
                        sbuf.at[b], out_hbm.at[pl.ds(0, chunk)],
                        osems[b]).wait()

                @pl.when(g < n_groups - 1)
                def _():
                    nb = (c + 2) * chunk

                    @plsc.parallel_loop(0, chunk, unroll=2)
                    def scale_and_fire(r):
                        iv = idx_v[pl.ds(nb + r, LANES)][0]
                        for j in range(slices_per_row):
                            sl = pl.ds(j * LANES, LANES)
                            sbuf[b, r, sl] = gbuf[b, r, sl] * SCALE
                        pltpu.async_copy(
                            table_hbm.at[iv >> 3, iv & 7, :],
                            gbuf.at[b, r], gsems[b])

                @pl.when(g == n_groups - 1)
                def _():
                    @plsc.parallel_loop(0, chunk, unroll=4)
                    def scale(r):
                        for j in range(slices_per_row):
                            sl = pl.ds(j * LANES, LANES)
                            sbuf[b, r, sl] = gbuf[b, r, sl] * SCALE

                pltpu.async_copy(
                    sbuf.at[b], out_hbm.at[pl.ds(base + cb, chunk)],
                    osems[b])

        for b in range(2):
            pltpu.make_async_copy(
                sbuf.at[b], out_hbm.at[pl.ds(0, chunk)], osems[b]).wait()

    return emb_kernel


def _pick_chunk(per_w: int, target: int) -> int:
    best = None
    for c in range(LANES, per_w + 1, LANES):
        if per_w % c or (per_w // c) % 2 or per_w // c < 4:
            continue
        if best is None or abs(c - target) < abs(best - target):
            best = c
    return best if best is not None else per_w


def kernel(x, table):
    b_dim, s_dim = x.shape
    xf = x.T.reshape(-1).astype(jnp.int32)
    n_total = xf.shape[0]
    vocab, d = table.shape
    assert vocab % 8 == 0 and n_total % NUM_WORKERS == 0
    t3 = table.reshape(vocab // 8, 8, d)
    per_w = n_total // NUM_WORKERS
    chunk = _pick_chunk(per_w, 160)
    out = _build(n_total, vocab // 8, d, chunk)(xf, t3)
    return out.reshape(s_dim, b_dim, d).transpose(1, 0, 2)

# --- scband reference (transcript-rebuilt; emitter-appended) ---
"""Pipeline reference for scband-input-embeddings-7730941133073 (READ-ONLY COPY).

The authoritative reference and input builder live on the scoring server;
editing this copy changes nothing except your own understanding.
"""

import jax, jax.numpy as jnp
import numpy as np
import math

D_MODEL = 64
VOCAB = 1000000
BATCH = 4096
SEQ = 50

def setup_inputs(seed: int = 0) -> dict:
    key = jax.random.key(seed)
    k1, k2 = jax.random.split(key)
    x = jax.random.randint(k1, (BATCH, SEQ), 0, VOCAB, dtype=jnp.int64 if jax.config.jax_enable_x64 else jnp.int32)
    table = jax.random.normal(k2, (VOCAB, D_MODEL), dtype=jnp.float32)
    return {"x": x, "table": table}

def reference(x, table):
    # Faithful to InputEmbeddings.forward: embedding(x) * sqrt(d_model)
    emb = jnp.take(table, x, axis=0)
    return emb * math.sqrt(D_MODEL)

if __name__ == "__main__":
    import jax
    _d = setup_inputs()
    print(jax.jit(kernel)(*tuple(_d.values())))

</pallas_src>

<mosaic_0001>
#map = affine_map<(d0, d1) -> (0)>
#map1 = affine_map<(d0, d1) -> (0, 0, 0)>
#map2 = affine_map<(d0, d1) -> (0, 0)>
module attributes {stable_mosaic.version = 14 : i64} {
  func.func @emb_kernel(%arg0: i32, %arg1: i32, %arg2: memref<204800xi32, #tpu.memory_space<hbm>>, %arg3: memref<125000x8x64xf32, #tpu.memory_space<hbm>>, %arg4: memref<204800x64xf32, #tpu.memory_space<hbm>>, %arg5: memref<6416xi32, #tpu.memory_space<vmem>>, %arg6: memref<2x160x64xf32, #tpu.memory_space<vmem>>, %arg7: memref<2x160x64xf32, #tpu.memory_space<vmem>>, %arg8: memref<!tpu.dma_semaphore, #tpu.memory_space<semaphore_mem>>, %arg9: memref<!tpu.dma_semaphore, #tpu.memory_space<semaphore_mem>>, %arg10: memref<!tpu.dma_semaphore, #tpu.memory_space<semaphore_mem>>, %arg11: memref<!tpu.dma_semaphore, #tpu.memory_space<semaphore_mem>>) attributes {dimension_semantics = [#tpu.dimension_semantics<core_parallel>, #tpu.dimension_semantics<subcore_parallel>], iteration_bounds = array<i64: 2, 16>, scalar_prefetch = 0 : i64, scratch_operands = 7 : i64, tpu.core_type = #tpu.core_type<sc_vector_subcore>, window_params = [{transform_indices = #map}, {transform_indices = #map1}, {transform_indices = #map2}]} {
    %mul3A = arith.constant 2 : i32
    %mul3A_0 = arith.muli %arg1, %mul3A : i32
    %add3A = arith.addi %mul3A_0, %arg0 : i32
    %mul3A_1 = arith.constant 6400 : i32
    %mul3A_2 = arith.muli %add3A, %mul3A_1 : i32
    "tpu.region"() ({
      %run_scoped3A = tpu.sem_alloc : memref<!tpu.dma_semaphore, #tpu.memory_space<semaphore_mem>>
      %dma_start3A = arith.constant 0 : i32
      %dma_start3A_46 = tpu.memref_slice %arg5[%dma_start3A] : memref<6416xi32, #tpu.memory_space<vmem>> -> memref<6400xi32, #tpu.memory_space<vmem>>
      %dma_start3A_47 = tpu.memref_slice %arg2[%mul3A_2] : memref<204800xi32, #tpu.memory_space<hbm>> -> memref<6400xi32, #tpu.memory_space<hbm>>
      %dma_start3A_48 = arith.constant 0 : i32
      %dma_start3A_49 = tpu.memref_slice %arg5[%dma_start3A_48] : memref<6416xi32, #tpu.memory_space<vmem>> -> memref<6400xi32, #tpu.memory_space<vmem>>
      %dma_start3A_50 = tpu.memref_slice %arg2[%mul3A_2] : memref<204800xi32, #tpu.memory_space<hbm>> -> memref<6400xi32, #tpu.memory_space<hbm>>
      tpu.enqueue_dma source(%dma_start3A_50 : memref<6400xi32, #tpu.memory_space<hbm>>) target(%dma_start3A_49 : memref<6400xi32, #tpu.memory_space<vmem>>) target_semaphore(%run_scoped3A : memref<!tpu.dma_semaphore, #tpu.memory_space<semaphore_mem>>)
      %dma_wait3A_51 = arith.constant 0 : i32
      %dma_wait3A_52 = tpu.memref_slice %arg5[%dma_wait3A_51] : memref<6416xi32, #tpu.memory_space<vmem>> -> memref<6400xi32, #tpu.memory_space<vmem>>
      %dma_wait3A_53 = tpu.memref_slice %arg2[%mul3A_2] : memref<204800xi32, #tpu.memory_space<hbm>> -> memref<6400xi32, #tpu.memory_space<hbm>>
      %dma_wait3A_54 = arith.constant 0 : i32
      %dma_wait3A_55 = tpu.memref_slice %arg5[%dma_wait3A_54] : memref<6416xi32, #tpu.memory_space<vmem>> -> memref<6400xi32, #tpu.memory_space<vmem>>
      %dma_wait3A_56 = tpu.memref_slice %arg2[%mul3A_2] : memref<204800xi32, #tpu.memory_space<hbm>> -> memref<6400xi32, #tpu.memory_space<hbm>>
      tpu.wait_dma2 semaphore(%run_scoped3A : memref<!tpu.dma_semaphore, #tpu.memory_space<semaphore_mem>>) src(%dma_wait3A_56 : memref<6400xi32, #tpu.memory_space<hbm>>) dst(%dma_wait3A_55 : memref<6400xi32, #tpu.memory_space<vmem>>)
      tpu.yield
    }) : () -> ()
    %scan3A = arith.constant 0 : i32
    %scan3A_3 = arith.constant 10 : i32
    %scan3A_4 = arith.addi %scan3A, %scan3A_3 : i32
    %scan3A_5 = arith.constant 1 : i32
    scf.for %scan3A_46 = %scan3A to %scan3A_4 step %scan3A_5  : i32 {
      %mul3A_47 = arith.constant 1 : i32
      %mul3A_48 = arith.muli %scan3A_46, %mul3A_47 : i32
      %add3A_49 = arith.constant 0 : i32
      %add3A_50 = arith.addi %add3A_49, %mul3A_48 : i32
      %mul3A_51 = arith.constant 16 : i32
      %mul3A_52 = arith.muli %add3A_50, %mul3A_51 : i32
      %add3A_53 = arith.constant 0 : i32
      %add3A_54 = arith.addi %add3A_53, %mul3A_52 : i32
      %get3A = arith.index_cast %add3A_54 : i32 to index
      %get3A_55 = tpu.vector_load %arg5[%get3A] {strides = array<i32>} : memref<6416xi32, #tpu.memory_space<vmem>>, vector<16xi32>,
      %get3A_56 = vector.shape_cast %get3A_55 : vector<16xi32> to vector<16xi32>
      %slice3A = vector.extract_strided_slice %get3A_56 {offsets = [0], sizes = [1], strides = [1]} : vector<16xi32> to vector<1xi32>
      %squeeze3A = vector.extract %slice3A[0] : i32 from vector<1xi32>
      %shift_right_arithmetic3A = arith.constant 3 : i32
      %shift_right_arithmetic3A_57 = arith.shrsi %squeeze3A, %shift_right_arithmetic3A : i32
      %and3A = arith.constant 7 : i32
      %and3A_58 = arith.andi %squeeze3A, %and3A : i32
      %mul3A_59 = arith.constant 16 : i32
      %mul3A_60 = arith.muli %add3A_50, %mul3A_59 : i32
      %add3A_61 = arith.constant 0 : i32
      %add3A_62 = arith.addi %mul3A_60, %add3A_61 : i32
      %dma_start3A = arith.constant 0 : i32
      %dma_start3A_63 = arith.constant 0 : i32
      %dma_start3A_64 = tpu.memref_slice %arg6[%dma_start3A, %add3A_62, %dma_start3A_63] : memref<2x160x64xf32, #tpu.memory_space<vmem>> -> memref<1x1x64xf32, #tpu.memory_space<vmem>>
      %dma_start3A_65 = tpu.memref_squeeze %dma_start3A_64 : memref<1x1x64xf32, #tpu.memory_space<vmem>> -> memref<64xf32, #tpu.memory_space<vmem>>
      %dma_start3A_66 = arith.constant 0 : i32
      %dma_start3A_67 = tpu.memref_slice %arg3[%shift_right_arithmetic3A_57, %and3A_58, %dma_start3A_66] : memref<125000x8x64xf32, #tpu.memory_space<hbm>> -> memref<1x1x64xf32, #tpu.memory_space<hbm>>
      %dma_start3A_68 = tpu.memref_squeeze %dma_start3A_67 : memref<1x1x64xf32, #tpu.memory_space<hbm>> -> memref<64xf32, #tpu.memory_space<hbm>>
      %dma_start3A_69 = arith.constant 0 : i32
      %dma_start3A_70 = tpu.memref_slice %arg6[%dma_start3A, %add3A_62, %dma_start3A_69] : memref<2x160x64xf32, #tpu.memory_space<vmem>> -> memref<1x1x64xf32, #tpu.memory_space<vmem>>
      %dma_start3A_71 = tpu.memref_squeeze %dma_start3A_70 : memref<1x1x64xf32, #tpu.memory_space<vmem>> -> memref<64xf32, #tpu.memory_space<vmem>>
      %dma_start3A_72 = arith.constant 0 : i32
      %dma_start3A_73 = tpu.memref_slice %arg3[%shift_right_arithmetic3A_57, %and3A_58, %dma_start3A_72] : memref<125000x8x64xf32, #tpu.memory_space<hbm>> -> memref<1x1x64xf32, #tpu.memory_space<hbm>>
      %dma_start3A_74 = tpu.memref_squeeze %dma_start3A_73 : memref<1x1x64xf32, #tpu.memory_space<hbm>> -> memref<64xf32, #tpu.memory_space<hbm>>
      tpu.enqueue_dma source(%dma_start3A_74 : memref<64xf32, #tpu.memory_space<hbm>>) target(%dma_start3A_71 : memref<64xf32, #tpu.memory_space<vmem>>) target_semaphore(%arg8 : memref<!tpu.dma_semaphore, #tpu.memory_space<semaphore_mem>>)
      %slice3A_75 = vector.extract_strided_slice %get3A_56 {offsets = [1], sizes = [1], strides = [1]} : vector<16xi32> to vector<1xi32>
      %squeeze3A_76 = vector.extract %slice3A_75[0] : i32 from vector<1xi32>
      %shift_right_arithmetic3A_77 = arith.constant 3 : i32
      %shift_right_arithmetic3A_78 = arith.shrsi %squeeze3A_76, %shift_right_arithmetic3A_77 : i32
      %and3A_79 = arith.constant 7 : i32
      %and3A_80 = arith.andi %squeeze3A_76, %and3A_79 : i32
      %mul3A_81 = arith.constant 16 : i32
      %mul3A_82 = arith.muli %add3A_50, %mul3A_81 : i32
      %add3A_83 = arith.constant 1 : i32
      %add3A_84 = arith.addi %mul3A_82, %add3A_83 : i32
      %dma_start3A_85 = arith.constant 0 : i32
      %dma_start3A_86 = arith.constant 0 : i32
      %dma_start3A_87 = tpu.memref_slice %arg6[%dma_start3A_85, %add3A_84, %dma_start3A_86] : memref<2x160x64xf32, #tpu.memory_space<vmem>> -> memref<1x1x64xf32, #tpu.memory_space<vmem>>
      %dma_start3A_88 = tpu.memref_squeeze %dma_start3A_87 : memref<1x1x64xf32, #tpu.memory_space<vmem>> -> memref<64xf32, #tpu.memory_space<vmem>>
      %dma_start3A_89 = arith.constant 0 : i32
      %dma_start3A_90 = tpu.memref_slice %arg3[%shift_right_arithmetic3A_78, %and3A_80, %dma_start3A_89] : memref<125000x8x64xf32, #tpu.memory_space<hbm>> -> memref<1x1x64xf32, #tpu.memory_space<hbm>>
      %dma_start3A_91 = tpu.memref_squeeze %dma_start3A_90 : memref<1x1x64xf32, #tpu.memory_space<hbm>> -> memref<64xf32, #tpu.memory_space<hbm>>
      %dma_start3A_92 = arith.constant 0 : i32
      %dma_start3A_93 = tpu.memref_slice %arg6[%dma_start3A_85, %add3A_84, %dma_start3A_92] : memref<2x160x64xf32, #tpu.memory_space<vmem>> -> memref<1x1x64xf32, #tpu.memory_space<vmem>>
      %dma_start3A_94 = tpu.memref_squeeze %dma_start3A_93 : memref<1x1x64xf32, #tpu.memory_space<vmem>> -> memref<64xf32, #tpu.memory_space<vmem>>
      %dma_start3A_95 = arith.constant 0 : i32
      %dma_start3A_96 = tpu.memref_slice %arg3[%shift_right_arithmetic3A_78, %and3A_80, %dma_start3A_95] : memref<125000x8x64xf32, #tpu.memory_space<hbm>> -> memref<1x1x64xf32, #tpu.memory_space<hbm>>
      %dma_start3A_97 = tpu.memref_squeeze %dma_start3A_96 : memref<1x1x64xf32, #tpu.memory_space<hbm>> -> memref<64xf32, #tpu.memory_space<hbm>>
      tpu.enqueue_dma source(%dma_start3A_97 : memref<64xf32, #tpu.memory_space<hbm>>) target(%dma_start3A_94 : memref<64xf32, #tpu.memory_space<vmem>>) target_semaphore(%arg8 : memref<!tpu.dma_semaphore, #tpu.memory_space<semaphore_mem>>)
      %slice3A_98 = vector.extract_strided_slice %get3A_56 {offsets = [2], sizes = [1], strides = [1]} : vector<16xi32> to vector<1xi32>
      %squeeze3A_99 = vector.extract %slice3A_98[0] : i32 from vector<1xi32>
      %shift_right_arithmetic3A_100 = arith.constant 3 : i32
      %shift_right_arithmetic3A_101 = arith.shrsi %squeeze3A_99, %shift_right_arithmetic3A_100 : i32
      %and3A_102 = arith.constant 7 : i32
      %and3A_103 = arith.andi %squeeze3A_99, %and3A_102 : i32
      %mul3A_104 = arith.constant 16 : i32
      %mul3A_105 = arith.muli %add3A_50, %mul3A_104 : i32
      %add3A_106 = arith.constant 2 : i32
      %add3A_107 = arith.addi %mul3A_105, %add3A_106 : i32
      %dma_start3A_108 = arith.constant 0 : i32
      %dma_start3A_109 = arith.constant 0 : i32
      %dma_start3A_110 = tpu.memref_slice %arg6[%dma_start3A_108, %add3A_107, %dma_start3A_109] : memref<2x160x64xf32, #tpu.memory_space<vmem>> -> memref<1x1x64xf32, #tpu.memory_space<vmem>>
      %dma_start3A_111 = tpu.memref_squeeze %dma_start3A_110 : memref<1x1x64xf32, #tpu.memory_space<vmem>> -> memref<64xf32, #tpu.memory_space<vmem>>
      %dma_start3A_112 = arith.constant 0 : i32
      %dma_start3A_113 = tpu.memref_slice %arg3[%shift_right_arithmetic3A_101, %and3A_103, %dma_start3A_112] : memref<125000x8x64xf32, #tpu.memory_space<hbm>> -> memref<1x1x64xf32, #tpu.memory_space<hbm>>
      %dma_start3A_114 = tpu.memref_squeeze %dma_start3A_113 : memref<1x1x64xf32, #tpu.memory_space<hbm>> -> memref<64xf32, #tpu.memory_space<hbm>>
      %dma_start3A_115 = arith.constant 0 : i32
      %dma_start3A_116 = tpu.memref_slice %arg6[%dma_start3A_108, %add3A_107, %dma_start3A_115] : memref<2x160x64xf32, #tpu.memory_space<vmem>> -> memref<1x1x64xf32, #tpu.memory_space<vmem>>
      %dma_start3A_117 = tpu.memref_squeeze %dma_start3A_116 : memref<1x1x64xf32, #tpu.memory_space<vmem>> -> memref<64xf32, #tpu.memory_space<vmem>>
      %dma_start3A_118 = arith.constant 0 : i32
      %dma_start3A_119 = tpu.memref_slice %arg3[%shift_right_arithmetic3A_101, %and3A_103, %dma_start3A_118] : memref<125000x8x64xf32, #tpu.memory_space<hbm>> -> memref<1x1x64xf32, #tpu.memory_space<hbm>>
      %dma_start3A_120 = tpu.memref_squeeze %dma_start3A_119 : memref<1x1x64xf32, #tpu.memory_space<hbm>> -> memref<64xf32, #tpu.memory_space<hbm>>
      tpu.enqueue_dma source(%dma_start3A_120 : memref<64xf32, #tpu.memory_space<hbm>>) target(%dma_start3A_117 : memref<64xf32, #tpu.memory_space<vmem>>) target_semaphore(%arg8 : memref<!tpu.dma_semaphore, #tpu.memory_space<semaphore_mem>>)
      %slice3A_121 = vector.extract_strided_slice %get3A_56 {offsets = [3], sizes = [1], strides = [1]} : vector<16xi32> to vector<1xi32>
      %squeeze3A_122 = vector.extract %slice3A_121[0] : i32 from vector<1xi32>
      %shift_right_arithmetic3A_123 = arith.constant 3 : i32
      %shift_right_arithmetic3A_124 = arith.shrsi %squeeze3A_122, %shift_right_arithmetic3A_123 : i32
      %and3A_125 = arith.constant 7 : i32
      %and3A_126 = arith.andi %squeeze3A_122, %and3A_125 : i32
      %mul3A_127 = arith.constant 16 : i32
      %mul3A_128 = arith.muli %add3A_50, %mul3A_127 : i32
      %add3A_129 = arith.constant 3 : i32
      %add3A_130 = arith.addi %mul3A_128, %add3A_129 : i32
      %dma_start3A_131 = arith.constant 0 : i32
      %dma_start3A_132 = arith.constant 0 : i32
      %dma_start3A_133 = tpu.memref_slice %arg6[%dma_start3A_131, %add3A_130, %dma_start3A_132] : memref<2x160x64xf32, #tpu.memory_space<vmem>> -> memref<1x1x64xf32, #tpu.memory_space<vmem>>
      %dma_start3A_134 = tpu.memref_squeeze %dma_start3A_133 : memref<1x1x64xf32, #tpu.memory_space<vmem>> -> memref<64xf32, #tpu.memory_space<vmem>>
      %dma_start3A_135 = arith.constant 0 : i32
      %dma_start3A_136 = tpu.memref_slice %arg3[%shift_right_arithmetic3A_124, %and3A_126, %dma_start3A_135] : memref<125000x8x64xf32, #tpu.memory_space<hbm>> -> memref<1x1x64xf32, #tpu.memory_space<hbm>>
      %dma_start3A_137 = tpu.memref_squeeze %dma_start3A_136 : memref<1x1x64xf32, #tpu.memory_space<hbm>> -> memref<64xf32, #tpu.memory_space<hbm>>
      %dma_start3A_138 = arith.constant 0 : i32
      %dma_start3A_139 = tpu.memref_slice %arg6[%dma_start3A_131, %add3A_130, %dma_start3A_138] : memref<2x160x64xf32, #tpu.memory_space<vmem>> -> memref<1x1x64xf32, #tpu.memory_space<vmem>>
      %dma_start3A_140 = tpu.memref_squeeze %dma_start3A_139 : memref<1x1x64xf32, #tpu.memory_space<vmem>> -> memref<64xf32, #tpu.memory_space<vmem>>
      %dma_start3A_141 = arith.constant 0 : i32
      %dma_start3A_142 = tpu.memref_slice %arg3[%shift_right_arithmetic3A_124, %and3A_126, %dma_start3A_141] : memref<125000x8x64xf32, #tpu.memory_space<hbm>> -> memref<1x1x64xf32, #tpu.memory_space<hbm>>
      %dma_start3A_143 = tpu.memref_squeeze %dma_start3A_142 : memref<1x1x64xf32, #tpu.memory_space<hbm>> -> memref<64xf32, #tpu.memory_space<hbm>>
      tpu.enqueue_dma source(%dma_start3A_143 : memref<64xf32, #tpu.memory_space<hbm>>) target(%dma_start3A_140 : memref<64xf32, #tpu.memory_space<vmem>>) target_semaphore(%arg8 : memref<!tpu.dma_semaphore, #tpu.memory_space<semaphore_mem>>)
      %slice3A_144 = vector.extract_strided_slice %get3A_56 {offsets = [4], sizes = [1], strides = [1]} : vector<16xi32> to vector<1xi32>
      %squeeze3A_145 = vector.extract %slice3A_144[0] : i32 from vector<1xi32>
      %shift_right_arithmetic3A_146 = arith.constant 3 : i32
      %shift_right_arithmetic3A_147 = arith.shrsi %squeeze3A_145, %shift_right_arithmetic3A_146 : i32
      %and3A_148 = arith.constant 7 : i32
      %and3A_149 = arith.andi %squeeze3A_145, %and3A_148 : i32
      %mul3A_150 = arith.constant 16 : i32
      %mul3A_151 = arith.muli %add3A_50, %mul3A_150 : i32
      %add3A_152 = arith.constant 4 : i32
      %add3A_153 = arith.addi %mul3A_151, %add3A_152 : i32
      %dma_start3A_154 = arith.constant 0 : i32
      %dma_start3A_155 = arith.constant 0 : i32
      %dma_start3A_156 = tpu.memref_slice %arg6[%dma_start3A_154, %add3A_153, %dma_start3A_155] : memref<2x160x64xf32, #tpu.memory_space<vmem>> -> memref<1x1x64xf32, #tpu.memory_space<vmem>>
      %dma_start3A_157 = tpu.memref_squeeze %dma_start3A_156 : memref<1x1x64xf32, #tpu.memory_space<vmem>> -> memref<64xf32, #tpu.memory_space<vmem>>
      %dma_start3A_158 = arith.constant 0 : i32
      %dma_start3A_159 = tpu.memref_slice %arg3[%shift_right_arithmetic3A_147, %and3A_149, %dma_start3A_158] : memref<125000x8x64xf32, #tpu.memory_space<hbm>> -> memref<1x1x64xf32, #tpu.memory_space<hbm>>
      %dma_start3A_160 = tpu.memref_squeeze %dma_start3A_159 : memref<1x1x64xf32, #tpu.memory_space<hbm>> -> memref<64xf32, #tpu.memory_space<hbm>>
      %dma_start3A_161 = arith.constant 0 : i32
      %dma_start3A_162 = tpu.memref_slice %arg6[%dma_start3A_154, %add3A_153, %dma_start3A_161] : memref<2x160x64xf32, #tpu.memory_space<vmem>> -> memref<1x1x64xf32, #tpu.memory_space<vmem>>
      %dma_start3A_163 = tpu.memref_squeeze %dma_start3A_162 : memref<1x1x64xf32, #tpu.memory_space<vmem>> -> memref<64xf32, #tpu.memory_space<vmem>>
      %dma_start3A_164 = arith.constant 0 : i32
      %dma_start3A_165 = tpu.memref_slice %arg3[%shift_right_arithmetic3A_147, %and3A_149, %dma_start3A_164] : memref<125000x8x64xf32, #tpu.memory_space<hbm>> -> memref<1x1x64xf32, #tpu.memory_space<hbm>>
      %dma_start3A_166 = tpu.memref_squeeze %dma_start3A_165 : memref<1x1x64xf32, #tpu.memory_space<hbm>> -> memref<64xf32, #tpu.memory_space<hbm>>
      tpu.enqueue_dma source(%dma_start3A_166 : memref<64xf32, #tpu.memory_space<hbm>>) target(%dma_start3A_163 : memref<64xf32, #tpu.memory_space<vmem>>) target_semaphore(%arg8 : memref<!tpu.dma_semaphore, #tpu.memory_space<semaphore_mem>>)
      %slice3A_167 = vector.extract_strided_slice %get3A_56 {offsets = [5], sizes = [1], strides = [1]} : vector<16xi32> to vector<1xi32>
      %squeeze3A_168 = vector.extract %slice3A_167[0] : i32 from vector<1xi32>
      %shift_right_arithmetic3A_169 = arith.constant 3 : i32
      %shift_right_arithmetic3A_170 = arith.shrsi %squeeze3A_168, %shift_right_arithmetic3A_169 : i32
      %and3A_171 = arith.constant 7 : i32
      %and3A_172 = arith.andi %squeeze3A_168, %and3A_171 : i32
      %mul3A_173 = arith.constant 16 : i32
      %mul3A_174 = arith.muli %add3A_50, %mul3A_173 : i32
      %add3A_175 = arith.constant 5 : i32
      %add3A_176 = arith.addi %mul3A_174, %add3A_175 : i32
      %dma_start3A_177 = arith.constant 0 : i32
      %dma_start3A_178 = arith.constant 0 : i32
      %dma_start3A_179 = tpu.memref_slice %arg6[%dma_start3A_177, %add3A_176, %dma_start3A_178] : memref<2x160x64xf32, #tpu.memory_space<vmem>> -> memref<1x1x64xf32, #tpu.memory_space<vmem>>
      %dma_start3A_180 = tpu.memref_squeeze %dma_start3A_179 : memref<1x1x64xf32, #tpu.memory_space<vmem>> -> memref<64xf32, #tpu.memory_space<vmem>>
      %dma_start3A_181 = arith.constant 0 : i32
      %dma_start3A_182 = tpu.memref_slice %arg3[%shift_right_arithmetic3A_170, %and3A_172, %dma_start3A_181] : memref<125000x8x64xf32, #tpu.memory_space<hbm>> -> memref<1x1x64xf32, #tpu.memory_space<hbm>>
      %dma_start3A_183 = tpu.memref_squeeze %dma_start3A_182 : memref<1x1x64xf32, #tpu.memory_space<hbm>> -> memref<64xf32, #tpu.memory_space<hbm>>
      %dma_start3A_184 = arith.constant 0 : i32
      %dma_start3A_185 = tpu.memref_slice %arg6[%dma_start3A_177, %add3A_176, %dma_start3A_184] : memref<2x160x64xf32, #tpu.memory_space<vmem>> -> memref<1x1x64xf32, #tpu.memory_space<vmem>>
      %dma_start3A_186 = tpu.memref_squeeze %dma_start3A_185 : memref<1x1x64xf32, #tpu.memory_space<vmem>> -> memref<64xf32, #tpu.memory_space<vmem>>
      %dma_start3A_187 = arith.constant 0 : i32
      %dma_start3A_188 = tpu.memref_slice %arg3[%shift_right_arithmetic3A_170, %and3A_172, %dma_start3A_187] : memref<125000x8x64xf32, #tpu.memory_space<hbm>> -> memref<1x1x64xf32, #tpu.memory_space<hbm>>
      %dma_start3A_189 = tpu.memref_squeeze %dma_start3A_188 : memref<1x1x64xf32, #tpu.memory_space<hbm>> -> memref<64xf32, #tpu.memory_space<hbm>>
      tpu.enqueue_dma source(%dma_start3A_189 : memref<64xf32, #tpu.memory_space<hbm>>) target(%dma_start3A_186 : memref<64xf32, #tpu.memory_space<vmem>>) target_semaphore(%arg8 : memref<!tpu.dma_semaphore, #tpu.memory_space<semaphore_mem>>)
      %slice3A_190 = vector.extract_strided_slice %get3A_56 {offsets = [6], sizes = [1], strides = [1]} : vector<16xi32> to vector<1xi32>
      %squeeze3A_191 = vector.extract %slice3A_190[0] : i32 from vector<1xi32>
      %shift_right_arithmetic3A_192 = arith.constant 3 : i32
      %shift_right_arithmetic3A_193 = arith.shrsi %squeeze3A_191, %shift_right_arithmetic3A_192 : i32
      %and3A_194 = arith.constant 7 : i32
      %and3A_195 = arith.andi %squeeze3A_191, %and3A_194 : i32
      %mul3A_196 = arith.constant 16 : i32
      %mul3A_197 = arith.muli %add3A_50, %mul3A_196 : i32
      %add3A_198 = arith.constant 6 : i32
      %add3A_199 = arith.addi %mul3A_197, %add3A_198 : i32
      %dma_start3A_200 = arith.constant 0 : i32
      %dma_start3A_201 = arith.constant 0 : i32
      %dma_start3A_202 = tpu.memref_slice %arg6[%dma_start3A_200, %add3A_199, %dma_start3A_201] : memref<2x160x64xf32, #tpu.memory_space<vmem>> -> memref<1x1x64xf32, #tpu.memory_space<vmem>>
      %dma_start3A_203 = tpu.memref_squeeze %dma_start3A_202 : memref<1x1x64xf32, #tpu.memory_space<vmem>> -> memref<64xf32, #tpu.memory_space<vmem>>
      %dma_start3A_204 = arith.constant 0 : i32
      %dma_start3A_205 = tpu.memref_slice %arg3[%shift_right_arithmetic3A_193, %and3A_195, %dma_start3A_204] : memref<125000x8x64xf32, #tpu.memory_space<hbm>> -> memref<1x1x64xf32, #tpu.memory_space<hbm>>
      %dma_start3A_206 = tpu.memref_squeeze %dma_start3A_205 : memref<1x1x64xf32, #tpu.memory_space<hbm>> -> memref<64xf32, #tpu.memory_space<hbm>>
      %dma_start3A_207 = arith.constant 0 : i32
      %dma_start3A_208 = tpu.memref_slice %arg6[%dma_start3A_200, %add3A_199, %dma_start3A_207] : memref<2x160x64xf32, #tpu.memory_space<vmem>> -> memref<1x1x64xf32, #tpu.memory_space<vmem>>
      %dma_start3A_209 = tpu.memref_squeeze %dma_start3A_208 : memref<1x1x64xf32, #tpu.memory_space<vmem>> -> memref<64xf32, #tpu.memory_space<vmem>>
      %dma_start3A_210 = arith.constant 0 : i32
      %dma_start3A_211 = tpu.memref_slice %arg3[%shift_right_arithmetic3A_193, %and3A_195, %dma_start3A_210] : memref<125000x8x64xf32, #tpu.memory_space<hbm>> -> memref<1x1x64xf32, #tpu.memory_space<hbm>>
      %dma_start3A_212 = tpu.memref_squeeze %dma_start3A_211 : memref<1x1x64xf32, #tpu.memory_space<hbm>> -> memref<64xf32, #tpu.memory_space<hbm>>
      tpu.enqueue_dma source(%dma_start3A_212 : memref<64xf32, #tpu.memory_space<hbm>>) target(%dma_start3A_209 : memref<64xf32, #tpu.memory_space<vmem>>) target_semaphore(%arg8 : memref<!tpu.dma_semaphore, #tpu.memory_space<semaphore_mem>>)
      %slice3A_213 = vector.extract_strided_slice %get3A_56 {offsets = [7], sizes = [1], strides = [1]} : vector<16xi32> to vector<1xi32>
      %squeeze3A_214 = vector.extract %slice3A_213[0] : i32 from vector<1xi32>
      %shift_right_arithmetic3A_215 = arith.constant 3 : i32
      %shift_right_arithmetic3A_216 = arith.shrsi %squeeze3A_214, %shift_right_arithmetic3A_215 : i32
      %and3A_217 = arith.constant 7 : i32
      %and3A_218 = arith.andi %squeeze3A_214, %and3A_217 : i32
      %mul3A_219 = arith.constant 16 : i32
      %mul3A_220 = arith.muli %add3A_50, %mul3A_219 : i32
      %add3A_221 = arith.constant 7 : i32
      %add3A_222 = arith.addi %mul3A_220, %add3A_221 : i32
      %dma_start3A_223 = arith.constant 0 : i32
      %dma_start3A_224 = arith.constant 0 : i32
      %dma_start3A_225 = tpu.memref_slice %arg6[%dma_start3A_223, %add3A_222, %dma_start3A_224] : memref<2x160x64xf32, #tpu.memory_space<vmem>> -> memref<1x1x64xf32, #tpu.memory_space<vmem>>
      %dma_start3A_226 = tpu.memref_squeeze %dma_start3A_225 : memref<1x1x64xf32, #tpu.memory_space<vmem>> -> memref<64xf32, #tpu.memory_space<vmem>>
      %dma_start3A_227 = arith.constant 0 : i32
      %dma_start3A_228 = tpu.memref_slice %arg3[%shift_right_arithmetic3A_216, %and3A_218, %dma_start3A_227] : memref<125000x8x64xf32, #tpu.memory_space<hbm>> -> memref<1x1x64xf32, #tpu.memory_space<hbm>>
      %dma_start3A_229 = tpu.memref_squeeze %dma_start3A_228 : memref<1x1x64xf32, #tpu.memory_space<hbm>> -> memref<64xf32, #tpu.memory_space<hbm>>
      %dma_start3A_230 = arith.constant 0 : i32
      %dma_start3A_231 = tpu.memref_slice %arg6[%dma_start3A_223, %add3A_222, %dma_start3A_230] : memref<2x160x64xf32, #tpu.memory_space<vmem>> -> memref<1x1x64xf32, #tpu.memory_space<vmem>>
      %dma_start3A_232 = tpu.memref_squeeze %dma_start3A_231 : memref<1x1x64xf32, #tpu.memory_space<vmem>> -> memref<64xf32, #tpu.memory_space<vmem>>
      %dma_start3A_233 = arith.constant 0 : i32
      %dma_start3A_234 = tpu.memref_slice %arg3[%shift_right_arithmetic3A_216, %and3A_218, %dma_start3A_233] : memref<125000x8x64xf32, #tpu.memory_space<hbm>> -> memref<1x1x64xf32, #tpu.memory_space<hbm>>
      %dma_start3A_235 = tpu.memref_squeeze %dma_start3A_234 : memref<1x1x64xf32, #tpu.memory_space<hbm>> -> memref<64xf32, #tpu.memory_space<hbm>>
      tpu.enqueue_dma source(%dma_start3A_235 : memref<64xf32, #tpu.memory_space<hbm>>) target(%dma_start3A_232 : memref<64xf32, #tpu.memory_space<vmem>>) target_semaphore(%arg8 : memref<!tpu.dma_semaphore, #tpu.memory_space<semaphore_mem>>)
      %slice3A_236 = vector.extract_strided_slice %get3A_56 {offsets = [8], sizes = [1], strides = [1]} : vector<16xi32> to vector<1xi32>
      %squeeze3A_237 = vector.extract %slice3A_236[0] : i32 from vector<1xi32>
      %shift_right_arithmetic3A_238 = arith.constant 3 : i32
      %shift_right_arithmetic3A_239 = arith.shrsi %squeeze3A_237, %shift_right_arithmetic3A_238 : i32
      %and3A_240 = arith.constant 7 : i32
      %and3A_241 = arith.andi %squeeze3A_237, %and3A_240 : i32
      %mul3A_242 = arith.constant 16 : i32
      %mul3A_243 = arith.muli %add3A_50, %mul3A_242 : i32
      %add3A_244 = arith.constant 8 : i32
      %add3A_245 = arith.addi %mul3A_243, %add3A_244 : i32
      %dma_start3A_246 = arith.constant 0 : i32
      %dma_start3A_247 = arith.constant 0 : i32
      %dma_start3A_248 = tpu.memref_slice %arg6[%dma_start3A_246, %add3A_245, %dma_start3A_247] : memref<2x160x64xf32, #tpu.memory_space<vmem>> -> memref<1x1x64xf32, #tpu.memory_space<vmem>>
      %dma_start3A_249 = tpu.memref_squeeze %dma_start3A_248 : memref<1x1x64xf32, #tpu.memory_space<vmem>> -> memref<64xf32, #tpu.memory_space<vmem>>
      %dma_start3A_250 = arith.constant 0 : i32
      %dma_start3A_251 = tpu.memref_slice %arg3[%shift_right_arithmetic3A_239, %and3A_241, %dma_start3A_250] : memref<125000x8x64xf32, #tpu.memory_space<hbm>> -> memref<1x1x64xf32, #tpu.memory_space<hbm>>
      %dma_start3A_252 = tpu.memref_squeeze %dma_start3A_251 : memref<1x1x64xf32, #tpu.memory_space<hbm>> -> memref<64xf32, #tpu.memory_space<hbm>>
      %dma_start3A_253 = arith.constant 0 : i32
      %dma_start3A_254 = tpu.memref_slice %arg6[%dma_start3A_246, %add3A_245, %dma_start3A_253] : memref<2x160x64xf32, #tpu.memory_space<vmem>> -> memref<1x1x64xf32, #tpu.memory_space<vmem>>
      %dma_start3A_255 = tpu.memref_squeeze %dma_start3A_254 : memref<1x1x64xf32, #tpu.memory_space<vmem>> -> memref<64xf32, #tpu.memory_space<vmem>>
      %dma_start3A_256 = arith.constant 0 : i32
      %dma_start3A_257 = tpu.memref_slice %arg3[%shift_right_arithmetic3A_239, %and3A_241, %dma_start3A_256] : memref<125000x8x64xf32, #tpu.memory_space<hbm>> -> memref<1x1x64xf32, #tpu.memory_space<hbm>>
      %dma_start3A_258 = tpu.memref_squeeze %dma_start3A_257 : memref<1x1x64xf32, #tpu.memory_space<hbm>> -> memref<64xf32, #tpu.memory_space<hbm>>
      tpu.enqueue_dma source(%dma_start3A_258 : memref<64xf32, #tpu.memory_space<hbm>>) target(%dma_start3A_255 : memref<64xf32, #tpu.memory_space<vmem>>) target_semaphore(%arg8 : memref<!tpu.dma_semaphore, #tpu.memory_space<semaphore_mem>>)
      %slice3A_259 = vector.extract_strided_slice %get3A_56 {offsets = [9], sizes = [1], strides = [1]} : vector<16xi32> to vector<1xi32>
      %squeeze3A_260 = vector.extract %slice3A_259[0] : i32 from vector<1xi32>
      %shift_right_arithmetic3A_261 = arith.constant 3 : i32
      %shift_right_arithmetic3A_262 = arith.shrsi %squeeze3A_260, %shift_right_arithmetic3A_261 : i32
      %and3A_263 = arith.constant 7 : i32
      %and3A_264 = arith.andi %squeeze3A_260, %and3A_263 : i32
      %mul3A_265 = arith.constant 16 : i32
      %mul3A_266 = arith.muli %add3A_50, %mul3A_265 : i32
      %add3A_267 = arith.constant 9 : i32
      %add3A_268 = arith.addi %mul3A_266, %add3A_267 : i32
      %dma_start3A_269 = arith.constant 0 : i32
      %dma_start3A_270 = arith.constant 0 : i32
      %dma_start3A_271 = tpu.memref_slice %arg6[%dma_start3A_269, %add3A_268, %dma_start3A_270] : memref<2x160x64xf32, #tpu.memory_space<vmem>> -> memref<1x1x64xf32, #tpu.memory_space<vmem>>
      %dma_start3A_272 = tpu.memref_squeeze %dma_start3A_271 : memref<1x1x64xf32, #tpu.memory_space<vmem>> -> memref<64xf32, #tpu.memory_space<vmem>>
      %dma_start3A_273 = arith.constant 0 : i32
      %dma_start3A_274 = tpu.memref_slice %arg3[%shift_right_arithmetic3A_262, %and3A_264, %dma_start3A_273] : memref<125000x8x64xf32, #tpu.memory_space<hbm>> -> memref<1x1x64xf32, #tpu.memory_space<hbm>>
      %dma_start3A_275 = tpu.memref_squeeze %dma_start3A_274 : memref<1x1x64xf32, #tpu.memory_space<hbm>> -> memref<64xf32, #tpu.memory_space<hbm>>
      %dma_start3A_276 = arith.constant 0 : i32
      %dma_start3A_277 = tpu.memref_slice %arg6[%dma_start3A_269, %add3A_268, %dma_start3A_276] : memref<2x160x64xf32, #tpu.memory_space<vmem>> -> memref<1x1x64xf32, #tpu.memory_space<vmem>>
      %dma_start3A_278 = tpu.memref_squeeze %dma_start3A_277 : memref<1x1x64xf32, #tpu.memory_space<vmem>> -> memref<64xf32, #tpu.memory_space<vmem>>
      %dma_start3A_279 = arith.constant 0 : i32
      %dma_start3A_280 = tpu.memref_slice %arg3[%shift_right_arithmetic3A_262, %and3A_264, %dma_start3A_279] : memref<125000x8x64xf32, #tpu.memory_space<hbm>> -> memref<1x1x64xf32, #tpu.memory_space<hbm>>
      %dma_start3A_281 = tpu.memref_squeeze %dma_start3A_280 : memref<1x1x64xf32, #tpu.memory_space<hbm>> -> memref<64xf32, #tpu.memory_space<hbm>>
      tpu.enqueue_dma source(%dma_start3A_281 : memref<64xf32, #tpu.memory_space<hbm>>) target(%dma_start3A_278 : memref<64xf32, #tpu.memory_space<vmem>>) target_semaphore(%arg8 : memref<!tpu.dma_semaphore, #tpu.memory_space<semaphore_mem>>)
      %slice3A_282 = vector.extract_strided_slice %get3A_56 {offsets = [10], sizes = [1], strides = [1]} : vector<16xi32> to vector<1xi32>
      %squeeze3A_283 = vector.extract %slice3A_282[0] : i32 from vector<1xi32>
      %shift_right_arithmetic3A_284 = arith.constant 3 : i32
      %shift_right_arithmetic3A_285 = arith.shrsi %squeeze3A_283, %shift_right_arithmetic3A_284 : i32
      %and3A_286 = arith.constant 7 : i32
      %and3A_287 = arith.andi %squeeze3A_283, %and3A_286 : i32
      %mul3A_288 = arith.constant 16 : i32
      %mul3A_289 = arith.muli %add3A_50, %mul3A_288 : i32
      %add3A_290 = arith.constant 10 : i32
      %add3A_291 = arith.addi %mul3A_289, %add3A_290 : i32
      %dma_start3A_292 = arith.constant 0 : i32
      %dma_start3A_293 = arith.constant 0 : i32
      %dma_start3A_294 = tpu.memref_slice %arg6[%dma_start3A_292, %add3A_291, %dma_start3A_293] : memref<2x160x64xf32, #tpu.memory_space<vmem>> -> memref<1x1x64xf32, #tpu.memory_space<vmem>>
      %dma_start3A_295 = tpu.memref_squeeze %dma_start3A_294 : memref<1x1x64xf32, #tpu.memory_space<vmem>> -> memref<64xf32, #tpu.memory_space<vmem>>
      %dma_start3A_296 = arith.constant 0 : i32
      %dma_start3A_297 = tpu.memref_slice %arg3[%shift_right_arithmetic3A_285, %and3A_287, %dma_start3A_296] : memref<125000x8x64xf32, #tpu.memory_space<hbm>> -> memref<1x1x64xf32, #tpu.memory_space<hbm>>
      %dma_start3A_298 = tpu.memref_squeeze %dma_start3A_297 : memref<1x1x64xf32, #tpu.memory_space<hbm>> -> memref<64xf32, #tpu.memory_space<hbm>>
      %dma_start3A_299 = arith.constant 0 : i32
      %dma_start3A_300 = tpu.memref_slice %arg6[%dma_start3A_292, %add3A_291, %dma_start3A_299] : memref<2x160x64xf32, #tpu.memory_space<vmem>> -> memref<1x1x64xf32, #tpu.memory_space<vmem>>
      %dma_start3A_301 = tpu.memref_squeeze %dma_start3A_300 : memref<1x1x64xf32, #tpu.memory_space<vmem>> -> memref<64xf32, #tpu.memory_space<vmem>>
      %dma_start3A_302 = arith.constant 0 : i32
      %dma_start3A_303 = tpu.memref_slice %arg3[%shift_right_arithmetic3A_285, %and3A_287, %dma_start3A_302] : memref<125000x8x64xf32, #tpu.memory_space<hbm>> -> memref<1x1x64xf32, #tpu.memory_space<hbm>>
      %dma_start3A_304 = tpu.memref_squeeze %dma_start3A_303 : memref<1x1x64xf32, #tpu.memory_space<hbm>> -> memref<64xf32, #tpu.memory_space<hbm>>
      tpu.enqueue_dma source(%dma_start3A_304 : memref<64xf32, #tpu.memory_space<hbm>>) target(%dma_start3A_301 : memref<64xf32, #tpu.memory_space<vmem>>) target_semaphore(%arg8 : memref<!tpu.dma_semaphore, #tpu.memory_space<semaphore_mem>>)
      %slice3A_305 = vector.extract_strided_slice %get3A_56 {offsets = [11], sizes = [1], strides = [1]} : vector<16xi32> to vector<1xi32>
      %squeeze3A_306 = vector.extract %slice3A_305[0] : i32 from vector<1xi32>
      %shift_right_arithmetic3A_307 = arith.constant 3 : i32
      %shift_right_arithmetic3A_308 = arith.shrsi %squeeze3A_306, %shift_right_arithmetic3A_307 : i32
      %and3A_309 = arith.constant 7 : i32
      %and3A_310 = arith.andi %squeeze3A_306, %and3A_309 : i32
      %mul3A_311 = arith.constant 16 : i32
      %mul3A_312 = arith.muli %add3A_50, %mul3A_311 : i32
      %add3A_313 = arith.constant 11 : i32
      %add3A_314 = arith.addi %mul3A_312, %add3A_313 : i32
      %dma_start3A_315 = arith.constant 0 : i32
      %dma_start3A_316 = arith.constant 0 : i32
      %dma_start3A_317 = tpu.memref_slice %arg6[%dma_start3A_315, %add3A_314, %dma_start3A_316] : memref<2x160x64xf32, #tpu.memory_space<vmem>> -> memref<1x1x64xf32, #tpu.memory_space<vmem>>
      %dma_start3A_318 = tpu.memref_squeeze %dma_start3A_317 : memref<1x1x64xf32, #tpu.memory_space<vmem>> -> memref<64xf32, #tpu.memory_space<vmem>>
      %dma_start3A_319 = arith.constant 0 : i32
      %dma_start3A_320 = tpu.memref_slice %arg3[%shift_right_arithmetic3A_308, %and3A_310, %dma_start3A_319] : memref<125000x8x64xf32, #tpu.memory_space<hbm>> -> memref<1x1x64xf32, #tpu.memory_space<hbm>>
      %dma_start3A_321 = tpu.memref_squeeze %dma_start3A_320 : memref<1x1x64xf32, #tpu.memory_space<hbm>> -> memref<64xf32, #tpu.memory_space<hbm>>
      %dma_start3A_322 = arith.constant 0 : i32
      %dma_start3A_323 = tpu.memref_slice %arg6[%dma_start3A_315, %add3A_314, %dma_start3A_322] : memref<2x160x64xf32, #tpu.memory_space<vmem>> -> memref<1x1x64xf32, #tpu.memory_space<vmem>>
      %dma_start3A_324 = tpu.memref_squeeze %dma_start3A_323 : memref<1x1x64xf32, #tpu.memory_space<vmem>> -> memref<64xf32, #tpu.memory_space<vmem>>
      %dma_start3A_325 = arith.constant 0 : i32
      %dma_start3A_326 = tpu.memref_slice %arg3[%shift_right_arithmetic3A_308, %and3A_310, %dma_start3A_325] : memref<125000x8x64xf32, #tpu.memory_space<hbm>> -> memref<1x1x64xf32, #tpu.memory_space<hbm>>
      %dma_start3A_327 = tpu.memref_squeeze %dma_start3A_326 : memref<1x1x64xf32, #tpu.memory_space<hbm>> -> memref<64xf32, #tpu.memory_space<hbm>>
      tpu.enqueue_dma source(%dma_start3A_327 : memref<64xf32, #tpu.memory_space<hbm>>) target(%dma_start3A_324 : memref<64xf32, #tpu.memory_space<vmem>>) target_semaphore(%arg8 : memref<!tpu.dma_semaphore, #tpu.memory_space<semaphore_mem>>)
      %slice3A_328 = vector.extract_strided_slice %get3A_56 {offsets = [12], sizes = [1], strides = [1]} : vector<16xi32> to vector<1xi32>
      %squeeze3A_329 = vector.extract %slice3A_328[0] : i32 from vector<1xi32>
      %shift_right_arithmetic3A_330 = arith.constant 3 : i32
      %shift_right_arithmetic3A_331 = arith.shrsi %squeeze3A_329, %shift_right_arithmetic3A_330 : i32
      %and3A_332 = arith.constant 7 : i32
      %and3A_333 = arith.andi %squeeze3A_329, %and3A_332 : i32
      %mul3A_334 = arith.constant 16 : i32
      %mul3A_335 = arith.muli %add3A_50, %mul3A_334 : i32
      %add3A_336 = arith.constant 12 : i32
      %add3A_337 = arith.addi %mul3A_335, %add3A_336 : i32
      %dma_start3A_338 = arith.constant 0 : i32
      %dma_start3A_339 = arith.constant 0 : i32
      %dma_start3A_340 = tpu.memref_slice %arg6[%dma_start3A_338, %add3A_337, %dma_start3A_339] : memref<2x160x64xf32, #tpu.memory_space<vmem>> -> memref<1x1x64xf32, #tpu.memory_space<vmem>>
      %dma_start3A_341 = tpu.memref_squeeze %dma_start3A_340 : memref<1x1x64xf32, #tpu.memory_space<vmem>> -> memref<64xf32, #tpu.memory_space<vmem>>
      %dma_start3A_342 = arith.constant 0 : i32
      %dma_start3A_343 = tpu.memref_slice %arg3[%shift_right_arithmetic3A_331, %and3A_333, %dma_start3A_342] : memref<125000x8x64xf32, #tpu.memory_space<hbm>> -> memref<1x1x64xf32, #tpu.memory_space<hbm>>
      %dma_start3A_344 = tpu.memref_squeeze %dma_start3A_343 : memref<1x1x64xf32, #tpu.memory_space<hbm>> -> memref<64xf32, #tpu.memory_space<hbm>>
      %dma_start3A_345 = arith.constant 0 : i32
      %dma_start3A_346 = tpu.memref_slice %arg6[%dma_start3A_338, %add3A_337, %dma_start3A_345] : memref<2x160x64xf32, #tpu.memory_space<vmem>> -> memref<1x1x64xf32, #tpu.memory_space<vmem>>
      %dma_start3A_347 = tpu.memref_squeeze %dma_start3A_346 : memref<1x1x64xf32, #tpu.memory_space<vmem>> -> memref<64xf32, #tpu.memory_space<vmem>>
      %dma_start3A_348 = arith.constant 0 : i32
      %dma_start3A_349 = tpu.memref_slice %arg3[%shift_right_arithmetic3A_331, %and3A_333, %dma_start3A_348] : memref<125000x8x64xf32, #tpu.memory_space<hbm>> -> memref<1x1x64xf32, #tpu.memory_space<hbm>>
      %dma_start3A_350 = tpu.memref_squeeze %dma_start3A_349 : memref<1x1x64xf32, #tpu.memory_space<hbm>> -> memref<64xf32, #tpu.memory_space<hbm>>
      tpu.enqueue_dma source(%dma_start3A_350 : memref<64xf32, #tpu.memory_space<hbm>>) target(%dma_start3A_347 : memref<64xf32, #tpu.memory_space<vmem>>) target_semaphore(%arg8 : memref<!tpu.dma_semaphore, #tpu.memory_space<semaphore_mem>>)
      %slice3A_351 = vector.extract_strided_slice %get3A_56 {offsets = [13], sizes = [1], strides = [1]} : vector<16xi32> to vector<1xi32>
      %squeeze3A_352 = vector.extract %slice3A_351[0] : i32 from vector<1xi32>
      %shift_right_arithmetic3A_353 = arith.constant 3 : i32
      %shift_right_arithmetic3A_354 = arith.shrsi %squeeze3A_352, %shift_right_arithmetic3A_353 : i32
      %and3A_355 = arith.constant 7 : i32
      %and3A_356 = arith.andi %squeeze3A_352, %and3A_355 : i32
      %mul3A_357 = arith.constant 16 : i32
      %mul3A_358 = arith.muli %add3A_50, %mul3A_357 : i32
      %add3A_359 = arith.constant 13 : i32
      %add3A_360 = arith.addi %mul3A_358, %add3A_359 : i32
      %dma_start3A_361 = arith.constant 0 : i32
      %dma_start3A_362 = arith.constant 0 : i32
      %dma_start3A_363 = tpu.memref_slice %arg6[%dma_start3A_361, %add3A_360, %dma_start3A_362] : memref<2x160x64xf32, #tpu.memory_space<vmem>> -> memref<1x1x64xf32, #tpu.memory_space<vmem>>
      %dma_start3A_364 = tpu.memref_squeeze %dma_start3A_363 : memref<1x1x64xf32, #tpu.memory_space<vmem>> -> memref<64xf32, #tpu.memory_space<vmem>>
      %dma_start3A_365 = arith.constant 0 : i32
      %dma_start3A_366 = tpu.memref_slice %arg3[%shift_right_arithmetic3A_354, %and3A_356, %dma_start3A_365] : memref<125000x8x64xf32, #tpu.memory_space<hbm>> -> memref<1x1x64xf32, #tpu.memory_space<hbm>>
      %dma_start3A_367 = tpu.memref_squeeze %dma_start3A_366 : memref<1x1x64xf32, #tpu.memory_space<hbm>> -> memref<64xf32, #tpu.memory_space<hbm>>
      %dma_start3A_368 = arith.constant 0 : i32
      %dma_start3A_369 = tpu.memref_slice %arg6[%dma_start3A_361, %add3A_360, %dma_start3A_368] : memref<2x160x64xf32, #tpu.memory_space<vmem>> -> memref<1x1x64xf32, #tpu.memory_space<vmem>>
      %dma_start3A_370 = tpu.memref_squeeze %dma_start3A_369 : memref<1x1x64xf32, #tpu.memory_space<vmem>> -> memref<64xf32, #tpu.memory_space<vmem>>
      %dma_start3A_371 = arith.constant 0 : i32
      %dma_start3A_372 = tpu.memref_slice %arg3[%shift_right_arithmetic3A_354, %and3A_356, %dma_start3A_371] : memref<125000x8x64xf32, #tpu.memory_space<hbm>> -> memref<1x1x64xf32, #tpu.memory_space<hbm>>
      %dma_start3A_373 = tpu.memref_squeeze %dma_start3A_372 : memref<1x1x64xf32, #tpu.memory_space<hbm>> -> memref<64xf32, #tpu.memory_space<hbm>>
      tpu.enqueue_dma source(%dma_start3A_373 : memref<64xf32, #tpu.memory_space<hbm>>) target(%dma_start3A_370 : memref<64xf32, #tpu.memory_space<vmem>>) target_semaphore(%arg8 : memref<!tpu.dma_semaphore, #tpu.memory_space<semaphore_mem>>)
      %slice3A_374 = vector.extract_strided_slice %get3A_56 {offsets = [14], sizes = [1], strides = [1]} : vector<16xi32> to vector<1xi32>
      %squeeze3A_375 = vector.extract %slice3A_374[0] : i32 from vector<1xi32>
      %shift_right_arithmetic3A_376 = arith.constant 3 : i32
      %shift_right_arithmetic3A_377 = arith.shrsi %squeeze3A_375, %shift_right_arithmetic3A_376 : i32
      %and3A_378 = arith.constant 7 : i32
      %and3A_379 = arith.andi %squeeze3A_375, %and3A_378 : i32
      %mul3A_380 = arith.constant 16 : i32
      %mul3A_381 = arith.muli %add3A_50, %mul3A_380 : i32
      %add3A_382 = arith.constant 14 : i32
      %add3A_383 = arith.addi %mul3A_381, %add3A_382 : i32
      %dma_start3A_384 = arith.constant 0 : i32
      %dma_start3A_385 = arith.constant 0 : i32
      %dma_start3A_386 = tpu.memref_slice %arg6[%dma_start3A_384, %add3A_383, %dma_start3A_385] : memref<2x160x64xf32, #tpu.memory_space<vmem>> -> memref<1x1x64xf32, #tpu.memory_space<vmem>>
      %dma_start3A_387 = tpu.memref_squeeze %dma_start3A_386 : memref<1x1x64xf32, #tpu.memory_space<vmem>> -> memref<64xf32, #tpu.memory_space<vmem>>
      %dma_start3A_388 = arith.constant 0 : i32
      %dma_start3A_389 = tpu.memref_slice %arg3[%shift_right_arithmetic3A_377, %and3A_379, %dma_start3A_388] : memref<125000x8x64xf32, #tpu.memory_space<hbm>> -> memref<1x1x64xf32, #tpu.memory_space<hbm>>
      %dma_start3A_390 = tpu.memref_squeeze %dma_start3A_389 : memref<1x1x64xf32, #tpu.memory_space<hbm>> -> memref<64xf32, #tpu.memory_space<hbm>>
      %dma_start3A_391 = arith.constant 0 : i32
      %dma_start3A_392 = tpu.memref_slice %arg6[%dma_start3A_384, %add3A_383, %dma_start3A_391] : memref<2x160x64xf32, #tpu.memory_space<vmem>> -> memref<1x1x64xf32, #tpu.memory_space<vmem>>
      %dma_start3A_393 = tpu.memref_squeeze %dma_start3A_392 : memref<1x1x64xf32, #tpu.memory_space<vmem>> -> memref<64xf32, #tpu.memory_space<vmem>>
      %dma_start3A_394 = arith.constant 0 : i32
      %dma_start3A_395 = tpu.memref_slice %arg3[%shift_right_arithmetic3A_377, %and3A_379, %dma_start3A_394] : memref<125000x8x64xf32, #tpu.memory_space<hbm>> -> memref<1x1x64xf32, #tpu.memory_space<hbm>>
      %dma_start3A_396 = tpu.memref_squeeze %dma_start3A_395 : memref<1x1x64xf32, #tpu.memory_space<hbm>> -> memref<64xf32, #tpu.memory_space<hbm>>
      tpu.enqueue_dma source(%dma_start3A_396 : memref<64xf32, #tpu.memory_space<hbm>>) target(%dma_start3A_393 : memref<64xf32, #tpu.memory_space<vmem>>) target_semaphore(%arg8 : memref<!tpu.dma_semaphore, #tpu.memory_space<semaphore_mem>>)
      %slice3A_397 = vector.extract_strided_slice %get3A_56 {offsets = [15], sizes = [1], strides = [1]} : vector<16xi32> to vector<1xi32>
      %squeeze3A_398 = vector.extract %slice3A_397[0] : i32 from vector<1xi32>
      %shift_right_arithmetic3A_399 = arith.constant 3 : i32
      %shift_right_arithmetic3A_400 = arith.shrsi %squeeze3A_398, %shift_right_arithmetic3A_399 : i32
      %and3A_401 = arith.constant 7 : i32
      %and3A_402 = arith.andi %squeeze3A_398, %and3A_401 : i32
      %mul3A_403 = arith.constant 16 : i32
      %mul3A_404 = arith.muli %add3A_50, %mul3A_403 : i32
      %add3A_405 = arith.constant 15 : i32
      %add3A_406 = arith.addi %mul3A_404, %add3A_405 : i32
      %dma_start3A_407 = arith.constant 0 : i32
      %dma_start3A_408 = arith.constant 0 : i32
      %dma_start3A_409 = tpu.memref_slice %arg6[%dma_start3A_407, %add3A_406, %dma_start3A_408] : memref<2x160x64xf32, #tpu.memory_space<vmem>> -> memref<1x1x64xf32, #tpu.memory_space<vmem>>
      %dma_start3A_410 = tpu.memref_squeeze %dma_start3A_409 : memref<1x1x64xf32, #tpu.memory_space<vmem>> -> memref<64xf32, #tpu.memory_space<vmem>>
      %dma_start3A_411 = arith.constant 0 : i32
      %dma_start3A_412 = tpu.memref_slice %arg3[%shift_right_arithmetic3A_400, %and3A_402, %dma_start3A_411] : memref<125000x8x64xf32, #tpu.memory_space<hbm>> -> memref<1x1x64xf32, #tpu.memory_space<hbm>>
      %dma_start3A_413 = tpu.memref_squeeze %dma_start3A_412 : memref<1x1x64xf32, #tpu.memory_space<hbm>> -> memref<64xf32, #tpu.memory_space<hbm>>
      %dma_start3A_414 = arith.constant 0 : i32
      %dma_start3A_415 = tpu.memref_slice %arg6[%dma_start3A_407, %add3A_406, %dma_start3A_414] : memref<2x160x64xf32, #tpu.memory_space<vmem>> -> memref<1x1x64xf32, #tpu.memory_space<vmem>>
      %dma_start3A_416 = tpu.memref_squeeze %dma_start3A_415 : memref<1x1x64xf32, #tpu.memory_space<vmem>> -> memref<64xf32, #tpu.memory_space<vmem>>
      %dma_start3A_417 = arith.constant 0 : i32
      %dma_start3A_418 = tpu.memref_slice %arg3[%shift_right_arithmetic3A_400, %and3A_402, %dma_start3A_417] : memref<125000x8x64xf32, #tpu.memory_space<hbm>> -> memref<1x1x64xf32, #tpu.memory_space<hbm>>
      %dma_start3A_419 = tpu.memref_squeeze %dma_start3A_418 : memref<1x1x64xf32, #tpu.memory_space<hbm>> -> memref<64xf32, #tpu.memory_space<hbm>>
      tpu.enqueue_dma source(%dma_start3A_419 : memref<64xf32, #tpu.memory_space<hbm>>) target(%dma_start3A_416 : memref<64xf32, #tpu.memory_space<vmem>>) target_semaphore(%arg8 : memref<!tpu.dma_semaphore, #tpu.memory_space<semaphore_mem>>)
    }
    %scan3A_6 = arith.constant 10 : i32
    %scan3A_7 = arith.constant 0 : i32
    %scan3A_8 = arith.constant 10 : i32
    %scan3A_9 = arith.addi %scan3A_7, %scan3A_8 : i32
    %scan3A_10 = arith.constant 1 : i32
    scf.for %scan3A_46 = %scan3A_7 to %scan3A_9 step %scan3A_10  : i32 {
      %mul3A_47 = arith.constant 1 : i32
      %mul3A_48 = arith.muli %scan3A_46, %mul3A_47 : i32
      %add3A_49 = arith.constant 0 : i32
      %add3A_50 = arith.addi %add3A_49, %mul3A_48 : i32
      %mul3A_51 = arith.constant 16 : i32
      %mul3A_52 = arith.muli %add3A_50, %mul3A_51 : i32
      %add3A_53 = arith.constant 160 : i32
      %add3A_54 = arith.addi %add3A_53, %mul3A_52 : i32
      %get3A = arith.index_cast %add3A_54 : i32 to index
      %get3A_55 = tpu.vector_load %arg5[%get3A] {strides = array<i32>} : memref<6416xi32, #tpu.memory_space<vmem>>, vector<16xi32>,
      %get3A_56 = vector.shape_cast %get3A_55 : vector<16xi32> to vector<16xi32>
      %slice3A = vector.extract_strided_slice %get3A_56 {offsets = [0], sizes = [1], strides = [1]} : vector<16xi32> to vector<1xi32>
      %squeeze3A = vector.extract %slice3A[0] : i32 from vector<1xi32>
      %shift_right_arithmetic3A = arith.constant 3 : i32
      %shift_right_arithmetic3A_57 = arith.shrsi %squeeze3A, %shift_right_arithmetic3A : i32
      %and3A = arith.constant 7 : i32
      %and3A_58 = arith.andi %squeeze3A, %and3A : i32
      %mul3A_59 = arith.constant 16 : i32
      %mul3A_60 = arith.muli %add3A_50, %mul3A_59 : i32
      %add3A_61 = arith.constant 0 : i32
      %add3A_62 = arith.addi %mul3A_60, %add3A_61 : i32
      %dma_start3A = arith.constant 1 : i32
      %dma_start3A_63 = arith.constant 0 : i32
      %dma_start3A_64 = tpu.memref_slice %arg6[%dma_start3A, %add3A_62, %dma_start3A_63] : memref<2x160x64xf32, #tpu.memory_space<vmem>> -> memref<1x1x64xf32, #tpu.memory_space<vmem>>
      %dma_start3A_65 = tpu.memref_squeeze %dma_start3A_64 : memref<1x1x64xf32, #tpu.memory_space<vmem>> -> memref<64xf32, #tpu.memory_space<vmem>>
      %dma_start3A_66 = arith.constant 0 : i32
      %dma_start3A_67 = tpu.memref_slice %arg3[%shift_right_arithmetic3A_57, %and3A_58, %dma_start3A_66] : memref<125000x8x64xf32, #tpu.memory_space<hbm>> -> memref<1x1x64xf32, #tpu.memory_space<hbm>>
      %dma_start3A_68 = tpu.memref_squeeze %dma_start3A_67 : memref<1x1x64xf32, #tpu.memory_space<hbm>> -> memref<64xf32, #tpu.memory_space<hbm>>
      %dma_start3A_69 = arith.constant 0 : i32
      %dma_start3A_70 = tpu.memref_slice %arg6[%dma_start3A, %add3A_62, %dma_start3A_69] : memref<2x160x64xf32, #tpu.memory_space<vmem>> -> memref<1x1x64xf32, #tpu.memory_space<vmem>>
      %dma_start3A_71 = tpu.memref_squeeze %dma_start3A_70 : memref<1x1x64xf32, #tpu.memory_space<vmem>> -> memref<64xf32, #tpu.memory_space<vmem>>
      %dma_start3A_72 = arith.constant 0 : i32
      %dma_start3A_73 = tpu.memref_slice %arg3[%shift_right_arithmetic3A_57, %and3A_58, %dma_start3A_72] : memref<125000x8x64xf32, #tpu.memory_space<hbm>> -> memref<1x1x64xf32, #tpu.memory_space<hbm>>
      %dma_start3A_74 = tpu.memref_squeeze %dma_start3A_73 : memref<1x1x64xf32, #tpu.memory_space<hbm>> -> memref<64xf32, #tpu.memory_space<hbm>>
      tpu.enqueue_dma source(%dma_start3A_74 : memref<64xf32, #tpu.memory_space<hbm>>) target(%dma_start3A_71 : memref<64xf32, #tpu.memory_space<vmem>>) target_semaphore(%arg9 : memref<!tpu.dma_semaphore, #tpu.memory_space<semaphore_mem>>)
      %slice3A_75 = vector.extract_strided_slice %get3A_56 {offsets = [1], sizes = [1], strides = [1]} : vector<16xi32> to vector<1xi32>
      %squeeze3A_76 = vector.extract %slice3A_75[0] : i32 from vector<1xi32>
      %shift_right_arithmetic3A_77 = arith.constant 3 : i32
      %shift_right_arithmetic3A_78 = arith.shrsi %squeeze3A_76, %shift_right_arithmetic3A_77 : i32
      %and3A_79 = arith.constant 7 : i32
      %and3A_80 = arith.andi %squeeze3A_76, %and3A_79 : i32
      %mul3A_81 = arith.constant 16 : i32
      %mul3A_82 = arith.muli %add3A_50, %mul3A_81 : i32
      %add3A_83 = arith.constant 1 : i32
      %add3A_84 = arith.addi %mul3A_82, %add3A_83 : i32
      %dma_start3A_85 = arith.constant 1 : i32
      %dma_start3A_86 = arith.constant 0 : i32
      %dma_start3A_87 = tpu.memref_slice %arg6[%dma_start3A_85, %add3A_84, %dma_start3A_86] : memref<2x160x64xf32, #tpu.memory_space<vmem>> -> memref<1x1x64xf32, #tpu.memory_space<vmem>>
      %dma_start3A_88 = tpu.memref_squeeze %dma_start3A_87 : memref<1x1x64xf32, #tpu.memory_space<vmem>> -> memref<64xf32, #tpu.memory_space<vmem>>
      %dma_start3A_89 = arith.constant 0 : i32
      %dma_start3A_90 = tpu.memref_slice %arg3[%shift_right_arithmetic3A_78, %and3A_80, %dma_start3A_89] : memref<125000x8x64xf32, #tpu.memory_space<hbm>> -> memref<1x1x64xf32, #tpu.memory_space<hbm>>
      %dma_start3A_91 = tpu.memref_squeeze %dma_start3A_90 : memref<1x1x64xf32, #tpu.memory_space<hbm>> -> memref<64xf32, #tpu.memory_space<hbm>>
      %dma_start3A_92 = arith.constant 0 : i32
      %dma_start3A_93 = tpu.memref_slice %arg6[%dma_start3A_85, %add3A_84, %dma_start3A_92] : memref<2x160x64xf32, #tpu.memory_space<vmem>> -> memref<1x1x64xf32, #tpu.memory_space<vmem>>
      %dma_start3A_94 = tpu.memref_squeeze %dma_start3A_93 : memref<1x1x64xf32, #tpu.memory_space<vmem>> -> memref<64xf32, #tpu.memory_space<vmem>>
      %dma_start3A_95 = arith.constant 0 : i32
      %dma_start3A_96 = tpu.memref_slice %arg3[%shift_right_arithmetic3A_78, %and3A_80, %dma_start3A_95] : memref<125000x8x64xf32, #tpu.memory_space<hbm>> -> memref<1x1x64xf32, #tpu.memory_space<hbm>>
      %dma_start3A_97 = tpu.memref_squeeze %dma_start3A_96 : memref<1x1x64xf32, #tpu.memory_space<hbm>> -> memref<64xf32, #tpu.memory_space<hbm>>
      tpu.enqueue_dma source(%dma_start3A_97 : memref<64xf32, #tpu.memory_space<hbm>>) target(%dma_start3A_94 : memref<64xf32, #tpu.memory_space<vmem>>) target_semaphore(%arg9 : memref<!tpu.dma_semaphore, #tpu.memory_space<semaphore_mem>>)
      %slice3A_98 = vector.extract_strided_slice %get3A_56 {offsets = [2], sizes = [1], strides = [1]} : vector<16xi32> to vector<1xi32>
      %squeeze3A_99 = vector.extract %slice3A_98[0] : i32 from vector<1xi32>
      %shift_right_arithmetic3A_100 = arith.constant 3 : i32
      %shift_right_arithmetic3A_101 = arith.shrsi %squeeze3A_99, %shift_right_arithmetic3A_100 : i32
      %and3A_102 = arith.constant 7 : i32
      %and3A_103 = arith.andi %squeeze3A_99, %and3A_102 : i32
      %mul3A_104 = arith.constant 16 : i32
      %mul3A_105 = arith.muli %add3A_50, %mul3A_104 : i32
      %add3A_106 = arith.constant 2 : i32
      %add3A_107 = arith.addi %mul3A_105, %add3A_106 : i32
      %dma_start3A_108 = arith.constant 1 : i32
      %dma_start3A_109 = arith.constant 0 : i32
      %dma_start3A_110 = tpu.memref_slice %arg6[%dma_start3A_108, %add3A_107, %dma_start3A_109] : memref<2x160x64xf32, #tpu.memory_space<vmem>> -> memref<1x1x64xf32, #tpu.memory_space<vmem>>
      %dma_start3A_111 = tpu.memref_squeeze %dma_start3A_110 : memref<1x1x64xf32, #tpu.memory_space<vmem>> -> memref<64xf32, #tpu.memory_space<vmem>>
      %dma_start3A_112 = arith.constant 0 : i32
      %dma_start3A_113 = tpu.memref_slice %arg3[%shift_right_arithmetic3A_101, %and3A_103, %dma_start3A_112] : memref<125000x8x64xf32, #tpu.memory_space<hbm>> -> memref<1x1x64xf32, #tpu.memory_space<hbm>>
      %dma_start3A_114 = tpu.memref_squeeze %dma_start3A_113 : memref<1x1x64xf32, #tpu.memory_space<hbm>> -> memref<64xf32, #tpu.memory_space<hbm>>
      %dma_start3A_115 = arith.constant 0 : i32
      %dma_start3A_116 = tpu.memref_slice %arg6[%dma_start3A_108, %add3A_107, %dma_start3A_115] : memref<2x160x64xf32, #tpu.memory_space<vmem>> -> memref<1x1x64xf32, #tpu.memory_space<vmem>>
      %dma_start3A_117 = tpu.memref_squeeze %dma_start3A_116 : memref<1x1x64xf32, #tpu.memory_space<vmem>> -> memref<64xf32, #tpu.memory_space<vmem>>
      %dma_start3A_118 = arith.constant 0 : i32
      %dma_start3A_119 = tpu.memref_slice %arg3[%shift_right_arithmetic3A_101, %and3A_103, %dma_start3A_118] : memref<125000x8x64xf32, #tpu.memory_space<hbm>> -> memref<1x1x64xf32, #tpu.memory_space<hbm>>
      %dma_start3A_120 = tpu.memref_squeeze %dma_start3A_119 : memref<1x1x64xf32, #tpu.memory_space<hbm>> -> memref<64xf32, #tpu.memory_space<hbm>>
      tpu.enqueue_dma source(%dma_start3A_120 : memref<64xf32, #tpu.memory_space<hbm>>) target(%dma_start3A_117 : memref<64xf32, #tpu.memory_space<vmem>>) target_semaphore(%arg9 : memref<!tpu.dma_semaphore, #tpu.memory_space<semaphore_mem>>)
      %slice3A_121 = vector.extract_strided_slice %get3A_56 {offsets = [3], sizes = [1], strides = [1]} : vector<16xi32> to vector<1xi32>
      %squeeze3A_122 = vector.extract %slice3A_121[0] : i32 from vector<1xi32>
      %shift_right_arithmetic3A_123 = arith.constant 3 : i32
      %shift_right_arithmetic3A_124 = arith.shrsi %squeeze3A_122, %shift_right_arithmetic3A_123 : i32
      %and3A_125 = arith.constant 7 : i32
      %and3A_126 = arith.andi %squeeze3A_122, %and3A_125 : i32
      %mul3A_127 = arith.constant 16 : i32
      %mul3A_128 = arith.muli %add3A_50, %mul3A_127 : i32
      %add3A_129 = arith.constant 3 : i32
      %add3A_130 = arith.addi %mul3A_128, %add3A_129 : i32
      %dma_start3A_131 = arith.constant 1 : i32
      %dma_start3A_132 = arith.constant 0 : i32
      %dma_start3A_133 = tpu.memref_slice %arg6[%dma_start3A_131, %add3A_130, %dma_start3A_132] : memref<2x160x64xf32, #tpu.memory_space<vmem>> -> memref<1x1x64xf32, #tpu.memory_space<vmem>>
      %dma_start3A_134 = tpu.memref_squeeze %dma_start3A_133 : memref<1x1x64xf32, #tpu.memory_space<vmem>> -> memref<64xf32, #tpu.memory_space<vmem>>
      %dma_start3A_135 = arith.constant 0 : i32
      %dma_start3A_136 = tpu.memref_slice %arg3[%shift_right_arithmetic3A_124, %and3A_126, %dma_start3A_135] : memref<125000x8x64xf32, #tpu.memory_space<hbm>> -> memref<1x1x64xf32, #tpu.memory_space<hbm>>
      %dma_start3A_137 = tpu.memref_squeeze %dma_start3A_136 : memref<1x1x64xf32, #tpu.memory_space<hbm>> -> memref<64xf32, #tpu.memory_space<hbm>>
      %dma_start3A_138 = arith.constant 0 : i32
      %dma_start3A_139 = tpu.memref_slice %arg6[%dma_start3A_131, %add3A_130, %dma_start3A_138] : memref<2x160x64xf32, #tpu.memory_space<vmem>> -> memref<1x1x64xf32, #tpu.memory_space<vmem>>
      %dma_start3A_140 = tpu.memref_squeeze %dma_start3A_139 : memref<1x1x64xf32, #tpu.memory_space<vmem>> -> memref<64xf32, #tpu.memory_space<vmem>>
      %dma_start3A_141 = arith.constant 0 : i32
      %dma_start3A_142 = tpu.memref_slice %arg3[%shift_right_arithmetic3A_124, %and3A_126, %dma_start3A_141] : memref<125000x8x64xf32, #tpu.memory_space<hbm>> -> memref<1x1x64xf32, #tpu.memory_space<hbm>>
      %dma_start3A_143 = tpu.memref_squeeze %dma_start3A_142 : memref<1x1x64xf32, #tpu.memory_space<hbm>> -> memref<64xf32, #tpu.memory_space<hbm>>
      tpu.enqueue_dma source(%dma_start3A_143 : memref<64xf32, #tpu.memory_space<hbm>>) target(%dma_start3A_140 : memref<64xf32, #tpu.memory_space<vmem>>) target_semaphore(%arg9 : memref<!tpu.dma_semaphore, #tpu.memory_space<semaphore_mem>>)
      %slice3A_144 = vector.extract_strided_slice %get3A_56 {offsets = [4], sizes = [1], strides = [1]} : vector<16xi32> to vector<1xi32>
      %squeeze3A_145 = vector.extract %slice3A_144[0] : i32 from vector<1xi32>
      %shift_right_arithmetic3A_146 = arith.constant 3 : i32
      %shift_right_arithmetic3A_147 = arith.shrsi %squeeze3A_145, %shift_right_arithmetic3A_146 : i32
      %and3A_148 = arith.constant 7 : i32
      %and3A_149 = arith.andi %squeeze3A_145, %and3A_148 : i32
      %mul3A_150 = arith.constant 16 : i32
      %mul3A_151 = arith.muli %add3A_50, %mul3A_150 : i32
      %add3A_152 = arith.constant 4 : i32
      %add3A_153 = arith.addi %mul3A_151, %add3A_152 : i32
      %dma_start3A_154 = arith.constant 1 : i32
      %dma_start3A_155 = arith.constant 0 : i32
      %dma_start3A_156 = tpu.memref_slice %arg6[%dma_start3A_154, %add3A_153, %dma_start3A_155] : memref<2x160x64xf32, #tpu.memory_space<vmem>> -> memref<1x1x64xf32, #tpu.memory_space<vmem>>
      %dma_start3A_157 = tpu.memref_squeeze %dma_start3A_156 : memref<1x1x64xf32, #tpu.memory_space<vmem>> -> memref<64xf32, #tpu.memory_space<vmem>>
      %dma_start3A_158 = arith.constant 0 : i32
      %dma_start3A_159 = tpu.memref_slice %arg3[%shift_right_arithmetic3A_147, %and3A_149, %dma_start3A_158] : memref<125000x8x64xf32, #tpu.memory_space<hbm>> -> memref<1x1x64xf32, #tpu.memory_space<hbm>>
      %dma_start3A_160 = tpu.memref_squeeze %dma_start3A_159 : memref<1x1x64xf32, #tpu.memory_space<hbm>> -> memref<64xf32, #tpu.memory_space<hbm>>
      %dma_start3A_161 = arith.constant 0 : i32
      %dma_start3A_162 = tpu.memref_slice %arg6[%dma_start3A_154, %add3A_153, %dma_start3A_161] : memref<2x160x64xf32, #tpu.memory_space<vmem>> -> memref<1x1x64xf32, #tpu.memory_space<vmem>>
      %dma_start3A_163 = tpu.memref_squeeze %dma_start3A_162 : memref<1x1x64xf32, #tpu.memory_space<vmem>> -> memref<64xf32, #tpu.memory_space<vmem>>
      %dma_start3A_164 = arith.constant 0 : i32
      %dma_start3A_165 = tpu.memref_slice %arg3[%shift_right_arithmetic3A_147, %and3A_149, %dma_start3A_164] : memref<125000x8x64xf32, #tpu.memory_space<hbm>> -> memref<1x1x64xf32, #tpu.memory_space<hbm>>
      %dma_start3A_166 = tpu.memref_squeeze %dma_start3A_165 : memref<1x1x64xf32, #tpu.memory_space<hbm>> -> memref<64xf32, #tpu.memory_space<hbm>>
      tpu.enqueue_dma source(%dma_start3A_166 : memref<64xf32, #tpu.memory_space<hbm>>) target(%dma_start3A_163 : memref<64xf32, #tpu.memory_space<vmem>>) target_semaphore(%arg9 : memref<!tpu.dma_semaphore, #tpu.memory_space<semaphore_mem>>)
      %slice3A_167 = vector.extract_strided_slice %get3A_56 {offsets = [5], sizes = [1], strides = [1]} : vector<16xi32> to vector<1xi32>
      %squeeze3A_168 = vector.extract %slice3A_167[0] : i32 from vector<1xi32>
      %shift_right_arithmetic3A_169 = arith.constant 3 : i32
      %shift_right_arithmetic3A_170 = arith.shrsi %squeeze3A_168, %shift_right_arithmetic3A_169 : i32
      %and3A_171 = arith.constant 7 : i32
      %and3A_172 = arith.andi %squeeze3A_168, %and3A_171 : i32
      %mul3A_173 = arith.constant 16 : i32
      %mul3A_174 = arith.muli %add3A_50, %mul3A_173 : i32
      %add3A_175 = arith.constant 5 : i32
      %add3A_176 = arith.addi %mul3A_174, %add3A_175 : i32
      %dma_start3A_177 = arith.constant 1 : i32
      %dma_start3A_178 = arith.constant 0 : i32
      %dma_start3A_179 = tpu.memref_slice %arg6[%dma_start3A_177, %add3A_176, %dma_start3A_178] : memref<2x160x64xf32, #tpu.memory_space<vmem>> -> memref<1x1x64xf32, #tpu.memory_space<vmem>>
      %dma_start3A_180 = tpu.memref_squeeze %dma_start3A_179 : memref<1x1x64xf32, #tpu.memory_space<vmem>> -> memref<64xf32, #tpu.memory_space<vmem>>
      %dma_start3A_181 = arith.constant 0 : i32
      %dma_start3A_182 = tpu.memref_slice %arg3[%shift_right_arithmetic3A_170, %and3A_172, %dma_start3A_181] : memref<125000x8x64xf32, #tpu.memory_space<hbm>> -> memref<1x1x64xf32, #tpu.memory_space<hbm>>
      %dma_start3A_183 = tpu.memref_squeeze %dma_start3A_182 : memref<1x1x64xf32, #tpu.memory_space<hbm>> -> memref<64xf32, #tpu.memory_space<hbm>>
      %dma_start3A_184 = arith.constant 0 : i32
      %dma_start3A_185 = tpu.memref_slice %arg6[%dma_start3A_177, %add3A_176, %dma_start3A_184] : memref<2x160x64xf32, #tpu.memory_space<vmem>> -> memref<1x1x64xf32, #tpu.memory_space<vmem>>
      %dma_start3A_186 = tpu.memref_squeeze %dma_start3A_185 : memref<1x1x64xf32, #tpu.memory_space<vmem>> -> memref<64xf32, #tpu.memory_space<vmem>>
      %dma_start3A_187 = arith.constant 0 : i32
      %dma_start3A_188 = tpu.memref_slice %arg3[%shift_right_arithmetic3A_170, %and3A_172, %dma_start3A_187] : memref<125000x8x64xf32, #tpu.memory_space<hbm>> -> memref<1x1x64xf32, #tpu.memory_space<hbm>>
      %dma_start3A_189 = tpu.memref_squeeze %dma_start3A_188 : memref<1x1x64xf32, #tpu.memory_space<hbm>> -> memref<64xf32, #tpu.memory_space<hbm>>
      tpu.enqueue_dma source(%dma_start3A_189 : memref<64xf32, #tpu.memory_space<hbm>>) target(%dma_start3A_186 : memref<64xf32, #tpu.memory_space<vmem>>) target_semaphore(%arg9 : memref<!tpu.dma_semaphore, #tpu.memory_space<semaphore_mem>>)
      %slice3A_190 = vector.extract_strided_slice %get3A_56 {offsets = [6], sizes = [1], strides = [1]} : vector<16xi32> to vector<1xi32>
      %squeeze3A_191 = vector.extract %slice3A_190[0] : i32 from vector<1xi32>
      %shift_right_arithmetic3A_192 = arith.constant 3 : i32
      %shift_right_arithmetic3A_193 = arith.shrsi %squeeze3A_191, %shift_right_arithmetic3A_192 : i32
      %and3A_194 = arith.constant 7 : i32
      %and3A_195 = arith.andi %squeeze3A_191, %and3A_194 : i32
      %mul3A_196 = arith.constant 16 : i32
      %mul3A_197 = arith.muli %add3A_50, %mul3A_196 : i32
      %add3A_198 = arith.constant 6 : i32
      %add3A_199 = arith.addi %mul3A_197, %add3A_198 : i32
      %dma_start3A_200 = arith.constant 1 : i32
      %dma_start3A_201 = arith.constant 0 : i32
      %dma_start3A_202 = tpu.memref_slice %arg6[%dma_start3A_200, %add3A_199, %dma_start3A_201] : memref<2x160x64xf32, #tpu.memory_space<vmem>> -> memref<1x1x64xf32, #tpu.memory_space<vmem>>
      %dma_start3A_203 = tpu.memref_squeeze %dma_start3A_202 : memref<1x1x64xf32, #tpu.memory_space<vmem>> -> memref<64xf32, #tpu.memory_space<vmem>>
      %dma_start3A_204 = arith.constant 0 : i32
      %dma_start3A_205 = tpu.memref_slice %arg3[%shift_right_arithmetic3A_193, %and3A_195, %dma_start3A_204] : memref<125000x8x64xf32, #tpu.memory_space<hbm>> -> memref<1x1x64xf32, #tpu.memory_space<hbm>>
      %dma_start3A_206 = tpu.memref_squeeze %dma_start3A_205 : memref<1x1x64xf32, #tpu.memory_space<hbm>> -> memref<64xf32, #tpu.memory_space<hbm>>
      %dma_start3A_207 = arith.constant 0 : i32
      %dma_start3A_208 = tpu.memref_slice %arg6[%dma_start3A_200, %add3A_199, %dma_start3A_207] : memref<2x160x64xf32, #tpu.memory_space<vmem>> -> memref<1x1x64xf32, #tpu.memory_space<vmem>>
      %dma_start3A_209 = tpu.memref_squeeze %dma_start3A_208 : memref<1x1x64xf32, #tpu.memory_space<vmem>> -> memref<64xf32, #tpu.memory_space<vmem>>
      %dma_start3A_210 = arith.constant 0 : i32
      %dma_start3A_211 = tpu.memref_slice %arg3[%shift_right_arithmetic3A_193, %and3A_195, %dma_start3A_210] : memref<125000x8x64xf32, #tpu.memory_space<hbm>> -> memref<1x1x64xf32, #tpu.memory_space<hbm>>
      %dma_start3A_212 = tpu.memref_squeeze %dma_start3A_211 : memref<1x1x64xf32, #tpu.memory_space<hbm>> -> memref<64xf32, #tpu.memory_space<hbm>>
      tpu.enqueue_dma source(%dma_start3A_212 : memref<64xf32, #tpu.memory_space<hbm>>) target(%dma_start3A_209 : memref<64xf32, #tpu.memory_space<vmem>>) target_semaphore(%arg9 : memref<!tpu.dma_semaphore, #tpu.memory_space<semaphore_mem>>)
      %slice3A_213 = vector.extract_strided_slice %get3A_56 {offsets = [7], sizes = [1], strides = [1]} : vector<16xi32> to vector<1xi32>
      %squeeze3A_214 = vector.extract %slice3A_213[0] : i32 from vector<1xi32>
      %shift_right_arithmetic3A_215 = arith.constant 3 : i32
      %shift_right_arithmetic3A_216 = arith.shrsi %squeeze3A_214, %shift_right_arithmetic3A_215 : i32
      %and3A_217 = arith.constant 7 : i32
      %and3A_218 = arith.andi %squeeze3A_214, %and3A_217 : i32
      %mul3A_219 = arith.constant 16 : i32
      %mul3A_220 = arith.muli %add3A_50, %mul3A_219 : i32
      %add3A_221 = arith.constant 7 : i32
      %add3A_222 = arith.addi %mul3A_220, %add3A_221 : i32
      %dma_start3A_223 = arith.constant 1 : i32
      %dma_start3A_224 = arith.constant 0 : i32
      %dma_start3A_225 = tpu.memref_slice %arg6[%dma_start3A_223, %add3A_222, %dma_start3A_224] : memref<2x160x64xf32, #tpu.memory_space<vmem>> -> memref<1x1x64xf32, #tpu.memory_space<vmem>>
      %dma_start3A_226 = tpu.memref_squeeze %dma_start3A_225 : memref<1x1x64xf32, #tpu.memory_space<vmem>> -> memref<64xf32, #tpu.memory_space<vmem>>
      %dma_start3A_227 = arith.constant 0 : i32
      %dma_start3A_228 = tpu.memref_slice %arg3[%shift_right_arithmetic3A_216, %and3A_218, %dma_start3A_227] : memref<125000x8x64xf32, #tpu.memory_space<hbm>> -> memref<1x1x64xf32, #tpu.memory_space<hbm>>
      %dma_start3A_229 = tpu.memref_squeeze %dma_start3A_228 : memref<1x1x64xf32, #tpu.memory_space<hbm>> -> memref<64xf32, #tpu.memory_space<hbm>>
      %dma_start3A_230 = arith.constant 0 : i32
      %dma_start3A_231 = tpu.memref_slice %arg6[%dma_start3A_223, %add3A_222, %dma_start3A_230] : memref<2x160x64xf32, #tpu.memory_space<vmem>> -> memref<1x1x64xf32, #tpu.memory_space<vmem>>
      %dma_start3A_232 = tpu.memref_squeeze %dma_start3A_231 : memref<1x1x64xf32, #tpu.memory_space<vmem>> -> memref<64xf32, #tpu.memory_space<vmem>>
      %dma_start3A_233 = arith.constant 0 : i32
      %dma_start3A_234 = tpu.memref_slice %arg3[%shift_right_arithmetic3A_216, %and3A_218, %dma_start3A_233] : memref<125000x8x64xf32, #tpu.memory_space<hbm>> -> memref<1x1x64xf32, #tpu.memory_space<hbm>>
      %dma_start3A_235 = tpu.memref_squeeze %dma_start3A_234 : memref<1x1x64xf32, #tpu.memory_space<hbm>> -> memref<64xf32, #tpu.memory_space<hbm>>
      tpu.enqueue_dma source(%dma_start3A_235 : memref<64xf32, #tpu.memory_space<hbm>>) target(%dma_start3A_232 : memref<64xf32, #tpu.memory_space<vmem>>) target_semaphore(%arg9 : memref<!tpu.dma_semaphore, #tpu.memory_space<semaphore_mem>>)
      %slice3A_236 = vector.extract_strided_slice %get3A_56 {offsets = [8], sizes = [1], strides = [1]} : vector<16xi32> to vector<1xi32>
      %squeeze3A_237 = vector.extract %slice3A_236[0] : i32 from vector<1xi32>
      %shift_right_arithmetic3A_238 = arith.constant 3 : i32
      %shift_right_arithmetic3A_239 = arith.shrsi %squeeze3A_237, %shift_right_arithmetic3A_238 : i32
      %and3A_240 = arith.constant 7 : i32
      %and3A_241 = arith.andi %squeeze3A_237, %and3A_240 : i32
      %mul3A_242 = arith.constant 16 : i32
      %mul3A_243 = arith.muli %add3A_50, %mul3A_242 : i32
      %add3A_244 = arith.constant 8 : i32
      %add3A_245 = arith.addi %mul3A_243, %add3A_244 : i32
      %dma_start3A_246 = arith.constant 1 : i32
      %dma_start3A_247 = arith.constant 0 : i32
      %dma_start3A_248 = tpu.memref_slice %arg6[%dma_start3A_246, %add3A_245, %dma_start3A_247] : memref<2x160x64xf32, #tpu.memory_space<vmem>> -> memref<1x1x64xf32, #tpu.memory_space<vmem>>
      %dma_start3A_249 = tpu.memref_squeeze %dma_start3A_248 : memref<1x1x64xf32, #tpu.memory_space<vmem>> -> memref<64xf32, #tpu.memory_space<vmem>>
      %dma_start3A_250 = arith.constant 0 : i32
      %dma_start3A_251 = tpu.memref_slice %arg3[%shift_right_arithmetic3A_239, %and3A_241, %dma_start3A_250] : memref<125000x8x64xf32, #tpu.memory_space<hbm>> -> memref<1x1x64xf32, #tpu.memory_space<hbm>>
      %dma_start3A_252 = tpu.memref_squeeze %dma_start3A_251 : memref<1x1x64xf32, #tpu.memory_space<hbm>> -> memref<64xf32, #tpu.memory_space<hbm>>
      %dma_start3A_253 = arith.constant 0 : i32
      %dma_start3A_254 = tpu.memref_slice %arg6[%dma_start3A_246, %add3A_245, %dma_start3A_253] : memref<2x160x64xf32, #tpu.memory_space<vmem>> -> memref<1x1x64xf32, #tpu.memory_space<vmem>>
      %dma_start3A_255 = tpu.memref_squeeze %dma_start3A_254 : memref<1x1x64xf32, #tpu.memory_space<vmem>> -> memref<64xf32, #tpu.memory_space<vmem>>
      %dma_start3A_256 = arith.constant 0 : i32
      %dma_start3A_257 = tpu.memref_slice %arg3[%shift_right_arithmetic3A_239, %and3A_241, %dma_start3A_256] : memref<125000x8x64xf32, #tpu.memory_space<hbm>> -> memref<1x1x64xf32, #tpu.memory_space<hbm>>
      %dma_start3A_258 = tpu.memref_squeeze %dma_start3A_257 : memref<1x1x64xf32, #tpu.memory_space<hbm>> -> memref<64xf32, #tpu.memory_space<hbm>>
      tpu.enqueue_dma source(%dma_start3A_258 : memref<64xf32, #tpu.memory_space<hbm>>) target(%dma_start3A_255 : memref<64xf32, #tpu.memory_space<vmem>>) target_semaphore(%arg9 : memref<!tpu.dma_semaphore, #tpu.memory_space<semaphore_mem>>)
      %slice3A_259 = vector.extract_strided_slice %get3A_56 {offsets = [9], sizes = [1], strides = [1]} : vector<16xi32> to vector<1xi32>
      %squeeze3A_260 = vector.extract %slice3A_259[0] : i32 from vector<1xi32>
      %shift_right_arithmetic3A_261 = arith.constant 3 : i32
      %shift_right_arithmetic3A_262 = arith.shrsi %squeeze3A_260, %shift_right_arithmetic3A_261 : i32
      %and3A_263 = arith.constant 7 : i32
      %and3A_264 = arith.andi %squeeze3A_260, %and3A_263 : i32
      %mul3A_265 = arith.constant 16 : i32
      %mul3A_266 = arith.muli %add3A_50, %mul3A_265 : i32
      %add3A_267 = arith.constant 9 : i32
      %add3A_268 = arith.addi %mul3A_266, %add3A_267 : i32
      %dma_start3A_269 = arith.constant 1 : i32
      %dma_start3A_270 = arith.constant 0 : i32
      %dma_start3A_271 = tpu.memref_slice %arg6[%dma_start3A_269, %add3A_268, %dma_start3A_270] : memref<2x160x64xf32, #tpu.memory_space<vmem>> -> memref<1x1x64xf32, #tpu.memory_space<vmem>>
      %dma_start3A_272 = tpu.memref_squeeze %dma_start3A_271 : memref<1x1x64xf32, #tpu.memory_space<vmem>> -> memref<64xf32, #tpu.memory_space<vmem>>
      %dma_start3A_273 = arith.constant 0 : i32
      %dma_start3A_274 = tpu.memref_slice %arg3[%shift_right_arithmetic3A_262, %and3A_264, %dma_start3A_273] : memref<125000x8x64xf32, #tpu.memory_space<hbm>> -> memref<1x1x64xf32, #tpu.memory_space<hbm>>
      %dma_start3A_275 = tpu.memref_squeeze %dma_start3A_274 : memref<1x1x64xf32, #tpu.memory_space<hbm>> -> memref<64xf32, #tpu.memory_space<hbm>>
      %dma_start3A_276 = arith.constant 0 : i32
      %dma_start3A_277 = tpu.memref_slice %arg6[%dma_start3A_269, %add3A_268, %dma_start3A_276] : memref<2x160x64xf32, #tpu.memory_space<vmem>> -> memref<1x1x64xf32, #tpu.memory_space<vmem>>
      %dma_start3A_278 = tpu.memref_squeeze %dma_start3A_277 : memref<1x1x64xf32, #tpu.memory_space<vmem>> -> memref<64xf32, #tpu.memory_space<vmem>>
      %dma_start3A_279 = arith.constant 0 : i32
      %dma_start3A_280 = tpu.memref_slice %arg3[%shift_right_arithmetic3A_262, %and3A_264, %dma_start3A_279] : memref<125000x8x64xf32, #tpu.memory_space<hbm>> -> memref<1x1x64xf32, #tpu.memory_space<hbm>>
      %dma_start3A_281 = tpu.memref_squeeze %dma_start3A_280 : memref<1x1x64xf32, #tpu.memory_space<hbm>> -> memref<64xf32, #tpu.memory_space<hbm>>
      tpu.enqueue_dma source(%dma_start3A_281 : memref<64xf32, #tpu.memory_space<hbm>>) target(%dma_start3A_278 : memref<64xf32, #tpu.memory_space<vmem>>) target_semaphore(%arg9 : memref<!tpu.dma_semaphore, #tpu.memory_space<semaphore_mem>>)
      %slice3A_282 = vector.extract_strided_slice %get3A_56 {offsets = [10], sizes = [1], strides = [1]} : vector<16xi32> to vector<1xi32>
      %squeeze3A_283 = vector.extract %slice3A_282[0] : i32 from vector<1xi32>
      %shift_right_arithmetic3A_284 = arith.constant 3 : i32
      %shift_right_arithmetic3A_285 = arith.shrsi %squeeze3A_283, %shift_right_arithmetic3A_284 : i32
      %and3A_286 = arith.constant 7 : i32
      %and3A_287 = arith.andi %squeeze3A_283, %and3A_286 : i32
      %mul3A_288 = arith.constant 16 : i32
      %mul3A_289 = arith.muli %add3A_50, %mul3A_288 : i32
      %add3A_290 = arith.constant 10 : i32
      %add3A_291 = arith.addi %mul3A_289, %add3A_290 : i32
      %dma_start3A_292 = arith.constant 1 : i32
      %dma_start3A_293 = arith.constant 0 : i32
      %dma_start3A_294 = tpu.memref_slice %arg6[%dma_start3A_292, %add3A_291, %dma_start3A_293] : memref<2x160x64xf32, #tpu.memory_space<vmem>> -> memref<1x1x64xf32, #tpu.memory_space<vmem>>
      %dma_start3A_295 = tpu.memref_squeeze %dma_start3A_294 : memref<1x1x64xf32, #tpu.memory_space<vmem>> -> memref<64xf32, #tpu.memory_space<vmem>>
      %dma_start3A_296 = arith.constant 0 : i32
      %dma_start3A_297 = tpu.memref_slice %arg3[%shift_right_arithmetic3A_285, %and3A_287, %dma_start3A_296] : memref<125000x8x64xf32, #tpu.memory_space<hbm>> -> memref<1x1x64xf32, #tpu.memory_space<hbm>>
      %dma_start3A_298 = tpu.memref_squeeze %dma_start3A_297 : memref<1x1x64xf32, #tpu.memory_space<hbm>> -> memref<64xf32, #tpu.memory_space<hbm>>
      %dma_start3A_299 = arith.constant 0 : i32
      %dma_start3A_300 = tpu.memref_slice %arg6[%dma_start3A_292, %add3A_291, %dma_start3A_299] : memref<2x160x64xf32, #tpu.memory_space<vmem>> -> memref<1x1x64xf32, #tpu.memory_space<vmem>>
      %dma_start3A_301 = tpu.memref_squeeze %dma_start3A_300 : memref<1x1x64xf32, #tpu.memory_space<vmem>> -> memref<64xf32, #tpu.memory_space<vmem>>
      %dma_start3A_302 = arith.constant 0 : i32
      %dma_start3A_303 = tpu.memref_slice %arg3[%shift_right_arithmetic3A_285, %and3A_287, %dma_start3A_302] : memref<125000x8x64xf32, #tpu.memory_space<hbm>> -> memref<1x1x64xf32, #tpu.memory_space<hbm>>
      %dma_start3A_304 = tpu.memref_squeeze %dma_start3A_303 : memref<1x1x64xf32, #tpu.memory_space<hbm>> -> memref<64xf32, #tpu.memory_space<hbm>>
      tpu.enqueue_dma source(%dma_start3A_304 : memref<64xf32, #tpu.memory_space<hbm>>) target(%dma_start3A_301 : memref<64xf32, #tpu.memory_space<vmem>>) target_semaphore(%arg9 : memref<!tpu.dma_semaphore, #tpu.memory_space<semaphore_mem>>)
      %slice3A_305 = vector.extract_strided_slice %get3A_56 {offsets = [11], sizes = [1], strides = [1]} : vector<16xi32> to vector<1xi32>
      %squeeze3A_306 = vector.extract %slice3A_305[0] : i32 from vector<1xi32>
      %shift_right_arithmetic3A_307 = arith.constant 3 : i32
      %shift_right_arithmetic3A_308 = arith.shrsi %squeeze3A_306, %shift_right_arithmetic3A_307 : i32
      %and3A_309 = arith.constant 7 : i32
      %and3A_310 = arith.andi %squeeze3A_306, %and3A_309 : i32
      %mul3A_311 = arith.constant 16 : i32
      %mul3A_312 = arith.muli %add3A_50, %mul3A_311 : i32
      %add3A_313 = arith.constant 11 : i32
      %add3A_314 = arith.addi %mul3A_312, %add3A_313 : i32
      %dma_start3A_315 = arith.constant 1 : i32
      %dma_start3A_316 = arith.constant 0 : i32
      %dma_start3A_317 = tpu.memref_slice %arg6[%dma_start3A_315, %add3A_314, %dma_start3A_316] : memref<2x160x64xf32, #tpu.memory_space<vmem>> -> memref<1x1x64xf32, #tpu.memory_space<vmem>>
      %dma_start3A_318 = tpu.memref_squeeze %dma_start3A_317 : memref<1x1x64xf32, #tpu.memory_space<vmem>> -> memref<64xf32, #tpu.memory_space<vmem>>
      %dma_start3A_319 = arith.constant 0 : i32
      %dma_start3A_320 = tpu.memref_slice %arg3[%shift_right_arithmetic3A_308, %and3A_310, %dma_start3A_319] : memref<125000x8x64xf32, #tpu.memory_space<hbm>> -> memref<1x1x64xf32, #tpu.memory_space<hbm>>
      %dma_start3A_321 = tpu.memref_squeeze %dma_start3A_320 : memref<1x1x64xf32, #tpu.memory_space<hbm>> -> memref<64xf32, #tpu.memory_space<hbm>>
      %dma_start3A_322 = arith.constant 0 : i32
      %dma_start3A_323 = tpu.memref_slice %arg6[%dma_start3A_315, %add3A_314, %dma_start3A_322] : memref<2x160x64xf32, #tpu.memory_space<vmem>> -> memref<1x1x64xf32, #tpu.memory_space<vmem>>
      %dma_start3A_324 = tpu.memref_squeeze %dma_start3A_323 : memref<1x1x64xf32, #tpu.memory_space<vmem>> -> memref<64xf32, #tpu.memory_space<vmem>>
      %dma_start3A_325 = arith.constant 0 : i32
      %dma_start3A_326 = tpu.memref_slice %arg3[%shift_right_arithmetic3A_308, %and3A_310, %dma_start3A_325] : memref<125000x8x64xf32, #tpu.memory_space<hbm>> -> memref<1x1x64xf32, #tpu.memory_space<hbm>>
      %dma_start3A_327 = tpu.memref_squeeze %dma_start3A_326 : memref<1x1x64xf32, #tpu.memory_space<hbm>> -> memref<64xf32, #tpu.memory_space<hbm>>
      tpu.enqueue_dma source(%dma_start3A_327 : memref<64xf32, #tpu.memory_space<hbm>>) target(%dma_start3A_324 : memref<64xf32, #tpu.memory_space<vmem>>) target_semaphore(%arg9 : memref<!tpu.dma_semaphore, #tpu.memory_space<semaphore_mem>>)
      %slice3A_328 = vector.extract_strided_slice %get3A_56 {offsets = [12], sizes = [1], strides = [1]} : vector<16xi32> to vector<1xi32>
      %squeeze3A_329 = vector.extract %slice3A_328[0] : i32 from vector<1xi32>
      %shift_right_arithmetic3A_330 = arith.constant 3 : i32
      %shift_right_arithmetic3A_331 = arith.shrsi %squeeze3A_329, %shift_right_arithmetic3A_330 : i32
      %and3A_332 = arith.constant 7 : i32
      %and3A_333 = arith.andi %squeeze3A_329, %and3A_332 : i32
      %mul3A_334 = arith.constant 16 : i32
      %mul3A_335 = arith.muli %add3A_50, %mul3A_334 : i32
      %add3A_336 = arith.constant 12 : i32
      %add3A_337 = arith.addi %mul3A_335, %add3A_336 : i32
      %dma_start3A_338 = arith.constant 1 : i32
      %dma_start3A_339 = arith.constant 0 : i32
      %dma_start3A_340 = tpu.memref_slice %arg6[%dma_start3A_338, %add3A_337, %dma_start3A_339] : memref<2x160x64xf32, #tpu.memory_space<vmem>> -> memref<1x1x64xf32, #tpu.memory_space<vmem>>
      %dma_start3A_341 = tpu.memref_squeeze %dma_start3A_340 : memref<1x1x64xf32, #tpu.memory_space<vmem>> -> memref<64xf32, #tpu.memory_space<vmem>>
      %dma_start3A_342 = arith.constant 0 : i32
      %dma_start3A_343 = tpu.memref_slice %arg3[%shift_right_arithmetic3A_331, %and3A_333, %dma_start3A_342] : memref<125000x8x64xf32, #tpu.memory_space<hbm>> -> memref<1x1x64xf32, #tpu.memory_space<hbm>>
      %dma_start3A_344 = tpu.memref_squeeze %dma_start3A_343 : memref<1x1x64xf32, #tpu.memory_space<hbm>> -> memref<64xf32, #tpu.memory_space<hbm>>
      %dma_start3A_345 = arith.constant 0 : i32
      %dma_start3A_346 = tpu.memref_slice %arg6[%dma_start3A_338, %add3A_337, %dma_start3A_345] : memref<2x160x64xf32, #tpu.memory_space<vmem>> -> memref<1x1x64xf32, #tpu.memory_space<vmem>>
      %dma_start3A_347 = tpu.memref_squeeze %dma_start3A_346 : memref<1x1x64xf32, #tpu.memory_space<vmem>> -> memref<64xf32, #tpu.memory_space<vmem>>
      %dma_start3A_348 = arith.constant 0 : i32
      %dma_start3A_349 = tpu.memref_slice %arg3[%shift_right_arithmetic3A_331, %and3A_333, %dma_start3A_348] : memref<125000x8x64xf32, #tpu.memory_space<hbm>> -> memref<1x1x64xf32, #tpu.memory_space<hbm>>
      %dma_start3A_350 = tpu.memref_squeeze %dma_start3A_349 : memref<1x1x64xf32, #tpu.memory_space<hbm>> -> memref<64xf32, #tpu.memory_space<hbm>>
      tpu.enqueue_dma source(%dma_start3A_350 : memref<64xf32, #tpu.memory_space<hbm>>) target(%dma_start3A_347 : memref<64xf32, #tpu.memory_space<vmem>>) target_semaphore(%arg9 : memref<!tpu.dma_semaphore, #tpu.memory_space<semaphore_mem>>)
      %slice3A_351 = vector.extract_strided_slice %get3A_56 {offsets = [13], sizes = [1], strides = [1]} : vector<16xi32> to vector<1xi32>
      %squeeze3A_352 = vector.extract %slice3A_351[0] : i32 from vector<1xi32>
      %shift_right_arithmetic3A_353 = arith.constant 3 : i32
      %shift_right_arithmetic3A_354 = arith.shrsi %squeeze3A_352, %shift_right_arithmetic3A_353 : i32
      %and3A_355 = arith.constant 7 : i32
      %and3A_356 = arith.andi %squeeze3A_352, %and3A_355 : i32
      %mul3A_357 = arith.constant 16 : i32
      %mul3A_358 = arith.muli %add3A_50, %mul3A_357 : i32
      %add3A_359 = arith.constant 13 : i32
      %add3A_360 = arith.addi %mul3A_358, %add3A_359 : i32
      %dma_start3A_361 = arith.constant 1 : i32
      %dma_start3A_362 = arith.constant 0 : i32
      %dma_start3A_363 = tpu.memref_slice %arg6[%dma_start3A_361, %add3A_360, %dma_start3A_362] : memref<2x160x64xf32, #tpu.memory_space<vmem>> -> memref<1x1x64xf32, #tpu.memory_space<vmem>>
      %dma_start3A_364 = tpu.memref_squeeze %dma_start3A_363 : memref<1x1x64xf32, #tpu.memory_space<vmem>> -> memref<64xf32, #tpu.memory_space<vmem>>
      %dma_start3A_365 = arith.constant 0 : i32
      %dma_start3A_366 = tpu.memref_slice %arg3[%shift_right_arithmetic3A_354, %and3A_356, %dma_start3A_365] : memref<125000x8x64xf32, #tpu.memory_space<hbm>> -> memref<1x1x64xf32, #tpu.memory_space<hbm>>
      %dma_start3A_367 = tpu.memref_squeeze %dma_start3A_366 : memref<1x1x64xf32, #tpu.memory_space<hbm>> -> memref<64xf32, #tpu.memory_space<hbm>>
      %dma_start3A_368 = arith.constant 0 : i32
      %dma_start3A_369 = tpu.memref_slice %arg6[%dma_start3A_361, %add3A_360, %dma_start3A_368] : memref<2x160x64xf32, #tpu.memory_space<vmem>> -> memref<1x1x64xf32, #tpu.memory_space<vmem>>
      %dma_start3A_370 = tpu.memref_squeeze %dma_start3A_369 : memref<1x1x64xf32, #tpu.memory_space<vmem>> -> memref<64xf32, #tpu.memory_space<vmem>>
      %dma_start3A_371 = arith.constant 0 : i32
      %dma_start3A_372 = tpu.memref_slice %arg3[%shift_right_arithmetic3A_354, %and3A_356, %dma_start3A_371] : memref<125000x8x64xf32, #tpu.memory_space<hbm>> -> memref<1x1x64xf32, #tpu.memory_space<hbm>>
      %dma_start3A_373 = tpu.memref_squeeze %dma_start3A_372 : memref<1x1x64xf32, #tpu.memory_space<hbm>> -> memref<64xf32, #tpu.memory_space<hbm>>
      tpu.enqueue_dma source(%dma_start3A_373 : memref<64xf32, #tpu.memory_space<hbm>>) target(%dma_start3A_370 : memref<64xf32, #tpu.memory_space<vmem>>) target_semaphore(%arg9 : memref<!tpu.dma_semaphore, #tpu.memory_space<semaphore_mem>>)
      %slice3A_374 = vector.extract_strided_slice %get3A_56 {offsets = [14], sizes = [1], strides = [1]} : vector<16xi32> to vector<1xi32>
      %squeeze3A_375 = vector.extract %slice3A_374[0] : i32 from vector<1xi32>
      %shift_right_arithmetic3A_376 = arith.constant 3 : i32
      %shift_right_arithmetic3A_377 = arith.shrsi %squeeze3A_375, %shift_right_arithmetic3A_376 : i32
      %and3A_378 = arith.constant 7 : i32
      %and3A_379 = arith.andi %squeeze3A_375, %and3A_378 : i32
      %mul3A_380 = arith.constant 16 : i32
      %mul3A_381 = arith.muli %add3A_50, %mul3A_380 : i32
      %add3A_382 = arith.constant 14 : i32
      %add3A_383 = arith.addi %mul3A_381, %add3A_382 : i32
      %dma_start3A_384 = arith.constant 1 : i32
      %dma_start3A_385 = arith.constant 0 : i32
      %dma_start3A_386 = tpu.memref_slice %arg6[%dma_start3A_384, %add3A_383, %dma_start3A_385] : memref<2x160x64xf32, #tpu.memory_space<vmem>> -> memref<1x1x64xf32, #tpu.memory_space<vmem>>
      %dma_start3A_387 = tpu.memref_squeeze %dma_start3A_386 : memref<1x1x64xf32, #tpu.memory_space<vmem>> -> memref<64xf32, #tpu.memory_space<vmem>>
      %dma_start3A_388 = arith.constant 0 : i32
      %dma_start3A_389 = tpu.memref_slice %arg3[%shift_right_arithmetic3A_377, %and3A_379, %dma_start3A_388] : memref<125000x8x64xf32, #tpu.memory_space<hbm>> -> memref<1x1x64xf32, #tpu.memory_space<hbm>>
      %dma_start3A_390 = tpu.memref_squeeze %dma_start3A_389 : memref<1x1x64xf32, #tpu.memory_space<hbm>> -> memref<64xf32, #tpu.memory_space<hbm>>
      %dma_start3A_391 = arith.constant 0 : i32
      %dma_start3A_392 = tpu.memref_slice %arg6[%dma_start3A_384, %add3A_383, %dma_start3A_391] : memref<2x160x64xf32, #tpu.memory_space<vmem>> -> memref<1x1x64xf32, #tpu.memory_space<vmem>>
      %dma_start3A_393 = tpu.memref_squeeze %dma_start3A_392 : memref<1x1x64xf32, #tpu.memory_space<vmem>> -> memref<64xf32, #tpu.memory_space<vmem>>
      %dma_start3A_394 = arith.constant 0 : i32
      %dma_start3A_395 = tpu.memref_slice %arg3[%shift_right_arithmetic3A_377, %and3A_379, %dma_start3A_394] : memref<125000x8x64xf32, #tpu.memory_space<hbm>> -> memref<1x1x64xf32, #tpu.memory_space<hbm>>
      %dma_start3A_396 = tpu.memref_squeeze %dma_start3A_395 : memref<1x1x64xf32, #tpu.memory_space<hbm>> -> memref<64xf32, #tpu.memory_space<hbm>>
      tpu.enqueue_dma source(%dma_start3A_396 : memref<64xf32, #tpu.memory_space<hbm>>) target(%dma_start3A_393 : memref<64xf32, #tpu.memory_space<vmem>>) target_semaphore(%arg9 : memref<!tpu.dma_semaphore, #tpu.memory_space<semaphore_mem>>)
      %slice3A_397 = vector.extract_strided_slice %get3A_56 {offsets = [15], sizes = [1], strides = [1]} : vector<16xi32> to vector<1xi32>
      %squeeze3A_398 = vector.extract %slice3A_397[0] : i32 from vector<1xi32>
      %shift_right_arithmetic3A_399 = arith.constant 3 : i32
      %shift_right_arithmetic3A_400 = arith.shrsi %squeeze3A_398, %shift_right_arithmetic3A_399 : i32
      %and3A_401 = arith.constant 7 : i32
      %and3A_402 = arith.andi %squeeze3A_398, %and3A_401 : i32
      %mul3A_403 = arith.constant 16 : i32
      %mul3A_404 = arith.muli %add3A_50, %mul3A_403 : i32
      %add3A_405 = arith.constant 15 : i32
      %add3A_406 = arith.addi %mul3A_404, %add3A_405 : i32
      %dma_start3A_407 = arith.constant 1 : i32
      %dma_start3A_408 = arith.constant 0 : i32
      %dma_start3A_409 = tpu.memref_slice %arg6[%dma_start3A_407, %add3A_406, %dma_start3A_408] : memref<2x160x64xf32, #tpu.memory_space<vmem>> -> memref<1x1x64xf32, #tpu.memory_space<vmem>>
      %dma_start3A_410 = tpu.memref_squeeze %dma_start3A_409 : memref<1x1x64xf32, #tpu.memory_space<vmem>> -> memref<64xf32, #tpu.memory_space<vmem>>
      %dma_start3A_411 = arith.constant 0 : i32
      %dma_start3A_412 = tpu.memref_slice %arg3[%shift_right_arithmetic3A_400, %and3A_402, %dma_start3A_411] : memref<125000x8x64xf32, #tpu.memory_space<hbm>> -> memref<1x1x64xf32, #tpu.memory_space<hbm>>
      %dma_start3A_413 = tpu.memref_squeeze %dma_start3A_412 : memref<1x1x64xf32, #tpu.memory_space<hbm>> -> memref<64xf32, #tpu.memory_space<hbm>>
      %dma_start3A_414 = arith.constant 0 : i32
      %dma_start3A_415 = tpu.memref_slice %arg6[%dma_start3A_407, %add3A_406, %dma_start3A_414] : memref<2x160x64xf32, #tpu.memory_space<vmem>> -> memref<1x1x64xf32, #tpu.memory_space<vmem>>
      %dma_start3A_416 = tpu.memref_squeeze %dma_start3A_415 : memref<1x1x64xf32, #tpu.memory_space<vmem>> -> memref<64xf32, #tpu.memory_space<vmem>>
      %dma_start3A_417 = arith.constant 0 : i32
      %dma_start3A_418 = tpu.memref_slice %arg3[%shift_right_arithmetic3A_400, %and3A_402, %dma_start3A_417] : memref<125000x8x64xf32, #tpu.memory_space<hbm>> -> memref<1x1x64xf32, #tpu.memory_space<hbm>>
      %dma_start3A_419 = tpu.memref_squeeze %dma_start3A_418 : memref<1x1x64xf32, #tpu.memory_space<hbm>> -> memref<64xf32, #tpu.memory_space<hbm>>
      tpu.enqueue_dma source(%dma_start3A_419 : memref<64xf32, #tpu.memory_space<hbm>>) target(%dma_start3A_416 : memref<64xf32, #tpu.memory_space<vmem>>) target_semaphore(%arg9 : memref<!tpu.dma_semaphore, #tpu.memory_space<semaphore_mem>>)
    }
    %scan3A_11 = arith.constant 10 : i32
    %scan3A_12 = arith.constant 0 : i32
    %scan3A_13 = arith.constant 20 : i32
    %scan3A_14 = arith.addi %scan3A_12, %scan3A_13 : i32
    %scan3A_15 = arith.constant 1 : i32
    scf.for %scan3A_46 = %scan3A_12 to %scan3A_14 step %scan3A_15  : i32 {
      %mul3A_47 = arith.constant 1 : i32
      %mul3A_48 = arith.muli %scan3A_46, %mul3A_47 : i32
      %add3A_49 = arith.constant 0 : i32
      %add3A_50 = arith.addi %add3A_49, %mul3A_48 : i32
      %mul3A_51 = arith.constant 2 : i32
      %mul3A_52 = arith.muli %add3A_50, %mul3A_51 : i32
      %add3A_53 = arith.constant 0 : i32
      %add3A_54 = arith.addi %mul3A_52, %add3A_53 : i32
      %mul3A_55 = arith.constant 160 : i32
      %mul3A_56 = arith.muli %add3A_54, %mul3A_55 : i32
      %dma_wait3A_57 = arith.constant 0 : i32
      %dma_wait3A_58 = arith.constant 0 : i32
      %dma_wait3A_59 = arith.constant 0 : i32
      %dma_wait3A_60 = tpu.memref_slice %arg6[%dma_wait3A_57, %dma_wait3A_58, %dma_wait3A_59] : memref<2x160x64xf32, #tpu.memory_space<vmem>> -> memref<1x160x64xf32, #tpu.memory_space<vmem>>
      %dma_wait3A_61 = tpu.memref_squeeze %dma_wait3A_60 : memref<1x160x64xf32, #tpu.memory_space<vmem>> -> memref<160x64xf32, #tpu.memory_space<vmem>>
      %dma_wait3A_62 = arith.constant 0 : i32
      %dma_wait3A_63 = arith.constant 0 : i32
      %dma_wait3A_64 = tpu.memref_slice %arg4[%dma_wait3A_62, %dma_wait3A_63] : memref<204800x64xf32, #tpu.memory_space<hbm>> -> memref<160x64xf32, #tpu.memory_space<hbm>>
      %dma_wait3A_65 = arith.constant 0 : i32
      %dma_wait3A_66 = arith.constant 0 : i32
      %dma_wait3A_67 = tpu.memref_slice %arg6[%dma_wait3A_57, %dma_wait3A_65, %dma_wait3A_66] : memref<2x160x64xf32, #tpu.memory_space<vmem>> -> memref<1x160x64xf32, #tpu.memory_space<vmem>>
      %dma_wait3A_68 = tpu.memref_squeeze %dma_wait3A_67 : memref<1x160x64xf32, #tpu.memory_space<vmem>> -> memref<160x64xf32, #tpu.memory_space<vmem>>
      %dma_wait3A_69 = arith.constant 0 : i32
      %dma_wait3A_70 = arith.constant 0 : i32
      %dma_wait3A_71 = tpu.memref_slice %arg4[%dma_wait3A_69, %dma_wait3A_70] : memref<204800x64xf32, #tpu.memory_space<hbm>> -> memref<160x64xf32, #tpu.memory_space<hbm>>
      tpu.wait_dma2 semaphore(%arg8 : memref<!tpu.dma_semaphore, #tpu.memory_space<semaphore_mem>>) src(%dma_wait3A_71 : memref<160x64xf32, #tpu.memory_space<hbm>>) dst(%dma_wait3A_68 : memref<160x64xf32, #tpu.memory_space<vmem>>)
      %gt3A = arith.constant 0 : i32
      %gt3A_72 = arith.cmpi sgt, %add3A_50, %gt3A : i32
      %convert_element_type3A = arith.extui %gt3A_72 : i1 to i32
      %cond3A = arith.constant 0 : i32
      %cond3A_73 = arith.cmpi ne, %convert_element_type3A, %cond3A : i32
      scf.if %cond3A_73 {
        %dma_wait3A_145 = arith.constant 0 : i32
        %dma_wait3A_146 = arith.constant 0 : i32
        %dma_wait3A_147 = arith.constant 0 : i32
        %dma_wait3A_148 = tpu.memref_slice %arg7[%dma_wait3A_145, %dma_wait3A_146, %dma_wait3A_147] : memref<2x160x64xf32, #tpu.memory_space<vmem>> -> memref<1x160x64xf32, #tpu.memory_space<vmem>>
        %dma_wait3A_149 = tpu.memref_squeeze %dma_wait3A_148 : memref<1x160x64xf32, #tpu.memory_space<vmem>> -> memref<160x64xf32, #tpu.memory_space<vmem>>
        %dma_wait3A_150 = arith.constant 0 : i32
        %dma_wait3A_151 = arith.constant 0 : i32
        %dma_wait3A_152 = tpu.memref_slice %arg4[%dma_wait3A_150, %dma_wait3A_151] : memref<204800x64xf32, #tpu.memory_space<hbm>> -> memref<160x64xf32, #tpu.memory_space<hbm>>
        %dma_wait3A_153 = arith.constant 0 : i32
        %dma_wait3A_154 = arith.constant 0 : i32
        %dma_wait3A_155 = tpu.memref_slice %arg4[%dma_wait3A_153, %dma_wait3A_154] : memref<204800x64xf32, #tpu.memory_space<hbm>> -> memref<160x64xf32, #tpu.memory_space<hbm>>
        %dma_wait3A_156 = arith.constant 0 : i32
        %dma_wait3A_157 = arith.constant 0 : i32
        %dma_wait3A_158 = tpu.memref_slice %arg7[%dma_wait3A_145, %dma_wait3A_156, %dma_wait3A_157] : memref<2x160x64xf32, #tpu.memory_space<vmem>> -> memref<1x160x64xf32, #tpu.memory_space<vmem>>
        %dma_wait3A_159 = tpu.memref_squeeze %dma_wait3A_158 : memref<1x160x64xf32, #tpu.memory_space<vmem>> -> memref<160x64xf32, #tpu.memory_space<vmem>>
        tpu.wait_dma2 semaphore(%arg10 : memref<!tpu.dma_semaphore, #tpu.memory_space<semaphore_mem>>) src(%dma_wait3A_159 : memref<160x64xf32, #tpu.memory_space<vmem>>) dst(%dma_wait3A_155 : memref<160x64xf32, #tpu.memory_space<hbm>>)
      } else {
      }
      %lt3A = arith.constant 19 : i32
      %lt3A_74 = arith.cmpi slt, %add3A_50, %lt3A : i32
      %convert_element_type3A_75 = arith.extui %lt3A_74 : i1 to i32
      %cond3A_76 = arith.constant 0 : i32
      %cond3A_77 = arith.cmpi ne, %convert_element_type3A_75, %cond3A_76 : i32
      scf.if %cond3A_77 {
        %add3A_145 = arith.constant 2 : i32
        %add3A_146 = arith.addi %add3A_54, %add3A_145 : i32
        %mul3A_147 = arith.constant 160 : i32
        %mul3A_148 = arith.muli %add3A_146, %mul3A_147 : i32
        %parallel_loop3A = arith.constant 0 : i32
        %parallel_loop3A_149 = arith.constant 160 : i32
        %parallel_loop3A_150 = arith.constant 1 : i32
        scf.for %parallel_loop3A_151 = %parallel_loop3A to %parallel_loop3A_149 step %parallel_loop3A_150  : i32 {
          %parallel_loop3A_152 = arith.addi %mul3A_148, %parallel_loop3A_151 : i32
          %parallel_loop3A_153 = arith.index_cast %parallel_loop3A_152 : i32 to index
          %parallel_loop3A_154 = tpu.vector_load %arg5[%parallel_loop3A_153] {strides = array<i32>} : memref<6416xi32, #tpu.memory_space<vmem>>, vector<16xi32>,
          %parallel_loop3A_155 = vector.shape_cast %parallel_loop3A_154 : vector<16xi32> to vector<16xi32>
          %parallel_loop3A_156 = vector.extract_strided_slice %parallel_loop3A_155 {offsets = [0], sizes = [1], strides = [1]} : vector<16xi32> to vector<1xi32>
          %parallel_loop3A_157 = vector.extract %parallel_loop3A_156[0] : i32 from vector<1xi32>
          %parallel_loop3A_158 = arith.constant 0 : i32
          %parallel_loop3A_159 = arith.index_cast %parallel_loop3A_158 : i32 to index
          %parallel_loop3A_160 = arith.index_cast %parallel_loop3A_151 : i32 to index
          %parallel_loop3A_161 = arith.constant 0 : index
          %parallel_loop3A_162 = tpu.vector_load %arg6[%parallel_loop3A_159, %parallel_loop3A_160, %parallel_loop3A_161] {strides = array<i32>} : memref<2x160x64xf32, #tpu.memory_space<vmem>>, vector<1x1x16xf32>,
          %parallel_loop3A_163 = vector.shape_cast %parallel_loop3A_162 : vector<1x1x16xf32> to vector<16xf32>
          %parallel_loop3A_164 = arith.constant 8.000000e+00 : f32
          %parallel_loop3A_165 = vector.broadcast %parallel_loop3A_164 : f32 to vector<16xf32>
          %parallel_loop3A_166 = arith.mulf %parallel_loop3A_163, %parallel_loop3A_165 : vector<16xf32>
          %parallel_loop3A_167 = arith.constant 0 : i32
          %parallel_loop3A_168 = arith.index_cast %parallel_loop3A_167 : i32 to index
          %parallel_loop3A_169 = arith.index_cast %parallel_loop3A_151 : i32 to index
          %parallel_loop3A_170 = arith.constant 0 : index
          %parallel_loop3A_171 = tpu.vector_load %arg7[%parallel_loop3A_168, %parallel_loop3A_169, %parallel_loop3A_170] {strides = array<i32>} : memref<2x160x64xf32, #tpu.memory_space<vmem>>, vector<1x1x16xf32>,
          %parallel_loop3A_172 = vector.shape_cast %parallel_loop3A_171 : vector<1x1x16xf32> to vector<16xf32>
          %parallel_loop3A_173 = vector.shape_cast %parallel_loop3A_166 : vector<16xf32> to vector<1x1x16xf32>
          tpu.vector_store %arg7[%parallel_loop3A_168, %parallel_loop3A_169, %parallel_loop3A_170], %parallel_loop3A_173 {strides = array<i32>} : memref<2x160x64xf32, #tpu.memory_space<vmem>>, vector<1x1x16xf32>,
          %parallel_loop3A_174 = arith.constant 0 : i32
          %parallel_loop3A_175 = arith.index_cast %parallel_loop3A_174 : i32 to index
          %parallel_loop3A_176 = arith.index_cast %parallel_loop3A_151 : i32 to index
          %parallel_loop3A_177 = arith.constant 16 : index
          %parallel_loop3A_178 = tpu.vector_load %arg6[%parallel_loop3A_175, %parallel_loop3A_176, %parallel_loop3A_177] {strides = array<i32>} : memref<2x160x64xf32, #tpu.memory_space<vmem>>, vector<1x1x16xf32>,
          %parallel_loop3A_179 = vector.shape_cast %parallel_loop3A_178 : vector<1x1x16xf32> to vector<16xf32>
          %parallel_loop3A_180 = arith.constant 8.000000e+00 : f32
          %parallel_loop3A_181 = vector.broadcast %parallel_loop3A_180 : f32 to vector<16xf32>
          %parallel_loop3A_182 = arith.mulf %parallel_loop3A_179, %parallel_loop3A_181 : vector<16xf32>
          %parallel_loop3A_183 = arith.constant 0 : i32
          %parallel_loop3A_184 = arith.index_cast %parallel_loop3A_183 : i32 to index
          %parallel_loop3A_185 = arith.index_cast %parallel_loop3A_151 : i32 to index
          %parallel_loop3A_186 = arith.constant 16 : index
          %parallel_loop3A_187 = tpu.vector_load %arg7[%parallel_loop3A_184, %parallel_loop3A_185, %parallel_loop3A_186] {strides = array<i32>} : memref<2x160x64xf32, #tpu.memory_space<vmem>>, vector<1x1x16xf32>,
          %parallel_loop3A_188 = vector.shape_cast %parallel_loop3A_187 : vector<1x1x16xf32> to vector<16xf32>
          %parallel_loop3A_189 = vector.shape_cast %parallel_loop3A_182 : vector<16xf32> to vector<1x1x16xf32>
          tpu.vector_store %arg7[%parallel_loop3A_184, %parallel_loop3A_185, %parallel_loop3A_186], %parallel_loop3A_189 {strides = array<i32>} : memref<2x160x64xf32, #tpu.memory_space<vmem>>, vector<1x1x16xf32>,
          %parallel_loop3A_190 = arith.constant 0 : i32
          %parallel_loop3A_191 = arith.index_cast %parallel_loop3A_190 : i32 to index
          %parallel_loop3A_192 = arith.index_cast %parallel_loop3A_151 : i32 to index
          %parallel_loop3A_193 = arith.constant 32 : index
          %parallel_loop3A_194 = tpu.vector_load %arg6[%parallel_loop3A_191, %parallel_loop3A_192, %parallel_loop3A_193] {strides = array<i32>} : memref<2x160x64xf32, #tpu.memory_space<vmem>>, vector<1x1x16xf32>,
          %parallel_loop3A_195 = vector.shape_cast %parallel_loop3A_194 : vector<1x1x16xf32> to vector<16xf32>
          %parallel_loop3A_196 = arith.constant 8.000000e+00 : f32
          %parallel_loop3A_197 = vector.broadcast %parallel_loop3A_196 : f32 to vector<16xf32>
          %parallel_loop3A_198 = arith.mulf %parallel_loop3A_195, %parallel_loop3A_197 : vector<16xf32>
          %parallel_loop3A_199 = arith.constant 0 : i32
          %parallel_loop3A_200 = arith.index_cast %parallel_loop3A_199 : i32 to index
          %parallel_loop3A_201 = arith.index_cast %parallel_loop3A_151 : i32 to index
          %parallel_loop3A_202 = arith.constant 32 : index
          %parallel_loop3A_203 = tpu.vector_load %arg7[%parallel_loop3A_200, %parallel_loop3A_201, %parallel_loop3A_202] {strides = array<i32>} : memref<2x160x64xf32, #tpu.memory_space<vmem>>, vector<1x1x16xf32>,
          %parallel_loop3A_204 = vector.shape_cast %parallel_loop3A_203 : vector<1x1x16xf32> to vector<16xf32>
          %parallel_loop3A_205 = vector.shape_cast %parallel_loop3A_198 : vector<16xf32> to vector<1x1x16xf32>
          tpu.vector_store %arg7[%parallel_loop3A_200, %parallel_loop3A_201, %parallel_loop3A_202], %parallel_loop3A_205 {strides = array<i32>} : memref<2x160x64xf32, #tpu.memory_space<vmem>>, vector<1x1x16xf32>,
          %parallel_loop3A_206 = arith.constant 0 : i32
          %parallel_loop3A_207 = arith.index_cast %parallel_loop3A_206 : i32 to index
          %parallel_loop3A_208 = arith.index_cast %parallel_loop3A_151 : i32 to index
          %parallel_loop3A_209 = arith.constant 48 : index
          %parallel_loop3A_210 = tpu.vector_load %arg6[%parallel_loop3A_207, %parallel_loop3A_208, %parallel_loop3A_209] {strides = array<i32>} : memref<2x160x64xf32, #tpu.memory_space<vmem>>, vector<1x1x16xf32>,
          %parallel_loop3A_211 = vector.shape_cast %parallel_loop3A_210 : vector<1x1x16xf32> to vector<16xf32>
          %parallel_loop3A_212 = arith.constant 8.000000e+00 : f32
          %parallel_loop3A_213 = vector.broadcast %parallel_loop3A_212 : f32 to vector<16xf32>
          %parallel_loop3A_214 = arith.mulf %parallel_loop3A_211, %parallel_loop3A_213 : vector<16xf32>
          %parallel_loop3A_215 = arith.constant 0 : i32
          %parallel_loop3A_216 = arith.index_cast %parallel_loop3A_215 : i32 to index
          %parallel_loop3A_217 = arith.index_cast %parallel_loop3A_151 : i32 to index
          %parallel_loop3A_218 = arith.constant 48 : index
          %parallel_loop3A_219 = tpu.vector_load %arg7[%parallel_loop3A_216, %parallel_loop3A_217, %parallel_loop3A_218] {strides = array<i32>} : memref<2x160x64xf32, #tpu.memory_space<vmem>>, vector<1x1x16xf32>,
          %parallel_loop3A_220 = vector.shape_cast %parallel_loop3A_219 : vector<1x1x16xf32> to vector<16xf32>
          %parallel_loop3A_221 = vector.shape_cast %parallel_loop3A_214 : vector<16xf32> to vector<1x1x16xf32>
          tpu.vector_store %arg7[%parallel_loop3A_216, %parallel_loop3A_217, %parallel_loop3A_218], %parallel_loop3A_221 {strides = array<i32>} : memref<2x160x64xf32, #tpu.memory_space<vmem>>, vector<1x1x16xf32>,
          %parallel_loop3A_222 = arith.constant 3 : i32
          %parallel_loop3A_223 = arith.shrsi %parallel_loop3A_157, %parallel_loop3A_222 : i32
          %parallel_loop3A_224 = arith.constant 7 : i32
          %parallel_loop3A_225 = arith.andi %parallel_loop3A_157, %parallel_loop3A_224 : i32
          %parallel_loop3A_226 = arith.constant 0 : i32
          %parallel_loop3A_227 = arith.constant 0 : i32
          %parallel_loop3A_228 = tpu.memref_slice %arg6[%parallel_loop3A_226, %parallel_loop3A_151, %parallel_loop3A_227] : memref<2x160x64xf32, #tpu.memory_space<vmem>> -> memref<1x1x64xf32, #tpu.memory_space<vmem>>
          %parallel_loop3A_229 = tpu.memref_squeeze %parallel_loop3A_228 : memref<1x1x64xf32, #tpu.memory_space<vmem>> -> memref<64xf32, #tpu.memory_space<vmem>>
          %parallel_loop3A_230 = arith.constant 0 : i32
          %parallel_loop3A_231 = tpu.memref_slice %arg3[%parallel_loop3A_223, %parallel_loop3A_225, %parallel_loop3A_230] : memref<125000x8x64xf32, #tpu.memory_space<hbm>> -> memref<1x1x64xf32, #tpu.memory_space<hbm>>
          %parallel_loop3A_232 = tpu.memref_squeeze %parallel_loop3A_231 : memref<1x1x64xf32, #tpu.memory_space<hbm>> -> memref<64xf32, #tpu.memory_space<hbm>>
          %parallel_loop3A_233 = arith.constant 0 : i32
          %parallel_loop3A_234 = tpu.memref_slice %arg6[%parallel_loop3A_226, %parallel_loop3A_151, %parallel_loop3A_233] : memref<2x160x64xf32, #tpu.memory_space<vmem>> -> memref<1x1x64xf32, #tpu.memory_space<vmem>>
          %parallel_loop3A_235 = tpu.memref_squeeze %parallel_loop3A_234 : memref<1x1x64xf32, #tpu.memory_space<vmem>> -> memref<64xf32, #tpu.memory_space<vmem>>
          %parallel_loop3A_236 = arith.constant 0 : i32
          %parallel_loop3A_237 = tpu.memref_slice %arg3[%parallel_loop3A_223, %parallel_loop3A_225, %parallel_loop3A_236] : memref<125000x8x64xf32, #tpu.memory_space<hbm>> -> memref<1x1x64xf32, #tpu.memory_space<hbm>>
          %parallel_loop3A_238 = tpu.memref_squeeze %parallel_loop3A_237 : memref<1x1x64xf32, #tpu.memory_space<hbm>> -> memref<64xf32, #tpu.memory_space<hbm>>
          tpu.enqueue_dma source(%parallel_loop3A_238 : memref<64xf32, #tpu.memory_space<hbm>>) target(%parallel_loop3A_235 : memref<64xf32, #tpu.memory_space<vmem>>) target_semaphore(%arg8 : memref<!tpu.dma_semaphore, #tpu.memory_space<semaphore_mem>>)
        } {sc.loop_unroll_factor = 2 : i64, sc.parallel_access}
      } else {
      }
      %eq3A = arith.constant 19 : i32
      %eq3A_78 = arith.cmpi eq, %add3A_50, %eq3A : i32
      %convert_element_type3A_79 = arith.extui %eq3A_78 : i1 to i32
      %cond3A_80 = arith.constant 0 : i32
      %cond3A_81 = arith.cmpi ne, %convert_element_type3A_79, %cond3A_80 : i32
      scf.if %cond3A_81 {
        %parallel_loop3A = arith.constant 0 : i32
        %parallel_loop3A_145 = arith.constant 160 : i32
        %parallel_loop3A_146 = arith.constant 1 : i32
        scf.for %parallel_loop3A_147 = %parallel_loop3A to %parallel_loop3A_145 step %parallel_loop3A_146  : i32 {
          %parallel_loop3A_148 = arith.constant 0 : i32
          %parallel_loop3A_149 = arith.index_cast %parallel_loop3A_148 : i32 to index
          %parallel_loop3A_150 = arith.index_cast %parallel_loop3A_147 : i32 to index
          %parallel_loop3A_151 = arith.constant 0 : index
          %parallel_loop3A_152 = tpu.vector_load %arg6[%parallel_loop3A_149, %parallel_loop3A_150, %parallel_loop3A_151] {strides = array<i32>} : memref<2x160x64xf32, #tpu.memory_space<vmem>>, vector<1x1x16xf32>,
          %parallel_loop3A_153 = vector.shape_cast %parallel_loop3A_152 : vector<1x1x16xf32> to vector<16xf32>
          %parallel_loop3A_154 = arith.constant 8.000000e+00 : f32
          %parallel_loop3A_155 = vector.broadcast %parallel_loop3A_154 : f32 to vector<16xf32>
          %parallel_loop3A_156 = arith.mulf %parallel_loop3A_153, %parallel_loop3A_155 : vector<16xf32>
          %parallel_loop3A_157 = arith.constant 0 : i32
          %parallel_loop3A_158 = arith.index_cast %parallel_loop3A_157 : i32 to index
          %parallel_loop3A_159 = arith.index_cast %parallel_loop3A_147 : i32 to index
          %parallel_loop3A_160 = arith.constant 0 : index
          %parallel_loop3A_161 = tpu.vector_load %arg7[%parallel_loop3A_158, %parallel_loop3A_159, %parallel_loop3A_160] {strides = array<i32>} : memref<2x160x64xf32, #tpu.memory_space<vmem>>, vector<1x1x16xf32>,
          %parallel_loop3A_162 = vector.shape_cast %parallel_loop3A_161 : vector<1x1x16xf32> to vector<16xf32>
          %parallel_loop3A_163 = vector.shape_cast %parallel_loop3A_156 : vector<16xf32> to vector<1x1x16xf32>
          tpu.vector_store %arg7[%parallel_loop3A_158, %parallel_loop3A_159, %parallel_loop3A_160], %parallel_loop3A_163 {strides = array<i32>} : memref<2x160x64xf32, #tpu.memory_space<vmem>>, vector<1x1x16xf32>,
          %parallel_loop3A_164 = arith.constant 0 : i32
          %parallel_loop3A_165 = arith.index_cast %parallel_loop3A_164 : i32 to index
          %parallel_loop3A_166 = arith.index_cast %parallel_loop3A_147 : i32 to index
          %parallel_loop3A_167 = arith.constant 16 : index
          %parallel_loop3A_168 = tpu.vector_load %arg6[%parallel_loop3A_165, %parallel_loop3A_166, %parallel_loop3A_167] {strides = array<i32>} : memref<2x160x64xf32, #tpu.memory_space<vmem>>, vector<1x1x16xf32>,
          %parallel_loop3A_169 = vector.shape_cast %parallel_loop3A_168 : vector<1x1x16xf32> to vector<16xf32>
          %parallel_loop3A_170 = arith.constant 8.000000e+00 : f32
          %parallel_loop3A_171 = vector.broadcast %parallel_loop3A_170 : f32 to vector<16xf32>
          %parallel_loop3A_172 = arith.mulf %parallel_loop3A_169, %parallel_loop3A_171 : vector<16xf32>
          %parallel_loop3A_173 = arith.constant 0 : i32
          %parallel_loop3A_174 = arith.index_cast %parallel_loop3A_173 : i32 to index
          %parallel_loop3A_175 = arith.index_cast %parallel_loop3A_147 : i32 to index
          %parallel_loop3A_176 = arith.constant 16 : index
          %parallel_loop3A_177 = tpu.vector_load %arg7[%parallel_loop3A_174, %parallel_loop3A_175, %parallel_loop3A_176] {strides = array<i32>} : memref<2x160x64xf32, #tpu.memory_space<vmem>>, vector<1x1x16xf32>,
          %parallel_loop3A_178 = vector.shape_cast %parallel_loop3A_177 : vector<1x1x16xf32> to vector<16xf32>
          %parallel_loop3A_179 = vector.shape_cast %parallel_loop3A_172 : vector<16xf32> to vector<1x1x16xf32>
          tpu.vector_store %arg7[%parallel_loop3A_174, %parallel_loop3A_175, %parallel_loop3A_176], %parallel_loop3A_179 {strides = array<i32>} : memref<2x160x64xf32, #tpu.memory_space<vmem>>, vector<1x1x16xf32>,
          %parallel_loop3A_180 = arith.constant 0 : i32
          %parallel_loop3A_181 = arith.index_cast %parallel_loop3A_180 : i32 to index
          %parallel_loop3A_182 = arith.index_cast %parallel_loop3A_147 : i32 to index
          %parallel_loop3A_183 = arith.constant 32 : index
          %parallel_loop3A_184 = tpu.vector_load %arg6[%parallel_loop3A_181, %parallel_loop3A_182, %parallel_loop3A_183] {strides = array<i32>} : memref<2x160x64xf32, #tpu.memory_space<vmem>>, vector<1x1x16xf32>,
          %parallel_loop3A_185 = vector.shape_cast %parallel_loop3A_184 : vector<1x1x16xf32> to vector<16xf32>
          %parallel_loop3A_186 = arith.constant 8.000000e+00 : f32
          %parallel_loop3A_187 = vector.broadcast %parallel_loop3A_186 : f32 to vector<16xf32>
          %parallel_loop3A_188 = arith.mulf %parallel_loop3A_185, %parallel_loop3A_187 : vector<16xf32>
          %parallel_loop3A_189 = arith.constant 0 : i32
          %parallel_loop3A_190 = arith.index_cast %parallel_loop3A_189 : i32 to index
          %parallel_loop3A_191 = arith.index_cast %parallel_loop3A_147 : i32 to index
          %parallel_loop3A_192 = arith.constant 32 : index
          %parallel_loop3A_193 = tpu.vector_load %arg7[%parallel_loop3A_190, %parallel_loop3A_191, %parallel_loop3A_192] {strides = array<i32>} : memref<2x160x64xf32, #tpu.memory_space<vmem>>, vector<1x1x16xf32>,
          %parallel_loop3A_194 = vector.shape_cast %parallel_loop3A_193 : vector<1x1x16xf32> to vector<16xf32>
          %parallel_loop3A_195 = vector.shape_cast %parallel_loop3A_188 : vector<16xf32> to vector<1x1x16xf32>
          tpu.vector_store %arg7[%parallel_loop3A_190, %parallel_loop3A_191, %parallel_loop3A_192], %parallel_loop3A_195 {strides = array<i32>} : memref<2x160x64xf32, #tpu.memory_space<vmem>>, vector<1x1x16xf32>,
          %parallel_loop3A_196 = arith.constant 0 : i32
          %parallel_loop3A_197 = arith.index_cast %parallel_loop3A_196 : i32 to index
          %parallel_loop3A_198 = arith.index_cast %parallel_loop3A_147 : i32 to index
          %parallel_loop3A_199 = arith.constant 48 : index
          %parallel_loop3A_200 = tpu.vector_load %arg6[%parallel_loop3A_197, %parallel_loop3A_198, %parallel_loop3A_199] {strides = array<i32>} : memref<2x160x64xf32, #tpu.memory_space<vmem>>, vector<1x1x16xf32>,
          %parallel_loop3A_201 = vector.shape_cast %parallel_loop3A_200 : vector<1x1x16xf32> to vector<16xf32>
          %parallel_loop3A_202 = arith.constant 8.000000e+00 : f32
          %parallel_loop3A_203 = vector.broadcast %parallel_loop3A_202 : f32 to vector<16xf32>
          %parallel_loop3A_204 = arith.mulf %parallel_loop3A_201, %parallel_loop3A_203 : vector<16xf32>
          %parallel_loop3A_205 = arith.constant 0 : i32
          %parallel_loop3A_206 = arith.index_cast %parallel_loop3A_205 : i32 to index
          %parallel_loop3A_207 = arith.index_cast %parallel_loop3A_147 : i32 to index
          %parallel_loop3A_208 = arith.constant 48 : index
          %parallel_loop3A_209 = tpu.vector_load %arg7[%parallel_loop3A_206, %parallel_loop3A_207, %parallel_loop3A_208] {strides = array<i32>} : memref<2x160x64xf32, #tpu.memory_space<vmem>>, vector<1x1x16xf32>,
          %parallel_loop3A_210 = vector.shape_cast %parallel_loop3A_209 : vector<1x1x16xf32> to vector<16xf32>
          %parallel_loop3A_211 = vector.shape_cast %parallel_loop3A_204 : vector<16xf32> to vector<1x1x16xf32>
          tpu.vector_store %arg7[%parallel_loop3A_206, %parallel_loop3A_207, %parallel_loop3A_208], %parallel_loop3A_211 {strides = array<i32>} : memref<2x160x64xf32, #tpu.memory_space<vmem>>, vector<1x1x16xf32>,
        } {sc.loop_unroll_factor = 4 : i64, sc.parallel_access}
      } else {
      }
      %add3A_82 = arith.addi %mul3A_2, %mul3A_56 : i32
      %dma_start3A = arith.constant 0 : i32
      %dma_start3A_83 = arith.constant 0 : i32
      %dma_start3A_84 = arith.constant 0 : i32
      %dma_start3A_85 = tpu.memref_slice %arg7[%dma_start3A, %dma_start3A_83, %dma_start3A_84] : memref<2x160x64xf32, #tpu.memory_space<vmem>> -> memref<1x160x64xf32, #tpu.memory_space<vmem>>
      %dma_start3A_86 = tpu.memref_squeeze %dma_start3A_85 : memref<1x160x64xf32, #tpu.memory_space<vmem>> -> memref<160x64xf32, #tpu.memory_space<vmem>>
      %dma_start3A_87 = arith.constant 0 : i32
      %dma_start3A_88 = tpu.memref_slice %arg4[%add3A_82, %dma_start3A_87] : memref<204800x64xf32, #tpu.memory_space<hbm>> -> memref<160x64xf32, #tpu.memory_space<hbm>>
      %dma_start3A_89 = arith.constant 0 : i32
      %dma_start3A_90 = tpu.memref_slice %arg4[%add3A_82, %dma_start3A_89] : memref<204800x64xf32, #tpu.memory_space<hbm>> -> memref<160x64xf32, #tpu.memory_space<hbm>>
      %dma_start3A_91 = arith.constant 0 : i32
      %dma_start3A_92 = arith.constant 0 : i32
      %dma_start3A_93 = tpu.memref_slice %arg7[%dma_start3A, %dma_start3A_91, %dma_start3A_92] : memref<2x160x64xf32, #tpu.memory_space<vmem>> -> memref<1x160x64xf32, #tpu.memory_space<vmem>>
      %dma_start3A_94 = tpu.memref_squeeze %dma_start3A_93 : memref<1x160x64xf32, #tpu.memory_space<vmem>> -> memref<160x64xf32, #tpu.memory_space<vmem>>
      tpu.enqueue_dma source(%dma_start3A_94 : memref<160x64xf32, #tpu.memory_space<vmem>>) target(%dma_start3A_90 : memref<160x64xf32, #tpu.memory_space<hbm>>) target_semaphore(%arg10 : memref<!tpu.dma_semaphore, #tpu.memory_space<semaphore_mem>>)
      %mul3A_95 = arith.constant 2 : i32
      %mul3A_96 = arith.muli %add3A_50, %mul3A_95 : i32
      %add3A_97 = arith.constant 1 : i32
      %add3A_98 = arith.addi %mul3A_96, %add3A_97 : i32
      %mul3A_99 = arith.constant 160 : i32
      %mul3A_100 = arith.muli %add3A_98, %mul3A_99 : i32
      %dma_wait3A_101 = arith.constant 1 : i32
      %dma_wait3A_102 = arith.constant 0 : i32
      %dma_wait3A_103 = arith.constant 0 : i32
      %dma_wait3A_104 = tpu.memref_slice %arg6[%dma_wait3A_101, %dma_wait3A_102, %dma_wait3A_103] : memref<2x160x64xf32, #tpu.memory_space<vmem>> -> memref<1x160x64xf32, #tpu.memory_space<vmem>>
      %dma_wait3A_105 = tpu.memref_squeeze %dma_wait3A_104 : memref<1x160x64xf32, #tpu.memory_space<vmem>> -> memref<160x64xf32, #tpu.memory_space<vmem>>
      %dma_wait3A_106 = arith.constant 0 : i32
      %dma_wait3A_107 = arith.constant 0 : i32
      %dma_wait3A_108 = tpu.memref_slice %arg4[%dma_wait3A_106, %dma_wait3A_107] : memref<204800x64xf32, #tpu.memory_space<hbm>> -> memref<160x64xf32, #tpu.memory_space<hbm>>
      %dma_wait3A_109 = arith.constant 0 : i32
      %dma_wait3A_110 = arith.constant 0 : i32
      %dma_wait3A_111 = tpu.memref_slice %arg6[%dma_wait3A_101, %dma_wait3A_109, %dma_wait3A_110] : memref<2x160x64xf32, #tpu.memory_space<vmem>> -> memref<1x160x64xf32, #tpu.memory_space<vmem>>
      %dma_wait3A_112 = tpu.memref_squeeze %dma_wait3A_111 : memref<1x160x64xf32, #tpu.memory_space<vmem>> -> memref<160x64xf32, #tpu.memory_space<vmem>>
      %dma_wait3A_113 = arith.constant 0 : i32
      %dma_wait3A_114 = arith.constant 0 : i32
      %dma_wait3A_115 = tpu.memref_slice %arg4[%dma_wait3A_113, %dma_wait3A_114] : memref<204800x64xf32, #tpu.memory_space<hbm>> -> memref<160x64xf32, #tpu.memory_space<hbm>>
      tpu.wait_dma2 semaphore(%arg9 : memref<!tpu.dma_semaphore, #tpu.memory_space<semaphore_mem>>) src(%dma_wait3A_115 : memref<160x64xf32, #tpu.memory_space<hbm>>) dst(%dma_wait3A_112 : memref<160x64xf32, #tpu.memory_space<vmem>>)
      %gt3A_116 = arith.constant 0 : i32
      %gt3A_117 = arith.cmpi sgt, %add3A_50, %gt3A_116 : i32
      %convert_element_type3A_118 = arith.extui %gt3A_117 : i1 to i32
      %cond3A_119 = arith.constant 0 : i32
      %cond3A_120 = arith.cmpi ne, %convert_element_type3A_118, %cond3A_119 : i32
      scf.if %cond3A_120 {
        %dma_wait3A_145 = arith.constant 1 : i32
        %dma_wait3A_146 = arith.constant 0 : i32
        %dma_wait3A_147 = arith.constant 0 : i32
        %dma_wait3A_148 = tpu.memref_slice %arg7[%dma_wait3A_145, %dma_wait3A_146, %dma_wait3A_147] : memref<2x160x64xf32, #tpu.memory_space<vmem>> -> memref<1x160x64xf32, #tpu.memory_space<vmem>>
        %dma_wait3A_149 = tpu.memref_squeeze %dma_wait3A_148 : memref<1x160x64xf32, #tpu.memory_space<vmem>> -> memref<160x64xf32, #tpu.memory_space<vmem>>
        %dma_wait3A_150 = arith.constant 0 : i32
        %dma_wait3A_151 = arith.constant 0 : i32
        %dma_wait3A_152 = tpu.memref_slice %arg4[%dma_wait3A_150, %dma_wait3A_151] : memref<204800x64xf32, #tpu.memory_space<hbm>> -> memref<160x64xf32, #tpu.memory_space<hbm>>
        %dma_wait3A_153 = arith.constant 0 : i32
        %dma_wait3A_154 = arith.constant 0 : i32
        %dma_wait3A_155 = tpu.memref_slice %arg4[%dma_wait3A_153, %dma_wait3A_154] : memref<204800x64xf32, #tpu.memory_space<hbm>> -> memref<160x64xf32, #tpu.memory_space<hbm>>
        %dma_wait3A_156 = arith.constant 0 : i32
        %dma_wait3A_157 = arith.constant 0 : i32
        %dma_wait3A_158 = tpu.memref_slice %arg7[%dma_wait3A_145, %dma_wait3A_156, %dma_wait3A_157] : memref<2x160x64xf32, #tpu.memory_space<vmem>> -> memref<1x160x64xf32, #tpu.memory_space<vmem>>
        %dma_wait3A_159 = tpu.memref_squeeze %dma_wait3A_158 : memref<1x160x64xf32, #tpu.memory_space<vmem>> -> memref<160x64xf32, #tpu.memory_space<vmem>>
        tpu.wait_dma2 semaphore(%arg11 : memref<!tpu.dma_semaphore, #tpu.memory_space<semaphore_mem>>) src(%dma_wait3A_159 : memref<160x64xf32, #tpu.memory_space<vmem>>) dst(%dma_wait3A_155 : memref<160x64xf32, #tpu.memory_space<hbm>>)
      } else {
      }
      %lt3A_121 = arith.constant 19 : i32
      %lt3A_122 = arith.cmpi slt, %add3A_50, %lt3A_121 : i32
      %convert_element_type3A_123 = arith.extui %lt3A_122 : i1 to i32
      %cond3A_124 = arith.constant 0 : i32
      %cond3A_125 = arith.cmpi ne, %convert_element_type3A_123, %cond3A_124 : i32
      scf.if %cond3A_125 {
        %add3A_145 = arith.constant 2 : i32
        %add3A_146 = arith.addi %add3A_98, %add3A_145 : i32
        %mul3A_147 = arith.constant 160 : i32
        %mul3A_148 = arith.muli %add3A_146, %mul3A_147 : i32
        %parallel_loop3A = arith.constant 0 : i32
        %parallel_loop3A_149 = arith.constant 160 : i32
        %parallel_loop3A_150 = arith.constant 1 : i32
        scf.for %parallel_loop3A_151 = %parallel_loop3A to %parallel_loop3A_149 step %parallel_loop3A_150  : i32 {
          %parallel_loop3A_152 = arith.addi %mul3A_148, %parallel_loop3A_151 : i32
          %parallel_loop3A_153 = arith.index_cast %parallel_loop3A_152 : i32 to index
          %parallel_loop3A_154 = tpu.vector_load %arg5[%parallel_loop3A_153] {strides = array<i32>} : memref<6416xi32, #tpu.memory_space<vmem>>, vector<16xi32>,
          %parallel_loop3A_155 = vector.shape_cast %parallel_loop3A_154 : vector<16xi32> to vector<16xi32>
          %parallel_loop3A_156 = vector.extract_strided_slice %parallel_loop3A_155 {offsets = [0], sizes = [1], strides = [1]} : vector<16xi32> to vector<1xi32>
          %parallel_loop3A_157 = vector.extract %parallel_loop3A_156[0] : i32 from vector<1xi32>
          %parallel_loop3A_158 = arith.constant 1 : i32
          %parallel_loop3A_159 = arith.index_cast %parallel_loop3A_158 : i32 to index
          %parallel_loop3A_160 = arith.index_cast %parallel_loop3A_151 : i32 to index
          %parallel_loop3A_161 = arith.constant 0 : index
          %parallel_loop3A_162 = tpu.vector_load %arg6[%parallel_loop3A_159, %parallel_loop3A_160, %parallel_loop3A_161] {strides = array<i32>} : memref<2x160x64xf32, #tpu.memory_space<vmem>>, vector<1x1x16xf32>,
          %parallel_loop3A_163 = vector.shape_cast %parallel_loop3A_162 : vector<1x1x16xf32> to vector<16xf32>
          %parallel_loop3A_164 = arith.constant 8.000000e+00 : f32
          %parallel_loop3A_165 = vector.broadcast %parallel_loop3A_164 : f32 to vector<16xf32>
          %parallel_loop3A_166 = arith.mulf %parallel_loop3A_163, %parallel_loop3A_165 : vector<16xf32>
          %parallel_loop3A_167 = arith.constant 1 : i32
          %parallel_loop3A_168 = arith.index_cast %parallel_loop3A_167 : i32 to index
          %parallel_loop3A_169 = arith.index_cast %parallel_loop3A_151 : i32 to index
          %parallel_loop3A_170 = arith.constant 0 : index
          %parallel_loop3A_171 = tpu.vector_load %arg7[%parallel_loop3A_168, %parallel_loop3A_169, %parallel_loop3A_170] {strides = array<i32>} : memref<2x160x64xf32, #tpu.memory_space<vmem>>, vector<1x1x16xf32>,
          %parallel_loop3A_172 = vector.shape_cast %parallel_loop3A_171 : vector<1x1x16xf32> to vector<16xf32>
          %parallel_loop3A_173 = vector.shape_cast %parallel_loop3A_166 : vector<16xf32> to vector<1x1x16xf32>
          tpu.vector_store %arg7[%parallel_loop3A_168, %parallel_loop3A_169, %parallel_loop3A_170], %parallel_loop3A_173 {strides = array<i32>} : memref<2x160x64xf32, #tpu.memory_space<vmem>>, vector<1x1x16xf32>,
          %parallel_loop3A_174 = arith.constant 1 : i32
          %parallel_loop3A_175 = arith.index_cast %parallel_loop3A_174 : i32 to index
          %parallel_loop3A_176 = arith.index_cast %parallel_loop3A_151 : i32 to index
          %parallel_loop3A_177 = arith.constant 16 : index
          %parallel_loop3A_178 = tpu.vector_load %arg6[%parallel_loop3A_175, %parallel_loop3A_176, %parallel_loop3A_177] {strides = array<i32>} : memref<2x160x64xf32, #tpu.memory_space<vmem>>, vector<1x1x16xf32>,
          %parallel_loop3A_179 = vector.shape_cast %parallel_loop3A_178 : vector<1x1x16xf32> to vector<16xf32>
          %parallel_loop3A_180 = arith.constant 8.000000e+00 : f32
          %parallel_loop3A_181 = vector.broadcast %parallel_loop3A_180 : f32 to vector<16xf32>
          %parallel_loop3A_182 = arith.mulf %parallel_loop3A_179, %parallel_loop3A_181 : vector<16xf32>
          %parallel_loop3A_183 = arith.constant 1 : i32
          %parallel_loop3A_184 = arith.index_cast %parallel_loop3A_183 : i32 to index
          %parallel_loop3A_185 = arith.index_cast %parallel_loop3A_151 : i32 to index
          %parallel_loop3A_186 = arith.constant 16 : index
          %parallel_loop3A_187 = tpu.vector_load %arg7[%parallel_loop3A_184, %parallel_loop3A_185, %parallel_loop3A_186] {strides = array<i32>} : memref<2x160x64xf32, #tpu.memory_space<vmem>>, vector<1x1x16xf32>,
          %parallel_loop3A_188 = vector.shape_cast %parallel_loop3A_187 : vector<1x1x16xf32> to vector<16xf32>
          %parallel_loop3A_189 = vector.shape_cast %parallel_loop3A_182 : vector<16xf32> to vector<1x1x16xf32>
          tpu.vector_store %arg7[%parallel_loop3A_184, %parallel_loop3A_185, %parallel_loop3A_186], %parallel_loop3A_189 {strides = array<i32>} : memref<2x160x64xf32, #tpu.memory_space<vmem>>, vector<1x1x16xf32>,
          %parallel_loop3A_190 = arith.constant 1 : i32
          %parallel_loop3A_191 = arith.index_cast %parallel_loop3A_190 : i32 to index
          %parallel_loop3A_192 = arith.index_cast %parallel_loop3A_151 : i32 to index
          %parallel_loop3A_193 = arith.constant 32 : index
          %parallel_loop3A_194 = tpu.vector_load %arg6[%parallel_loop3A_191, %parallel_loop3A_192, %parallel_loop3A_193] {strides = array<i32>} : memref<2x160x64xf32, #tpu.memory_space<vmem>>, vector<1x1x16xf32>,
          %parallel_loop3A_195 = vector.shape_cast %parallel_loop3A_194 : vector<1x1x16xf32> to vector<16xf32>
          %parallel_loop3A_196 = arith.constant 8.000000e+00 : f32
          %parallel_loop3A_197 = vector.broadcast %parallel_loop3A_196 : f32 to vector<16xf32>
          %parallel_loop3A_198 = arith.mulf %parallel_loop3A_195, %parallel_loop3A_197 : vector<16xf32>
          %parallel_loop3A_199 = arith.constant 1 : i32
          %parallel_loop3A_200 = arith.index_cast %parallel_loop3A_199 : i32 to index
          %parallel_loop3A_201 = arith.index_cast %parallel_loop3A_151 : i32 to index
          %parallel_loop3A_202 = arith.constant 32 : index
          %parallel_loop3A_203 = tpu.vector_load %arg7[%parallel_loop3A_200, %parallel_loop3A_201, %parallel_loop3A_202] {strides = array<i32>} : memref<2x160x64xf32, #tpu.memory_space<vmem>>, vector<1x1x16xf32>,
          %parallel_loop3A_204 = vector.shape_cast %parallel_loop3A_203 : vector<1x1x16xf32> to vector<16xf32>
          %parallel_loop3A_205 = vector.shape_cast %parallel_loop3A_198 : vector<16xf32> to vector<1x1x16xf32>
          tpu.vector_store %arg7[%parallel_loop3A_200, %parallel_loop3A_201, %parallel_loop3A_202], %parallel_loop3A_205 {strides = array<i32>} : memref<2x160x64xf32, #tpu.memory_space<vmem>>, vector<1x1x16xf32>,
          %parallel_loop3A_206 = arith.constant 1 : i32
          %parallel_loop3A_207 = arith.index_cast %parallel_loop3A_206 : i32 to index
          %parallel_loop3A_208 = arith.index_cast %parallel_loop3A_151 : i32 to index
          %parallel_loop3A_209 = arith.constant 48 : index
          %parallel_loop3A_210 = tpu.vector_load %arg6[%parallel_loop3A_207, %parallel_loop3A_208, %parallel_loop3A_209] {strides = array<i32>} : memref<2x160x64xf32, #tpu.memory_space<vmem>>, vector<1x1x16xf32>,
          %parallel_loop3A_211 = vector.shape_cast %parallel_loop3A_210 : vector<1x1x16xf32> to vector<16xf32>
          %parallel_loop3A_212 = arith.constant 8.000000e+00 : f32
          %parallel_loop3A_213 = vector.broadcast %parallel_loop3A_212 : f32 to vector<16xf32>
          %parallel_loop3A_214 = arith.mulf %parallel_loop3A_211, %parallel_loop3A_213 : vector<16xf32>
          %parallel_loop3A_215 = arith.constant 1 : i32
          %parallel_loop3A_216 = arith.index_cast %parallel_loop3A_215 : i32 to index
          %parallel_loop3A_217 = arith.index_cast %parallel_loop3A_151 : i32 to index
          %parallel_loop3A_218 = arith.constant 48 : index
          %parallel_loop3A_219 = tpu.vector_load %arg7[%parallel_loop3A_216, %parallel_loop3A_217, %parallel_loop3A_218] {strides = array<i32>} : memref<2x160x64xf32, #tpu.memory_space<vmem>>, vector<1x1x16xf32>,
          %parallel_loop3A_220 = vector.shape_cast %parallel_loop3A_219 : vector<1x1x16xf32> to vector<16xf32>
          %parallel_loop3A_221 = vector.shape_cast %parallel_loop3A_214 : vector<16xf32> to vector<1x1x16xf32>
          tpu.vector_store %arg7[%parallel_loop3A_216, %parallel_loop3A_217, %parallel_loop3A_218], %parallel_loop3A_221 {strides = array<i32>} : memref<2x160x64xf32, #tpu.memory_space<vmem>>, vector<1x1x16xf32>,
          %parallel_loop3A_222 = arith.constant 3 : i32
          %parallel_loop3A_223 = arith.shrsi %parallel_loop3A_157, %parallel_loop3A_222 : i32
          %parallel_loop3A_224 = arith.constant 7 : i32
          %parallel_loop3A_225 = arith.andi %parallel_loop3A_157, %parallel_loop3A_224 : i32
          %parallel_loop3A_226 = arith.constant 1 : i32
          %parallel_loop3A_227 = arith.constant 0 : i32
          %parallel_loop3A_228 = tpu.memref_slice %arg6[%parallel_loop3A_226, %parallel_loop3A_151, %parallel_loop3A_227] : memref<2x160x64xf32, #tpu.memory_space<vmem>> -> memref<1x1x64xf32, #tpu.memory_space<vmem>>
          %parallel_loop3A_229 = tpu.memref_squeeze %parallel_loop3A_228 : memref<1x1x64xf32, #tpu.memory_space<vmem>> -> memref<64xf32, #tpu.memory_space<vmem>>
          %parallel_loop3A_230 = arith.constant 0 : i32
          %parallel_loop3A_231 = tpu.memref_slice %arg3[%parallel_loop3A_223, %parallel_loop3A_225, %parallel_loop3A_230] : memref<125000x8x64xf32, #tpu.memory_space<hbm>> -> memref<1x1x64xf32, #tpu.memory_space<hbm>>
          %parallel_loop3A_232 = tpu.memref_squeeze %parallel_loop3A_231 : memref<1x1x64xf32, #tpu.memory_space<hbm>> -> memref<64xf32, #tpu.memory_space<hbm>>
          %parallel_loop3A_233 = arith.constant 0 : i32
          %parallel_loop3A_234 = tpu.memref_slice %arg6[%parallel_loop3A_226, %parallel_loop3A_151, %parallel_loop3A_233] : memref<2x160x64xf32, #tpu.memory_space<vmem>> -> memref<1x1x64xf32, #tpu.memory_space<vmem>>
          %parallel_loop3A_235 = tpu.memref_squeeze %parallel_loop3A_234 : memref<1x1x64xf32, #tpu.memory_space<vmem>> -> memref<64xf32, #tpu.memory_space<vmem>>
          %parallel_loop3A_236 = arith.constant 0 : i32
          %parallel_loop3A_237 = tpu.memref_slice %arg3[%parallel_loop3A_223, %parallel_loop3A_225, %parallel_loop3A_236] : memref<125000x8x64xf32, #tpu.memory_space<hbm>> -> memref<1x1x64xf32, #tpu.memory_space<hbm>>
          %parallel_loop3A_238 = tpu.memref_squeeze %parallel_loop3A_237 : memref<1x1x64xf32, #tpu.memory_space<hbm>> -> memref<64xf32, #tpu.memory_space<hbm>>
          tpu.enqueue_dma source(%parallel_loop3A_238 : memref<64xf32, #tpu.memory_space<hbm>>) target(%parallel_loop3A_235 : memref<64xf32, #tpu.memory_space<vmem>>) target_semaphore(%arg9 : memref<!tpu.dma_semaphore, #tpu.memory_space<semaphore_mem>>)
        } {sc.loop_unroll_factor = 2 : i64, sc.parallel_access}
      } else {
      }
      %eq3A_126 = arith.constant 19 : i32
      %eq3A_127 = arith.cmpi eq, %add3A_50, %eq3A_126 : i32
      %convert_element_type3A_128 = arith.extui %eq3A_127 : i1 to i32
      %cond3A_129 = arith.constant 0 : i32
      %cond3A_130 = arith.cmpi ne, %convert_element_type3A_128, %cond3A_129 : i32
      scf.if %cond3A_130 {
        %parallel_loop3A = arith.constant 0 : i32
        %parallel_loop3A_145 = arith.constant 160 : i32
        %parallel_loop3A_146 = arith.constant 1 : i32
        scf.for %parallel_loop3A_147 = %parallel_loop3A to %parallel_loop3A_145 step %parallel_loop3A_146  : i32 {
          %parallel_loop3A_148 = arith.constant 1 : i32
          %parallel_loop3A_149 = arith.index_cast %parallel_loop3A_148 : i32 to index
          %parallel_loop3A_150 = arith.index_cast %parallel_loop3A_147 : i32 to index
          %parallel_loop3A_151 = arith.constant 0 : index
          %parallel_loop3A_152 = tpu.vector_load %arg6[%parallel_loop3A_149, %parallel_loop3A_150, %parallel_loop3A_151] {strides = array<i32>} : memref<2x160x64xf32, #tpu.memory_space<vmem>>, vector<1x1x16xf32>,
          %parallel_loop3A_153 = vector.shape_cast %parallel_loop3A_152 : vector<1x1x16xf32> to vector<16xf32>
          %parallel_loop3A_154 = arith.constant 8.000000e+00 : f32
          %parallel_loop3A_155 = vector.broadcast %parallel_loop3A_154 : f32 to vector<16xf32>
          %parallel_loop3A_156 = arith.mulf %parallel_loop3A_153, %parallel_loop3A_155 : vector<16xf32>
          %parallel_loop3A_157 = arith.constant 1 : i32
          %parallel_loop3A_158 = arith.index_cast %parallel_loop3A_157 : i32 to index
          %parallel_loop3A_159 = arith.index_cast %parallel_loop3A_147 : i32 to index
          %parallel_loop3A_160 = arith.constant 0 : index
          %parallel_loop3A_161 = tpu.vector_load %arg7[%parallel_loop3A_158, %parallel_loop3A_159, %parallel_loop3A_160] {strides = array<i32>} : memref<2x160x64xf32, #tpu.memory_space<vmem>>, vector<1x1x16xf32>,
          %parallel_loop3A_162 = vector.shape_cast %parallel_loop3A_161 : vector<1x1x16xf32> to vector<16xf32>
          %parallel_loop3A_163 = vector.shape_cast %parallel_loop3A_156 : vector<16xf32> to vector<1x1x16xf32>
          tpu.vector_store %arg7[%parallel_loop3A_158, %parallel_loop3A_159, %parallel_loop3A_160], %parallel_loop3A_163 {strides = array<i32>} : memref<2x160x64xf32, #tpu.memory_space<vmem>>, vector<1x1x16xf32>,
          %parallel_loop3A_164 = arith.constant 1 : i32
          %parallel_loop3A_165 = arith.index_cast %parallel_loop3A_164 : i32 to index
          %parallel_loop3A_166 = arith.index_cast %parallel_loop3A_147 : i32 to index
          %parallel_loop3A_167 = arith.constant 16 : index
          %parallel_loop3A_168 = tpu.vector_load %arg6[%parallel_loop3A_165, %parallel_loop3A_166, %parallel_loop3A_167] {strides = array<i32>} : memref<2x160x64xf32, #tpu.memory_space<vmem>>, vector<1x1x16xf32>,
          %parallel_loop3A_169 = vector.shape_cast %parallel_loop3A_168 : vector<1x1x16xf32> to vector<16xf32>
          %parallel_loop3A_170 = arith.constant 8.000000e+00 : f32
          %parallel_loop3A_171 = vector.broadcast %parallel_loop3A_170 : f32 to vector<16xf32>
          %parallel_loop3A_172 = arith.mulf %parallel_loop3A_169, %parallel_loop3A_171 : vector<16xf32>
          %parallel_loop3A_173 = arith.constant 1 : i32
          %parallel_loop3A_174 = arith.index_cast %parallel_loop3A_173 : i32 to index
          %parallel_loop3A_175 = arith.index_cast %parallel_loop3A_147 : i32 to index
          %parallel_loop3A_176 = arith.constant 16 : index
          %parallel_loop3A_177 = tpu.vector_load %arg7[%parallel_loop3A_174, %parallel_loop3A_175, %parallel_loop3A_176] {strides = array<i32>} : memref<2x160x64xf32, #tpu.memory_space<vmem>>, vector<1x1x16xf32>,
          %parallel_loop3A_178 = vector.shape_cast %parallel_loop3A_177 : vector<1x1x16xf32> to vector<16xf32>
          %parallel_loop3A_179 = vector.shape_cast %parallel_loop3A_172 : vector<16xf32> to vector<1x1x16xf32>
          tpu.vector_store %arg7[%parallel_loop3A_174, %parallel_loop3A_175, %parallel_loop3A_176], %parallel_loop3A_179 {strides = array<i32>} : memref<2x160x64xf32, #tpu.memory_space<vmem>>, vector<1x1x16xf32>,
          %parallel_loop3A_180 = arith.constant 1 : i32
          %parallel_loop3A_181 = arith.index_cast %parallel_loop3A_180 : i32 to index
          %parallel_loop3A_182 = arith.index_cast %parallel_loop3A_147 : i32 to index
          %parallel_loop3A_183 = arith.constant 32 : index
          %parallel_loop3A_184 = tpu.vector_load %arg6[%parallel_loop3A_181, %parallel_loop3A_182, %parallel_loop3A_183] {strides = array<i32>} : memref<2x160x64xf32, #tpu.memory_space<vmem>>, vector<1x1x16xf32>,
          %parallel_loop3A_185 = vector.shape_cast %parallel_loop3A_184 : vector<1x1x16xf32> to vector<16xf32>
          %parallel_loop3A_186 = arith.constant 8.000000e+00 : f32
          %parallel_loop3A_187 = vector.broadcast %parallel_loop3A_186 : f32 to vector<16xf32>
          %parallel_loop3A_188 = arith.mulf %parallel_loop3A_185, %parallel_loop3A_187 : vector<16xf32>
          %parallel_loop3A_189 = arith.constant 1 : i32
          %parallel_loop3A_190 = arith.index_cast %parallel_loop3A_189 : i32 to index
          %parallel_loop3A_191 = arith.index_cast %parallel_loop3A_147 : i32 to index
          %parallel_loop3A_192 = arith.constant 32 : index
          %parallel_loop3A_193 = tpu.vector_load %arg7[%parallel_loop3A_190, %parallel_loop3A_191, %parallel_loop3A_192] {strides = array<i32>} : memref<2x160x64xf32, #tpu.memory_space<vmem>>, vector<1x1x16xf32>,
          %parallel_loop3A_194 = vector.shape_cast %parallel_loop3A_193 : vector<1x1x16xf32> to vector<16xf32>
          %parallel_loop3A_195 = vector.shape_cast %parallel_loop3A_188 : vector<16xf32> to vector<1x1x16xf32>
          tpu.vector_store %arg7[%parallel_loop3A_190, %parallel_loop3A_191, %parallel_loop3A_192], %parallel_loop3A_195 {strides = array<i32>} : memref<2x160x64xf32, #tpu.memory_space<vmem>>, vector<1x1x16xf32>,
          %parallel_loop3A_196 = arith.constant 1 : i32
          %parallel_loop3A_197 = arith.index_cast %parallel_loop3A_196 : i32 to index
          %parallel_loop3A_198 = arith.index_cast %parallel_loop3A_147 : i32 to index
          %parallel_loop3A_199 = arith.constant 48 : index
          %parallel_loop3A_200 = tpu.vector_load %arg6[%parallel_loop3A_197, %parallel_loop3A_198, %parallel_loop3A_199] {strides = array<i32>} : memref<2x160x64xf32, #tpu.memory_space<vmem>>, vector<1x1x16xf32>,
          %parallel_loop3A_201 = vector.shape_cast %parallel_loop3A_200 : vector<1x1x16xf32> to vector<16xf32>
          %parallel_loop3A_202 = arith.constant 8.000000e+00 : f32
          %parallel_loop3A_203 = vector.broadcast %parallel_loop3A_202 : f32 to vector<16xf32>
          %parallel_loop3A_204 = arith.mulf %parallel_loop3A_201, %parallel_loop3A_203 : vector<16xf32>
          %parallel_loop3A_205 = arith.constant 1 : i32
          %parallel_loop3A_206 = arith.index_cast %parallel_loop3A_205 : i32 to index
          %parallel_loop3A_207 = arith.index_cast %parallel_loop3A_147 : i32 to index
          %parallel_loop3A_208 = arith.constant 48 : index
          %parallel_loop3A_209 = tpu.vector_load %arg7[%parallel_loop3A_206, %parallel_loop3A_207, %parallel_loop3A_208] {strides = array<i32>} : memref<2x160x64xf32, #tpu.memory_space<vmem>>, vector<1x1x16xf32>,
          %parallel_loop3A_210 = vector.shape_cast %parallel_loop3A_209 : vector<1x1x16xf32> to vector<16xf32>
          %parallel_loop3A_211 = vector.shape_cast %parallel_loop3A_204 : vector<16xf32> to vector<1x1x16xf32>
          tpu.vector_store %arg7[%parallel_loop3A_206, %parallel_loop3A_207, %parallel_loop3A_208], %parallel_loop3A_211 {strides = array<i32>} : memref<2x160x64xf32, #tpu.memory_space<vmem>>, vector<1x1x16xf32>,
        } {sc.loop_unroll_factor = 4 : i64, sc.parallel_access}
      } else {
      }
      %add3A_131 = arith.addi %mul3A_2, %mul3A_100 : i32
      %dma_start3A_132 = arith.constant 1 : i32
      %dma_start3A_133 = arith.constant 0 : i32
      %dma_start3A_134 = arith.constant 0 : i32
      %dma_start3A_135 = tpu.memref_slice %arg7[%dma_start3A_132, %dma_start3A_133, %dma_start3A_134] : memref<2x160x64xf32, #tpu.memory_space<vmem>> -> memref<1x160x64xf32, #tpu.memory_space<vmem>>
      %dma_start3A_136 = tpu.memref_squeeze %dma_start3A_135 : memref<1x160x64xf32, #tpu.memory_space<vmem>> -> memref<160x64xf32, #tpu.memory_space<vmem>>
      %dma_start3A_137 = arith.constant 0 : i32
      %dma_start3A_138 = tpu.memref_slice %arg4[%add3A_131, %dma_start3A_137] : memref<204800x64xf32, #tpu.memory_space<hbm>> -> memref<160x64xf32, #tpu.memory_space<hbm>>
      %dma_start3A_139 = arith.constant 0 : i32
      %dma_start3A_140 = tpu.memref_slice %arg4[%add3A_131, %dma_start3A_139] : memref<204800x64xf32, #tpu.memory_space<hbm>> -> memref<160x64xf32, #tpu.memory_space<hbm>>
      %dma_start3A_141 = arith.constant 0 : i32
      %dma_start3A_142 = arith.constant 0 : i32
      %dma_start3A_143 = tpu.memref_slice %arg7[%dma_start3A_132, %dma_start3A_141, %dma_start3A_142] : memref<2x160x64xf32, #tpu.memory_space<vmem>> -> memref<1x160x64xf32, #tpu.memory_space<vmem>>
      %dma_start3A_144 = tpu.memref_squeeze %dma_start3A_143 : memref<1x160x64xf32, #tpu.memory_space<vmem>> -> memref<160x64xf32, #tpu.memory_space<vmem>>
      tpu.enqueue_dma source(%dma_start3A_144 : memref<160x64xf32, #tpu.memory_space<vmem>>) target(%dma_start3A_140 : memref<160x64xf32, #tpu.memory_space<hbm>>) target_semaphore(%arg11 : memref<!tpu.dma_semaphore, #tpu.memory_space<semaphore_mem>>)
    }
    %scan3A_16 = arith.constant 20 : i32
    %dma_wait3A = arith.constant 0 : i32
    %dma_wait3A_17 = arith.constant 0 : i32
    %dma_wait3A_18 = arith.constant 0 : i32
    %dma_wait3A_19 = tpu.memref_slice %arg7[%dma_wait3A, %dma_wait3A_17, %dma_wait3A_18] : memref<2x160x64xf32, #tpu.memory_space<vmem>> -> memref<1x160x64xf32, #tpu.memory_space<vmem>>
    %dma_wait3A_20 = tpu.memref_squeeze %dma_wait3A_19 : memref<1x160x64xf32, #tpu.memory_space<vmem>> -> memref<160x64xf32, #tpu.memory_space<vmem>>
    %dma_wait3A_21 = arith.constant 0 : i32
    %dma_wait3A_22 = arith.constant 0 : i32
    %dma_wait3A_23 = tpu.memref_slice %arg4[%dma_wait3A_21, %dma_wait3A_22] : memref<204800x64xf32, #tpu.memory_space<hbm>> -> memref<160x64xf32, #tpu.memory_space<hbm>>
    %dma_wait3A_24 = arith.constant 0 : i32
    %dma_wait3A_25 = arith.constant 0 : i32
    %dma_wait3A_26 = tpu.memref_slice %arg4[%dma_wait3A_24, %dma_wait3A_25] : memref<204800x64xf32, #tpu.memory_space<hbm>> -> memref<160x64xf32, #tpu.memory_space<hbm>>
    %dma_wait3A_27 = arith.constant 0 : i32
    %dma_wait3A_28 = arith.constant 0 : i32
    %dma_wait3A_29 = tpu.memref_slice %arg7[%dma_wait3A, %dma_wait3A_27, %dma_wait3A_28] : memref<2x160x64xf32, #tpu.memory_space<vmem>> -> memref<1x160x64xf32, #tpu.memory_space<vmem>>
    %dma_wait3A_30 = tpu.memref_squeeze %dma_wait3A_29 : memref<1x160x64xf32, #tpu.memory_space<vmem>> -> memref<160x64xf32, #tpu.memory_space<vmem>>
    tpu.wait_dma2 semaphore(%arg10 : memref<!tpu.dma_semaphore, #tpu.memory_space<semaphore_mem>>) src(%dma_wait3A_30 : memref<160x64xf32, #tpu.memory_space<vmem>>) dst(%dma_wait3A_26 : memref<160x64xf32, #tpu.memory_space<hbm>>)
    %dma_wait3A_31 = arith.constant 1 : i32
    %dma_wait3A_32 = arith.constant 0 : i32
    %dma_wait3A_33 = arith.constant 0 : i32
    %dma_wait3A_34 = tpu.memref_slice %arg7[%dma_wait3A_31, %dma_wait3A_32, %dma_wait3A_33] : memref<2x160x64xf32, #tpu.memory_space<vmem>> -> memref<1x160x64xf32, #tpu.memory_space<vmem>>
    %dma_wait3A_35 = tpu.memref_squeeze %dma_wait3A_34 : memref<1x160x64xf32, #tpu.memory_space<vmem>> -> memref<160x64xf32, #tpu.memory_space<vmem>>
    %dma_wait3A_36 = arith.constant 0 : i32
    %dma_wait3A_37 = arith.constant 0 : i32
    %dma_wait3A_38 = tpu.memref_slice %arg4[%dma_wait3A_36, %dma_wait3A_37] : memref<204800x64xf32, #tpu.memory_space<hbm>> -> memref<160x64xf32, #tpu.memory_space<hbm>>
    %dma_wait3A_39 = arith.constant 0 : i32
    %dma_wait3A_40 = arith.constant 0 : i32
    %dma_wait3A_41 = tpu.memref_slice %arg4[%dma_wait3A_39, %dma_wait3A_40] : memref<204800x64xf32, #tpu.memory_space<hbm>> -> memref<160x64xf32, #tpu.memory_space<hbm>>
    %dma_wait3A_42 = arith.constant 0 : i32
    %dma_wait3A_43 = arith.constant 0 : i32
    %dma_wait3A_44 = tpu.memref_slice %arg7[%dma_wait3A_31, %dma_wait3A_42, %dma_wait3A_43] : memref<2x160x64xf32, #tpu.memory_space<vmem>> -> memref<1x160x64xf32, #tpu.memory_space<vmem>>
    %dma_wait3A_45 = tpu.memref_squeeze %dma_wait3A_44 : memref<1x160x64xf32, #tpu.memory_space<vmem>> -> memref<160x64xf32, #tpu.memory_space<vmem>>
    tpu.wait_dma2 semaphore(%arg11 : memref<!tpu.dma_semaphore, #tpu.memory_space<semaphore_mem>>) src(%dma_wait3A_45 : memref<160x64xf32, #tpu.memory_space<vmem>>) dst(%dma_wait3A_41 : memref<160x64xf32, #tpu.memory_space<hbm>>)
    return
  }
}

</mosaic_0001>

<sc_bundles>
// kernel: kernel.3.cloned.1.call-start
scs
__scs_entry_jumppad:
0x0: {  	(pc) =	sbr.rel $0x88, $3  }
0x1: {  	(tag) =	ssettag $0x0;
	lr =	simm.s32 $0x1  }
0x2: {  	[smem:$0x3F9F] =	sst lr;
	_ =	strace $0xD0000000  }
0x3: {  	_ = 	snop  }
0x4: {  	_ = 	snop  }
0x5: {  	_ = 	snop  }
0x6: {  	_ = 	snop  }
0x7: {  	_ = 	snop  }
__scs_overlays_trampoline_lowered:
0x8: {  	[smem:$0x3FAE] =	sst s0  }
0x9: {  	[smem:$0x3FAF] =	sst s1  }
0xa: {  	[smem:$0x3FB0] =	sst s2  }
0xb: {  	[smem:$0x3FB1] =	sst s3  }
0xc: {  	[smem:$0x3FB2] =	sst s4  }
0xd: {  	[smem:$0x3FB3] =	sst s5  }
0xe: {  	[smem:$0x3FB4] =	sst s6  }
0xf: {  	[smem:$0x3FB5] =	sst s7  }
0x10: {  	[smem:$0x3FB6] =	sst s8  }
0x11: {  	[smem:$0x3FB7] =	sst s9;
	s0 =	simm.s32 @!p0 $0x0  }
0x12: {  	s1 =	sld [smem:$0x3F9D];
	s0 =	simm.s32 @p0 $0x1  }
0x13: {  	[smem:$0x3FB8] =	sst s0;
	s0 =	simm.s32 @!p1 $0x0  }
0x14: {  	s2 =	sld [smem:$0x3F9C];
	s0 =	simm.s32 @p1 $0x1  }
0x15: {  	[smem:$0x3FB9] =	sst s0;
	s0 =	simm.s32 @!p2 $0x0  }
0x16: {  	s3 =	sld [smem:$0x3FDB];
	s0 =	simm.s32 @p2 $0x1  }
0x17: {  	s4 =	simm.s32 $0x1BF5;
	[smem:$0x3FBB] =	sst s0  }
0x18: {  	s0 =	sld [smem:$0x3F9E];
	_ =	swait.ge [sflag:s4], $0x0  }
0x19: {  	s7 =	sld [smem:$0x3F9F]  }
0x1a: {  	s8 =	sadd.s32 $0xFFFFE003, lr  }
0x1b: {  	s9 =	sadd.s32 $0xFFFFFEF7, lr;
	s5 =	simm.s32 $0xFFFFFFFF;
	p2 =	slt.u32 s8, $0xFFFFF086  }
0x1c: {  	p1 =	slt.u32 s9, $0xF7A;
	s5 =	simm.s32 @!p2 $0x0  }
0x1d: {  	s5 =	simm.s32 @p1 $0x1;
	p0 =	seq.s32 s7, s2  }
0x1e: {  	s7 =	smul.u32 @!p0 $0xF7A, s2;
	p2 =	seq.s32 @!p0 s5, $0x0  }
0x1f: {  	s9 =	smul.u32 $0xF7A, s1;
	s8 =	simm.s32 @!p0 $0x1BF5;
	p2 =	por !p2, p0  }
0x20: {  	[sflag:s8] =	ssyncset.s32 @!p0 $0xFFFFF086;
	s6 =	sadd.s32 @!p0 s3, s7;
	s7 =	simm.s32 @!p0 $0x108  }
0x21: {  	s3 =	sadd.s32 s3, s9;
	s6 =	sadd.s32 @!p0 $0x88, s6;
	s7 =	simm.s32 @p2 $0x1082  }
0x22: {  	[simem:s7], [sflag:s8] =	dma.local @!p0 [hbm:s6], $0xF7A  }
0x23: {  	s9 =	sor.u32 $0xD0000000, s2;
	s6 =	simm.s32 $0x108;
	_ =	swait.ge @!p0 [sflag:s8], $0x0  }
0x24: {  	s3 =	sadd.s32 $0x88, s3;
	s6 =	simm.s32 @!p1 $0x1082;
	[sflag:s4] =	ssyncset.s32 $0xFFFFF086  }
0x25: {  	[simem:s6], [sflag:s4] =	dma.local [hbm:s3], $0xF7A  }
0x26: {  	[smem:$0x3F9F] =	sst s1;
	(tag) =	ssettag s2;
	_ =	strace s9  }
0x27: {  	s1 =	sld [smem:$0x3FAF]  }
0x28: {  	s2 =	sld [smem:$0x3FB0]  }
0x29: {  	s4 =	sld [smem:$0x3FB2]  }
0x2a: {  	p0 =	seq.s32 s5, $0x0;
	s5 =	sld [smem:$0x3FB3]  }
0x2b: {  	s6 =	sld [smem:$0x3FB4]  }
0x2c: {  	s7 =	sld [smem:$0x3FB5]  }
0x2d: {  	s3 =	simm.s32 $0x108;
	s8 =	sld [smem:$0x3FB6]  }
0x2e: {  	s3 =	simm.s32 @!p0 $0x1082;
	s9 =	sld [smem:$0x3FB7]  }
0x2f: {  	lr =	sadd.s32 s0, s3;
	s0 =	sld [smem:$0x3FAE]  }
0x30: {  	s3 =	sld [smem:$0x3FB1]  }
0x31: {  	[smem:$0x3FBA] =	sst s10  }
0x32: {  	s10 =	sld [smem:$0x3FB8];
	_ =	sdelay $0x3  }
0x33: {  	p0 =	seq.s32 s10, $0x1;
	s10 =	sld [smem:$0x3FBA];
	_ =	sdelay $0x3  }
0x34: {  	[smem:$0x3FBA] =	sst s10  }
0x35: {  	s10 =	sld [smem:$0x3FB9];
	_ =	sdelay $0x3  }
0x36: {  	p1 =	seq.s32 s10, $0x1;
	s10 =	sld [smem:$0x3FBA];
	_ =	sdelay $0x3  }
0x37: {  	[smem:$0x3FBA] =	sst s10  }
0x38: {  	s10 =	sld [smem:$0x3FBB]  }
0x39: {  	_ = 	snop;
	(pc) =	sbr.ind lr, $3  }
0x3a: {  	_ = 	snop  }
0x3b: {  	_ = 	snop  }
0x3c: {  	p2 =	seq.s32 s10, $0x1;
	s10 =	sld [smem:$0x3FBA]  }
0x3d: {  	_ =	shalt  }
0x3e: {  	_ =	shalt  }
0x3f: {  	_ =	shalt  }
0x40: {  	_ =	shalt  }
0x41: {  	_ =	shalt  }
0x42: {  	_ =	shalt  }
0x43: {  	_ =	shalt  }
0x44: {  	_ =	shalt  }
0x45: {  	_ =	shalt  }
0x46: {  	_ =	shalt  }
0x47: {  	_ =	shalt  }
0x48: {  	_ =	shalt  }
0x49: {  	_ =	shalt  }
0x4a: {  	_ =	shalt  }
0x4b: {  	_ =	shalt  }
0x4c: {  	_ =	shalt  }
0x4d: {  	_ =	shalt  }
0x4e: {  	_ =	shalt  }
0x4f: {  	_ =	shalt  }
0x50: {  	_ =	shalt  }
0x51: {  	_ =	shalt  }
0x52: {  	_ =	shalt  }
0x53: {  	_ =	shalt  }
0x54: {  	_ =	shalt  }
0x55: {  	_ =	shalt  }
0x56: {  	_ =	shalt  }
0x57: {  	_ =	shalt  }
0x58: {  	_ =	shalt  }
0x59: {  	_ =	shalt  }
0x5a: {  	_ =	shalt  }
0x5b: {  	_ =	shalt  }
0x5c: {  	_ =	shalt  }
0x5d: {  	_ =	shalt  }
0x5e: {  	_ =	shalt  }
0x5f: {  	_ =	shalt  }
0x60: {  	_ =	shalt  }
0x61: {  	_ =	shalt  }
0x62: {  	_ =	shalt  }
0x63: {  	_ =	shalt  }
0x64: {  	_ =	shalt  }
0x65: {  	_ =	shalt  }
0x66: {  	_ =	shalt  }
0x67: {  	_ =	shalt  }
0x68: {  	_ =	shalt  }
0x69: {  	_ =	shalt  }
0x6a: {  	_ =	shalt  }
0x6b: {  	_ =	shalt  }
0x6c: {  	_ =	shalt  }
0x6d: {  	_ =	shalt  }
0x6e: {  	_ =	shalt  }
0x6f: {  	_ =	shalt  }
0x70: {  	_ =	shalt  }
0x71: {  	_ =	shalt  }
0x72: {  	_ =	shalt  }
0x73: {  	_ =	shalt  }
0x74: {  	_ =	shalt  }
0x75: {  	_ =	shalt  }
0x76: {  	_ =	shalt  }
0x77: {  	_ =	shalt  }
0x78: {  	_ =	shalt  }
0x79: {  	_ =	shalt  }
0x7a: {  	_ =	shalt  }
0x7b: {  	_ =	shalt  }
0x7c: {  	_ =	shalt  }
0x7d: {  	_ =	shalt  }
0x7e: {  	_ =	shalt  }
0x7f: {  	_ =	shalt  }
0x80: {  	_ =	shalt  }
0x81: {  	_ =	shalt  }
0x82: {  	_ =	shalt  }
0x83: {  	_ =	shalt  }
0x84: {  	_ =	shalt  }
0x85: {  	_ =	shalt  }
0x86: {  	_ =	shalt  }
0x87: {  	_ =	shalt  }
.Lfunc_end0:
.L_simem_size_0:
called_computation.1_lowered:
.L_overlay_start_0:
0x88: {  	s2 =	sld [smem:$0x3FD9]  }
0x89: {  	s3 =	sld [smem:$0x3FFE];
	_ =	sdelay $0x1  }
0x8a: {  	s1 =	srdreg.scid  }
0x8b: {  	s0 =	sand.u32 $0x1, s1  }
0x8c: {  	s17 =	sshll.u32 s0, $0xA;
	s2 =	sadd.s32 s3, s2  }
0x8d: {  	s2 =	sadd.s32 s2, s17  }
0x8e: {  	[smem:$0x3FC6] =	sst s2  }
0x8f: {  	_ = 	snop  }
0x90: {  	s2 =	sld [smem:$0x3FD0];
	(tm) =	ssettm $0x1  }
0x91: {  	s18 =	sld [smem:$0x3FFB];
	_ =	sdelay $0x3  }
0x92: {  	_ =	strace s18  }
0x93: {  	s3 =	sld [smem:$0x3FFC];
	_ =	sdelay $0x3  }
0x94: {  	_ =	strace s3  }
0x95: {  	s3 =	sld [smem:$0x3FFD];
	_ =	sdelay $0x3  }
0x96: {  	_ =	strace s3  }
0x97: {  	_ =	strace $0x8FFFFFFF  }
0x98: {  	s19 =	sld [smem:$0x3FDB];
	_ =	sdelay $0x1  }
0x99: {  	s4 =	simm.s32 $_scs_section_size  }
0x9a: {  	s5 =	simm.s32 $_size__tile_overlayer_lowered;
	s6 =	simm.s32 $_tile_overlayer_lowered  }
0x9b: {  	s22 =	simm.s32 $0x1BFF;
	s21 =	sshll.u32 s6, $0x1;
	s3 =	sadd.s32 s4, s19  }
0x9c: {  	s7 =	simm.s32 $0x0;
	s20 =	sshll.u32 s5, $0x1;
	s5 =	sadd.s32 s21, s3  }
0x9d: {  	[timem:s7], [sflag:s22] =	dma.local [hbm:s5], s20  }
0x9e: {  	_ =	swait.ge [sflag:s22], s20  }
0x9f: {  	s4 =	ssub.s32 $0x0, s20;
	[sflag:s22] =	ssyncset.done $0x0  }
0xa0: {  	[sflag:s22] =	ssyncadd.s32 s4;
	_ =	sdelay $0x1  }
0xa1: {  	s23 =	simm.s32 $0x1B8B  }
0xa2: {  	_ =	swait.ge [sflag:s23], $0x1  }
0xa3: {  	[sflag:s23] =	ssyncset.done $0x0  }
0xa4: {  	s25 =	simm.s32 $0x1B8E;
	s24 =	sld [smem:$0x3FFE];
	[sflag:s23] =	ssyncadd.s32 $0xFFFFFFFF  }
0xa5: {  	s26 =	simm.s32 $execute0_lowered;
	[smem:$0x3FD2] =	sst s25  }
0xa6: {  	s5 =	sshll.u32 s26, $0x1;
	_ =	strace $0x80000046;
	[dreg:$0x1] =	wrdreg $0xFFFFFFFF  }
0xa7: {  	s28 =	simm.s32 $_size_execute0_lowered;
	s3 =	sadd.s32 s3, s5;
	[dreg:$0x0] =	wrdreg $0x0  }
0xa8: {  	s5 =	sshll.u32 s28, $0x1;
	[dreg:$0x2] =	wrdreg s3  }
0xa9: {  	[dreg:$0x3] =	wrdreg s5  }
0xaa: {  	[dreg:$0x4] =	wrdreg $0xC0  }
0xab: {  	_ =	task [dreg:s7], $0x5FFFF  }
0xac: {  	[dreg:$0x1] =	wrdreg $0xFFFFFFFF  }
0xad: {  	[dreg:$0x0] =	wrdreg $0x60  }
0xae: {  	[dreg:$0x2] =	wrdreg s2  }
0xaf: {  	[dreg:$0x3] =	wrdreg s24  }
0xb0: {  	[dreg:$0x4] =	wrdreg $0x9  }
0xb1: {  	_ =	task.clear_ibuf [dreg:s7], $0x5FFFF;
	_ =	strace $0x90000046  }
0xb2: {  	s29 =	simm.s32 $0x9;
	_ =	strace $0x80000048  }
0xb3: {  	_ =	swait.ge [sflag:s29], $0x1  }
0xb4: {  	[sflag:s29] =	ssyncadd.s32 $0xFFFFFFFF  }
0xb5: {  	_ =	strace $0x90000048  }
0xb6: {  	_ =	sfence  }
0xb7: {  	s30 =	sld [smem:$0x0];
	_ =	sdelay $0x2  }
0xb8: {  	s31 =	sshll.u32 s1, $0xD;
	s1 =	sshrl.u32 s1, $0x2  }
0xb9: {  	s3 =	sand.u32 $0x4000, s31;
	s1 =	sadd.s32 s1, s30  }
0xba: {  	s0 =	sor.u32 s3, s0;
	s1 =	sshll.u32 s1, $0x11  }
0xbb: {  	s0 =	sor.u32 s1, s0  }
0xbc: {  	s0 =	sadd.s32 $0x8F2B, s0  }
0xbd: {  	[sflag:s0] =	ssyncadd.remote.s32 $0x1  }
0xbe: {  	_ =	sfence.sel $0xFFFF  }
0xbf: {  	[dreg:$0x0] =	wrdreg $0xFFFFFFFF;
	(pc) =	sbr.abs _section_cstart, $3  }
0xc0: {  	[dreg:$0x1] =	wrdreg $0xFFFFFFFF  }
0xc1: {  	_ =	task.clear_ibuf [dreg:s7], $0x2FFFF;
	_ =	strace $0x9FFFFFFF  }
0xc2: {  	(tm) =	ssettm $0x7FFFFFFF  }
0xc3: {  	_ =	shalt  }
tec
execute0_lowered:
.L_overlay_start_1:
0x0: {  	(tag) =	ssettag $0x1  }
0x1: {  	s0 =	rddreg [dreg:$0x0];
	s1 =	srdreg.scid  }
0x2: {  	s2 =	stileid.u32;
	s5 =	rddreg [dreg:$0x1]  }
0x3: {  	s10 =	simm.s32 $0x1;
	s1 =	sand.u32 $0x1, s1;
	s3 =	sshll.u32 s2, $0x1  }
0x4: {  	s29 =	simm.s32 $0xB980;
	s12 =	simm.s32 $0x2;
	s3 =	sor.u32 s1, s3  }
0x5: {  	s30 =	simm.s32 $0x10980;
	s1 =	ssub.s32 $0x2, s1;
	s3 =	smul.u32 $0x1900, s3  }
.Ltmp0:
0x6: {  	s2 =	simm.s32 $0x0;
	s6 =	sshrl.u32 s1, $0x1;
	(pc) =	sbr.rel .LBB2_1-.Ltmp0, $4  }
0x7: {  	s4 =	sadd.s32 $0x800, s5;
	s5 =	sadd.s32 $0xF42C00, s5;
	s1 =	ssub.s32 s1, s6  }
0x8: {  	[smem:$0x7FF] =	sst s2;
	s7 =	sshrl.u32 s3, $0x3;
	s31 =	smax.u32 s1, $0x1  }
0x9: {  	_ =	strace $0x80000047;
	s0 =	sadd.s32 s0, s7;
	[dreg:$0x4] =	wrdreg s31  }
0xa: {  	s6 =	simm.s32 $0x0;
	s7 =	sor.u32 $0xA0, s3;
	[dreg:$0x3] =	wrdreg s0  }
.LBB2_21:
0xb: {  	s0 =	simm.s32 $0x3  }
0xc: {  	_ =	swait.ge [sflag:s0], $0x5000  }
0xd: {  	[sflag:s0] =	ssyncset.done $0x0  }
0xe: {  	s1 =	simm.s32 $0x4;
	[sflag:s0] =	ssyncadd.s32 $0xFFFFB000  }
0xf: {  	_ =	swait.ge [sflag:s1], $0x5000  }
0x10: {  	s6 =	rddreg [dreg:$0x5]  }
0x11: {  	s31 =	rddreg [dreg:$0x4];
	s6 =	sadd.s32 $0x1, s6  }
0x12: {  	p0 =	sne.s32 s6, s31  }
.Ltmp1:
0x13: {  	_ = 	snop;
	(pc) =	sbr.rel @!p0 .LBB2_22-.Ltmp1, $3  }
0x14: {  	_ =	sdelay $0x1  }
0x15: {  	[sflag:s1] =	ssyncset.done $0x0  }
0x16: {  	[sflag:s1] =	ssyncadd.s32 $0xFFFFB000  }
.LBB2_1:
0x17: {  	[dreg:$0x5] =	wrdreg s6  }
0x18: {  	s0 =	rddreg [dreg:$0x3];
	s31 =	simm.s32 $0x5  }
0x19: {  	[tilespmem:s2], [sflag:$0x5] =	stream.linear.gather [hbm4b:s0+s2], $0x1900, $0x38;
	[tilespmem:$0x15980] =	vst v63  }
0x1a: {  	_ =	swait.ge [sflag:s31], $0x1900  }
0x1b: {  	[sflag:s31] =	ssyncset.done $0x0  }
0x1c: {  	[sflag:s31] =	ssyncadd.s32 $0xFFFFE700  }
0x1d: {  	v0 =	vld [tilespmem:s2+$0x0];
	_ =	sdelay $0x4  }
0x1e: {  	v0 =	vshll.u32 v0, $0x4  }
0x1f: {  	(v2sf) =	vpush v0, $0x0  }
0x20: {  	(v2sf) =	vpush v0, $0x1  }
0x21: {  	(v2sf) =	vpush v0, $0x2;
	_ =	sdelay $0x1  }
0x22: {  	(v2sf) =	vpush v0, $0x4;
	_ =	sdelay $0x1  }
0x23: {  	(v2sf) =	vpush v0, $0x3  }
0x24: {  	(v2sf) =	vpush v0, $0x5  }
0x25: {  	s18 =	simm.s32 $0x0;
	s1 =	simm.s32 $0x0;
	s0 =	simm.s32 $0x2000;
	(v2sf) =	vpush v0, $0x6  }
.LBB2_2:
0x26: {  	p0 =	sne.s32 s0, $0x12000  }
0x27: {  	s11 =	sadd.s32 $0x1A00, s18;
	s20 =	sadd.s32 $0x1F00, s18;
	s6 =	smov.u32 s0  }
0x28: {  	s0 =	sadd.s32 $0x2000, s0;
	s15 =	sadd.s32 $0x1D00, s18;
	s8 =	sadd.s32 $0x1F80, s18;
	(v2sf) =	vpush v0, $0x7  }
0x29: {  	s21 =	sadd.s32 $0x1C00, s18;
	s9 =	sadd.s32 $0x1D80, s18;
	s19 =	sadd.s32 $0x2000, s18  }
0x2a: {  	s13 =	sadd.s32 $0x1980, s18;
	s22 =	sadd.s32 $0x1B80, s18;
	(v2sf) =	vpush v0, $0x8  }
0x2b: {  	s17 =	simm.s32 $0x0;
	s23 =	sadd.s32 $0x1C80, s18;
	s1 =	sadd.s32 $0x10, s1  }
0x2c: {  	s24 =	sadd.s32 $0x1A80, s18;
	s14 =	sadd.s32 $0x1E80, s18;
	s16 =	spop (v2sf);
	(v2sf) =	vpush v0, $0x9  }
0x2d: {  	s25 =	sand.u32 $0x1FFFFFF0, s16;
	s16 =	sadd.s32 $0x1E00, s18;
	s26 =	spop (v2sf)  }
0x2e: {  	s25 =	sadd.s32 s4, s25;
	s26 =	sand.u32 $0x1FFFFFF0, s26;
	s28 =	spop (v2sf);
	(v2sf) =	vpush v0, $0xA  }
0x2f: {  	[tilespmem:s13], [sflag:$0x1] =	stream.linear.gather [hbm4b:s25+s17], $0x80, $0x38;
	[tilespmem:$0x15980] =	vst v63  }
0x30: {  	s13 =	sadd.s32 s4, s26;
	s25 =	sadd.s32 $0x1B00, s18;
	s26 =	spop (v2sf);
	(v2sf) =	vpush v0, $0xB  }
0x31: {  	[tilespmem:s11], [sflag:$0x1] =	stream.linear.gather [hbm4b:s13+s17], $0x80, $0x38;
	[tilespmem:$0x15980] =	vst v63  }
0x32: {  	s11 =	sand.u32 $0x1FFFFFF0, s28;
	s13 =	sand.u32 $0x1FFFFFF0, s26;
	s26 =	spop (v2sf);
	(v2sf) =	vpush v0, $0xC  }
0x33: {  	s11 =	sadd.s32 s4, s11;
	s26 =	sand.u32 $0x1FFFFFF0, s26;
	s28 =	spop (v2sf)  }
0x34: {  	[tilespmem:s24], [sflag:$0x1] =	stream.linear.gather [hbm4b:s11+s17], $0x80, $0x38;
	(v2sf) =	vpush v0, $0xD;
	[tilespmem:$0x15980] =	vst v63  }
0x35: {  	s11 =	sadd.s32 s4, s26;
	s24 =	sand.u32 $0x1FFFFFF0, s28;
	s26 =	spop (v2sf)  }
0x36: {  	[tilespmem:s25], [sflag:$0x1] =	stream.linear.gather [hbm4b:s11+s17], $0x80, $0x38;
	(v2sf) =	vpush v0, $0xE;
	[tilespmem:$0x15980] =	vst v63  }
0x37: {  	s11 =	sadd.s32 s4, s13;
	s13 =	sand.u32 $0x1FFFFFF0, s26;
	s25 =	spop (v2sf)  }
0x38: {  	[tilespmem:s22], [sflag:$0x1] =	stream.linear.gather [hbm4b:s11+s17], $0x80, $0x38;
	(v2sf) =	vpush v0, $0xF;
	[tilespmem:$0x15980] =	vst v63  }
0x39: {  	s11 =	sadd.s32 s4, s24;
	s22 =	sand.u32 $0x1FFFFFF0, s25;
	s24 =	spop (v2sf)  }
0x3a: {  	[tilespmem:s21], [sflag:$0x1] =	stream.linear.gather [hbm4b:s11+s17], $0x80, $0x38;
	[tilespmem:$0x15980] =	vst v63  }
0x3b: {  	s11 =	sadd.s32 s4, s13;
	s13 =	sand.u32 $0x1FFFFFF0, s24;
	s21 =	spop (v2sf)  }
0x3c: {  	[tilespmem:s23], [sflag:$0x1] =	stream.linear.gather [hbm4b:s11+s17], $0x80, $0x38;
	[tilespmem:$0x15980] =	vst v63  }
0x3d: {  	s11 =	sadd.s32 s4, s22;
	s21 =	sand.u32 $0x1FFFFFF0, s21;
	s22 =	spop (v2sf)  }
0x3e: {  	[tilespmem:s15], [sflag:$0x1] =	stream.linear.gather [hbm4b:s11+s17], $0x80, $0x38;
	[tilespmem:$0x15980] =	vst v63  }
0x3f: {  	s11 =	sadd.s32 s4, s13;
	s13 =	sand.u32 $0x1FFFFFF0, s22;
	s15 =	spop (v2sf)  }
0x40: {  	[tilespmem:s9], [sflag:$0x1] =	stream.linear.gather [hbm4b:s11+s17], $0x80, $0x38;
	[tilespmem:$0x15980] =	vst v63  }
0x41: {  	s9 =	sadd.s32 s4, s21;
	s11 =	sand.u32 $0x1FFFFFF0, s15;
	s15 =	spop (v2sf)  }
0x42: {  	[tilespmem:s16], [sflag:$0x1] =	stream.linear.gather [hbm4b:s9+s17], $0x80, $0x38;
	[tilespmem:$0x15980] =	vst v63  }
0x43: {  	s9 =	sadd.s32 s4, s13;
	s13 =	sand.u32 $0x1FFFFFF0, s15;
	s15 =	spop (v2sf)  }
0x44: {  	[tilespmem:s14], [sflag:$0x1] =	stream.linear.gather [hbm4b:s9+s17], $0x80, $0x38;
	[tilespmem:$0x15980] =	vst v63  }
0x45: {  	s9 =	sadd.s32 s4, s11;
	s11 =	sand.u32 $0x1FFFFFF0, s15;
	s14 =	spop (v2sf)  }
0x46: {  	[tilespmem:s20], [sflag:$0x1] =	stream.linear.gather [hbm4b:s9+s17], $0x80, $0x38;
	[tilespmem:$0x15980] =	vst v63  }
0x47: {  	s9 =	sadd.s32 s4, s13;
	s13 =	sand.u32 $0x1FFFFFF0, s14;
	s14 =	spop (v2sf)  }
0x48: {  	[tilespmem:s8], [sflag:$0x1] =	stream.linear.gather [hbm4b:s9+s17], $0x80, $0x38;
	[tilespmem:$0x15980] =	vst v63  }
0x49: {  	s8 =	sadd.s32 s4, s11;
	s9 =	sand.u32 $0x1FFFFFF0, s14  }
0x4a: {  	[tilespmem:s19], [sflag:$0x1] =	stream.linear.gather [hbm4b:s8+s17], $0x80, $0x38;
	[tilespmem:$0x15980] =	vst v63  }
0x4b: {  	s11 =	sadd.s32 s4, s13;
	s8 =	sadd.s32 $0x2080, s18  }
0x4c: {  	[tilespmem:s8], [sflag:$0x1] =	stream.linear.gather [hbm4b:s11+s17], $0x80, $0x38;
	[tilespmem:$0x15980] =	vst v63  }
0x4d: {  	s9 =	sadd.s32 s4, s9;
	s8 =	sadd.s32 $0x2100, s18  }
0x4e: {  	[tilespmem:s8], [sflag:$0x1] =	stream.linear.gather [hbm4b:s9+s17], $0x80, $0x38;
	[tilespmem:$0x15980] =	vst v63  }
0x4f: {  	v0 =	vld [tilespmem:s1+$0x0];
	_ =	sdelay $0x4  }
0x50: {  	v0 =	vshll.u32 v0, $0x4  }
0x51: {  	(v2sf) =	vpush v0, $0x0  }
0x52: {  	(v2sf) =	vpush v0, $0x1  }
0x53: {  	(v2sf) =	vpush v0, $0x2;
	_ =	sdelay $0x1  }
0x54: {  	(v2sf) =	vpush v0, $0x4  }
.Ltmp2:
0x55: {  	(pc) =	sbr.rel @p0 .LBB2_2-.Ltmp2, $3  }
0x56: {  	(v2sf) =	vpush v0, $0x3  }
0x57: {  	(v2sf) =	vpush v0, $0x5;
	_ =	sdelay $0x1  }
0x58: {  	s18 =	sshra.s32 s6, $0x2;
	(v2sf) =	vpush v0, $0x6  }
0x59: {  	_ =	sdelay $0x1  }
0x5a: {  	s8 =	sadd.s32 $0x1A00, s18;
	s6 =	sadd.s32 $0x1F00, s18  }
0x5b: {  	s9 =	sadd.s32 $0x1D00, s18;
	s0 =	sadd.s32 $0x1F80, s18;
	(v2sf) =	vpush v0, $0x7;
	s11 =	sadd.s32 $0x1C00, s18  }
0x5c: {  	s13 =	sadd.s32 $0x1D80, s18;
	s1 =	sadd.s32 $0x2000, s18;
	s14 =	sadd.s32 $0x1980, s18  }
0x5d: {  	s15 =	sadd.s32 $0x1B80, s18;
	s16 =	sadd.s32 $0x1C80, s18;
	(v2sf) =	vpush v0, $0x8;
	s19 =	spop (v2sf)  }
0x5e: {  	s20 =	sadd.s32 $0x1A80, s18;
	s19 =	sand.u32 $0x1FFFFFF0, s19;
	s21 =	spop (v2sf)  }
0x5f: {  	(v2sf) =	vpush v0, $0x9;
	s19 =	sadd.s32 s4, s19;
	s21 =	sand.u32 $0x1FFFFFF0, s21;
	s22 =	spop (v2sf)  }
0x60: {  	[tilespmem:s14], [sflag:$0x1] =	stream.linear.gather [hbm4b:s19+s17], $0x80, $0x38;
	[tilespmem:$0x15980] =	vst v63  }
0x61: {  	s23 =	sadd.s32 $0x1B00, s18;
	(v2sf) =	vpush v0, $0xA;
	s28 =	sadd.s32 s4, s21;
	s31 =	spop (v2sf)  }
0x62: {  	[tilespmem:s8], [sflag:$0x1] =	stream.linear.gather [hbm4b:s28+s17], $0x80, $0x38;
	[tilespmem:$0x15980] =	vst v63  }
0x63: {  	s14 =	sadd.s32 $0x1E80, s18;
	s22 =	sand.u32 $0x1FFFFFF0, s22;
	(v2sf) =	vpush v0, $0xB;
	s24 =	spop (v2sf)  }
0x64: {  	s19 =	sadd.s32 s4, s22;
	s8 =	sadd.s32 $0x1E00, s18;
	s22 =	sand.u32 $0x1FFFFFF0, s24  }
0x65: {  	(v2sf) =	vpush v0, $0xC;
	[tilespmem:s20], [sflag:$0x1] =	stream.linear.gather [hbm4b:s19+s17], $0x80, $0x38;
	[tilespmem:$0x15980] =	vst v63  }
0x66: {  	s25 =	sand.u32 $0x1FFFFFF0, s31;
	s26 =	spop (v2sf);
	s28 =	sadd.s32 s4, s22  }
0x67: {  	(v2sf) =	vpush v0, $0xD;
	[tilespmem:s23], [sflag:$0x1] =	stream.linear.gather [hbm4b:s28+s17], $0x80, $0x38;
	[tilespmem:$0x15980] =	vst v63  }
0x68: {  	s19 =	sadd.s32 s4, s25;
	s20 =	sand.u32 $0x1FFFFFF0, s26;
	s31 =	spop (v2sf)  }
0x69: {  	(v2sf) =	vpush v0, $0xE;
	[tilespmem:s15], [sflag:$0x1] =	stream.linear.gather [hbm4b:s19+s17], $0x80, $0x38;
	[tilespmem:$0x15980] =	vst v63  }
0x6a: {  	s20 =	sadd.s32 s4, s20;
	s21 =	sand.u32 $0x1FFFFFF0, s31;
	s22 =	spop (v2sf)  }
0x6b: {  	(v2sf) =	vpush v0, $0xF;
	[tilespmem:s11], [sflag:$0x1] =	stream.linear.gather [hbm4b:s20+s17], $0x80, $0x38;
	[tilespmem:$0x15980] =	vst v63  }
0x6c: {  	s23 =	sand.u32 $0x1FFFFFF0, s22;
	s24 =	spop (v2sf);
	s15 =	sadd.s32 s4, s21  }
0x6d: {  	[tilespmem:s16], [sflag:$0x1] =	stream.linear.gather [hbm4b:s15+s17], $0x80, $0x38;
	[tilespmem:$0x15980] =	vst v63  }
0x6e: {  	s25 =	sand.u32 $0x1FFFFFF0, s24;
	s11 =	sadd.s32 s4, s23;
	s26 =	spop (v2sf)  }
0x6f: {  	[tilespmem:s9], [sflag:$0x1] =	stream.linear.gather [hbm4b:s11+s17], $0x80, $0x38;
	[tilespmem:$0x15980] =	vst v63  }
0x70: {  	s15 =	sadd.s32 s4, s25;
	s28 =	sand.u32 $0x1FFFFFF0, s26;
	s31 =	spop (v2sf)  }
0x71: {  	[tilespmem:s13], [sflag:$0x1] =	stream.linear.gather [hbm4b:s15+s17], $0x80, $0x38;
	[tilespmem:$0x15980] =	vst v63  }
0x72: {  	s11 =	sand.u32 $0x1FFFFFF0, s31;
	s9 =	sadd.s32 s4, s28;
	s16 =	spop (v2sf)  }
0x73: {  	[tilespmem:s8], [sflag:$0x1] =	stream.linear.gather [hbm4b:s9+s17], $0x80, $0x38;
	[tilespmem:$0x15980] =	vst v63  }
0x74: {  	s11 =	sadd.s32 s4, s11;
	s19 =	sand.u32 $0x1FFFFFF0, s16;
	s20 =	spop (v2sf)  }
0x75: {  	[tilespmem:s14], [sflag:$0x1] =	stream.linear.gather [hbm4b:s11+s17], $0x80, $0x38;
	[tilespmem:$0x15980] =	vst v63  }
0x76: {  	s8 =	sadd.s32 s4, s19;
	s9 =	sand.u32 $0x1FFFFFF0, s20;
	s21 =	spop (v2sf)  }
0x77: {  	[tilespmem:s6], [sflag:$0x1] =	stream.linear.gather [hbm4b:s8+s17], $0x80, $0x38;
	[tilespmem:$0x15980] =	vst v63  }
0x78: {  	s22 =	sand.u32 $0x1FFFFFF0, s21;
	s9 =	sadd.s32 s4, s9;
	s23 =	spop (v2sf)  }
0x79: {  	[tilespmem:s0], [sflag:$0x1] =	stream.linear.gather [hbm4b:s9+s17], $0x80, $0x38;
	[tilespmem:$0x15980] =	vst v63  }
0x7a: {  	s24 =	sand.u32 $0x1FFFFFF0, s23;
	s25 =	spop (v2sf);
	s6 =	sadd.s32 s4, s22  }
0x7b: {  	[tilespmem:s1], [sflag:$0x1] =	stream.linear.gather [hbm4b:s6+s17], $0x80, $0x38;
	[tilespmem:$0x15980] =	vst v63  }
0x7c: {  	s28 =	sadd.s32 $0x2080, s18;
	s26 =	sand.u32 $0x1FFFFFF0, s25;
	s0 =	sadd.s32 s4, s24  }
0x7d: {  	[tilespmem:s28], [sflag:$0x1] =	stream.linear.gather [hbm4b:s0+s17], $0x80, $0x38;
	[tilespmem:$0x15980] =	vst v63  }
0x7e: {  	s31 =	sadd.s32 $0x2100, s18;
	s1 =	sadd.s32 s4, s26;
	s0 =	simm.s32 $0xA0  }
0x7f: {  	[tilespmem:s31], [sflag:$0x1] =	stream.linear.gather [hbm4b:s1+s17], $0x80, $0x38;
	[tilespmem:$0x15980] =	vst v63  }
0x80: {  	v0 =	vld [tilespmem:s0+$0x0];
	_ =	sdelay $0x4  }
0x81: {  	v0 =	vshll.u32 v0, $0x4  }
0x82: {  	(v2sf) =	vpush v0, $0x0  }
0x83: {  	(v2sf) =	vpush v0, $0x1  }
0x84: {  	(v2sf) =	vpush v0, $0x2;
	_ =	sdelay $0x1  }
0x85: {  	(v2sf) =	vpush v0, $0x4;
	_ =	sdelay $0x1  }
0x86: {  	(v2sf) =	vpush v0, $0x3  }
0x87: {  	(v2sf) =	vpush v0, $0x5  }
0x88: {  	s18 =	simm.s32 $0x0;
	s1 =	simm.s32 $0x2000;
	(v2sf) =	vpush v0, $0x6  }
.LBB2_4:
0x89: {  	p0 =	sne.s32 s1, $0x12000  }
0x8a: {  	s11 =	sadd.s32 $0x6A00, s18;
	s20 =	sadd.s32 $0x6F00, s18;
	s6 =	smov.u32 s1  }
0x8b: {  	s1 =	sadd.s32 $0x2000, s1;
	s15 =	sadd.s32 $0x6D00, s18;
	s8 =	sadd.s32 $0x6F80, s18;
	(v2sf) =	vpush v0, $0x7  }
0x8c: {  	s21 =	sadd.s32 $0x6C00, s18;
	s14 =	sadd.s32 $0x6D80, s18;
	s19 =	sadd.s32 $0x7000, s18  }
0x8d: {  	s13 =	sadd.s32 $0x6980, s18;
	s22 =	sadd.s32 $0x6B80, s18;
	(v2sf) =	vpush v0, $0x8  }
0x8e: {  	s23 =	sadd.s32 $0x6C80, s18;
	s0 =	sadd.s32 $0x10, s0  }
0x8f: {  	s24 =	sadd.s32 $0x6A80, s18;
	s9 =	sadd.s32 $0x6E80, s18;
	s16 =	spop (v2sf);
	(v2sf) =	vpush v0, $0x9  }
0x90: {  	s25 =	sand.u32 $0x1FFFFFF0, s16;
	s16 =	sadd.s32 $0x6E00, s18;
	s26 =	spop (v2sf)  }
0x91: {  	s25 =	sadd.s32 s4, s25;
	s26 =	sand.u32 $0x1FFFFFF0, s26;
	s28 =	spop (v2sf);
	(v2sf) =	vpush v0, $0xA  }
0x92: {  	[tilespmem:s13], [sflag:$0x2] =	stream.linear.gather [hbm4b:s25+s17], $0x80, $0x38;
	[tilespmem:$0x15980] =	vst v63  }
0x93: {  	s13 =	sadd.s32 s4, s26;
	s25 =	sadd.s32 $0x6B00, s18;
	s26 =	spop (v2sf);
	(v2sf) =	vpush v0, $0xB  }
0x94: {  	[tilespmem:s11], [sflag:$0x2] =	stream.linear.gather [hbm4b:s13+s17], $0x80, $0x38;
	[tilespmem:$0x15980] =	vst v63  }
0x95: {  	s11 =	sand.u32 $0x1FFFFFF0, s28;
	s13 =	sand.u32 $0x1FFFFFF0, s26;
	s26 =	spop (v2sf);
	(v2sf) =	vpush v0, $0xC  }
0x96: {  	s11 =	sadd.s32 s4, s11;
	s26 =	sand.u32 $0x1FFFFFF0, s26;
	s28 =	spop (v2sf)  }
0x97: {  	[tilespmem:s24], [sflag:$0x2] =	stream.linear.gather [hbm4b:s11+s17], $0x80, $0x38;
	(v2sf) =	vpush v0, $0xD;
	[tilespmem:$0x15980] =	vst v63  }
0x98: {  	s11 =	sadd.s32 s4, s26;
	s24 =	sand.u32 $0x1FFFFFF0, s28;
	s26 =	spop (v2sf)  }
0x99: {  	[tilespmem:s25], [sflag:$0x2] =	stream.linear.gather [hbm4b:s11+s17], $0x80, $0x38;
	(v2sf) =	vpush v0, $0xE;
	[tilespmem:$0x15980] =	vst v63  }
0x9a: {  	s11 =	sadd.s32 s4, s13;
	s13 =	sand.u32 $0x1FFFFFF0, s26;
	s25 =	spop (v2sf)  }
0x9b: {  	[tilespmem:s22], [sflag:$0x2] =	stream.linear.gather [hbm4b:s11+s17], $0x80, $0x38;
	(v2sf) =	vpush v0, $0xF;
	[tilespmem:$0x15980] =	vst v63  }
0x9c: {  	s11 =	sadd.s32 s4, s24;
	s22 =	sand.u32 $0x1FFFFFF0, s25;
	s24 =	spop (v2sf)  }
0x9d: {  	[tilespmem:s21], [sflag:$0x2] =	stream.linear.gather [hbm4b:s11+s17], $0x80, $0x38;
	[tilespmem:$0x15980] =	vst v63  }
0x9e: {  	s11 =	sadd.s32 s4, s13;
	s13 =	sand.u32 $0x1FFFFFF0, s24;
	s21 =	spop (v2sf)  }
0x9f: {  	[tilespmem:s23], [sflag:$0x2] =	stream.linear.gather [hbm4b:s11+s17], $0x80, $0x38;
	[tilespmem:$0x15980] =	vst v63  }
0xa0: {  	s11 =	sadd.s32 s4, s22;
	s21 =	sand.u32 $0x1FFFFFF0, s21;
	s22 =	spop (v2sf)  }
0xa1: {  	[tilespmem:s15], [sflag:$0x2] =	stream.linear.gather [hbm4b:s11+s17], $0x80, $0x38;
	[tilespmem:$0x15980] =	vst v63  }
0xa2: {  	s11 =	sadd.s32 s4, s13;
	s13 =	sand.u32 $0x1FFFFFF0, s22;
	s15 =	spop (v2sf)  }
0xa3: {  	[tilespmem:s14], [sflag:$0x2] =	stream.linear.gather [hbm4b:s11+s17], $0x80, $0x38;
	[tilespmem:$0x15980] =	vst v63  }
0xa4: {  	s11 =	sadd.s32 s4, s21;
	s14 =	sand.u32 $0x1FFFFFF0, s15;
	s15 =	spop (v2sf)  }
0xa5: {  	[tilespmem:s16], [sflag:$0x2] =	stream.linear.gather [hbm4b:s11+s17], $0x80, $0x38;
	[tilespmem:$0x15980] =	vst v63  }
0xa6: {  	s11 =	sadd.s32 s4, s13;
	s13 =	sand.u32 $0x1FFFFFF0, s15;
	s15 =	spop (v2sf)  }
0xa7: {  	[tilespmem:s9], [sflag:$0x2] =	stream.linear.gather [hbm4b:s11+s17], $0x80, $0x38;
	[tilespmem:$0x15980] =	vst v63  }
0xa8: {  	s9 =	sadd.s32 s4, s14;
	s11 =	sand.u32 $0x1FFFFFF0, s15;
	s14 =	spop (v2sf)  }
0xa9: {  	[tilespmem:s20], [sflag:$0x2] =	stream.linear.gather [hbm4b:s9+s17], $0x80, $0x38;
	[tilespmem:$0x15980] =	vst v63  }
0xaa: {  	s9 =	sadd.s32 s4, s13;
	s13 =	sand.u32 $0x1FFFFFF0, s14;
	s14 =	spop (v2sf)  }
0xab: {  	[tilespmem:s8], [sflag:$0x2] =	stream.linear.gather [hbm4b:s9+s17], $0x80, $0x38;
	[tilespmem:$0x15980] =	vst v63  }
0xac: {  	s8 =	sadd.s32 s4, s11;
	s9 =	sand.u32 $0x1FFFFFF0, s14  }
0xad: {  	[tilespmem:s19], [sflag:$0x2] =	stream.linear.gather [hbm4b:s8+s17], $0x80, $0x38;
	[tilespmem:$0x15980] =	vst v63  }
0xae: {  	s11 =	sadd.s32 s4, s13;
	s8 =	sadd.s32 $0x7080, s18  }
0xaf: {  	[tilespmem:s8], [sflag:$0x2] =	stream.linear.gather [hbm4b:s11+s17], $0x80, $0x38;
	[tilespmem:$0x15980] =	vst v63  }
0xb0: {  	s9 =	sadd.s32 s4, s9;
	s8 =	sadd.s32 $0x7100, s18  }
0xb1: {  	[tilespmem:s8], [sflag:$0x2] =	stream.linear.gather [hbm4b:s9+s17], $0x80, $0x38;
	[tilespmem:$0x15980] =	vst v63  }
0xb2: {  	v0 =	vld [tilespmem:s0+$0x0];
	_ =	sdelay $0x4  }
0xb3: {  	v0 =	vshll.u32 v0, $0x4  }
0xb4: {  	(v2sf) =	vpush v0, $0x0  }
0xb5: {  	(v2sf) =	vpush v0, $0x1  }
0xb6: {  	(v2sf) =	vpush v0, $0x2;
	_ =	sdelay $0x1  }
0xb7: {  	(v2sf) =	vpush v0, $0x4  }
.Ltmp3:
0xb8: {  	(pc) =	sbr.rel @p0 .LBB2_4-.Ltmp3, $3  }
0xb9: {  	(v2sf) =	vpush v0, $0x3  }
0xba: {  	(v2sf) =	vpush v0, $0x5;
	_ =	sdelay $0x1  }
0xbb: {  	s18 =	sshra.s32 s6, $0x2;
	(v2sf) =	vpush v0, $0x6  }
0xbc: {  	_ =	sdelay $0x1  }
0xbd: {  	s8 =	sadd.s32 $0x6A00, s18  }
0xbe: {  	s6 =	sadd.s32 $0x6F00, s18;
	s9 =	sadd.s32 $0x6D00, s18;
	s0 =	sadd.s32 $0x6F80, s18;
	(v2sf) =	vpush v0, $0x7  }
0xbf: {  	s11 =	sadd.s32 $0x6C00, s18;
	s13 =	sadd.s32 $0x6D80, s18;
	s14 =	sadd.s32 $0x6980, s18  }
0xc0: {  	s15 =	sadd.s32 $0x6B80, s18;
	s16 =	sadd.s32 $0x6C80, s18;
	(v2sf) =	vpush v0, $0x8;
	s19 =	spop (v2sf)  }
0xc1: {  	s20 =	sadd.s32 $0x6A80, s18;
	s19 =	sand.u32 $0x1FFFFFF0, s19;
	s21 =	spop (v2sf)  }
0xc2: {  	(v2sf) =	vpush v0, $0x9;
	s19 =	sadd.s32 s4, s19;
	s21 =	sand.u32 $0x1FFFFFF0, s21;
	s22 =	spop (v2sf)  }
0xc3: {  	[tilespmem:s14], [sflag:$0x2] =	stream.linear.gather [hbm4b:s19+s17], $0x80, $0x38;
	[tilespmem:$0x15980] =	vst v63  }
0xc4: {  	s23 =	sadd.s32 $0x6B00, s18;
	(v2sf) =	vpush v0, $0xA;
	s28 =	sadd.s32 s4, s21;
	s31 =	spop (v2sf)  }
0xc5: {  	[tilespmem:s8], [sflag:$0x2] =	stream.linear.gather [hbm4b:s28+s17], $0x80, $0x38;
	[tilespmem:$0x15980] =	vst v63  }
0xc6: {  	s14 =	sadd.s32 $0x6E80, s18;
	s22 =	sand.u32 $0x1FFFFFF0, s22;
	(v2sf) =	vpush v0, $0xB;
	s24 =	spop (v2sf)  }
0xc7: {  	s19 =	sadd.s32 s4, s22;
	s8 =	sadd.s32 $0x6E00, s18;
	s22 =	sand.u32 $0x1FFFFFF0, s24  }
0xc8: {  	(v2sf) =	vpush v0, $0xC;
	[tilespmem:s20], [sflag:$0x2] =	stream.linear.gather [hbm4b:s19+s17], $0x80, $0x38;
	[tilespmem:$0x15980] =	vst v63  }
0xc9: {  	s25 =	sand.u32 $0x1FFFFFF0, s31;
	s26 =	spop (v2sf);
	s28 =	sadd.s32 s4, s22  }
0xca: {  	(v2sf) =	vpush v0, $0xD;
	[tilespmem:s23], [sflag:$0x2] =	stream.linear.gather [hbm4b:s28+s17], $0x80, $0x38;
	[tilespmem:$0x15980] =	vst v63  }
0xcb: {  	s19 =	sadd.s32 s4, s25;
	s20 =	sand.u32 $0x1FFFFFF0, s26;
	s31 =	spop (v2sf)  }
0xcc: {  	[tilespmem:s15], [sflag:$0x2] =	stream.linear.gather [hbm4b:s19+s17], $0x80, $0x38;
	[tilespmem:$0x15980] =	vst v63  }
0xcd: {  	s20 =	sadd.s32 s4, s20;
	s21 =	sand.u32 $0x1FFFFFF0, s31;
	s22 =	spop (v2sf)  }
0xce: {  	(v2sf) =	vpush v0, $0xE;
	[tilespmem:s11], [sflag:$0x2] =	stream.linear.gather [hbm4b:s20+s17], $0x80, $0x38;
	[tilespmem:$0x15980] =	vst v63  }
0xcf: {  	s23 =	sand.u32 $0x1FFFFFF0, s22;
	s24 =	spop (v2sf);
	s15 =	sadd.s32 s4, s21  }
0xd0: {  	(v2sf) =	vpush v0, $0xF;
	[tilespmem:s16], [sflag:$0x2] =	stream.linear.gather [hbm4b:s15+s17], $0x80, $0x38;
	[tilespmem:$0x15980] =	vst v63  }
0xd1: {  	s25 =	sand.u32 $0x1FFFFFF0, s24;
	s11 =	sadd.s32 s4, s23;
	s26 =	spop (v2sf)  }
0xd2: {  	[tilespmem:s9], [sflag:$0x2] =	stream.linear.gather [hbm4b:s11+s17], $0x80, $0x38;
	[tilespmem:$0x15980] =	vst v63  }
0xd3: {  	s15 =	sadd.s32 s4, s25;
	s28 =	sand.u32 $0x1FFFFFF0, s26;
	s31 =	spop (v2sf)  }
0xd4: {  	[tilespmem:s13], [sflag:$0x2] =	stream.linear.gather [hbm4b:s15+s17], $0x80, $0x38;
	[tilespmem:$0x15980] =	vst v63  }
0xd5: {  	s11 =	sand.u32 $0x1FFFFFF0, s31;
	s9 =	sadd.s32 s4, s28;
	s16 =	spop (v2sf)  }
0xd6: {  	[tilespmem:s8], [sflag:$0x2] =	stream.linear.gather [hbm4b:s9+s17], $0x80, $0x38;
	[tilespmem:$0x15980] =	vst v63  }
0xd7: {  	s11 =	sadd.s32 s4, s11;
	s19 =	sand.u32 $0x1FFFFFF0, s16;
	s20 =	spop (v2sf)  }
0xd8: {  	[tilespmem:s14], [sflag:$0x2] =	stream.linear.gather [hbm4b:s11+s17], $0x80, $0x38;
	[tilespmem:$0x15980] =	vst v63  }
0xd9: {  	s8 =	sadd.s32 s4, s19;
	s9 =	sand.u32 $0x1FFFFFF0, s20;
	s21 =	spop (v2sf)  }
0xda: {  	[tilespmem:s6], [sflag:$0x2] =	stream.linear.gather [hbm4b:s8+s17], $0x80, $0x38;
	[tilespmem:$0x15980] =	vst v63  }
0xdb: {  	s1 =	sadd.s32 $0x7000, s18;
	s22 =	sand.u32 $0x1FFFFFF0, s21;
	s9 =	sadd.s32 s4, s9  }
0xdc: {  	[tilespmem:s0], [sflag:$0x2] =	stream.linear.gather [hbm4b:s9+s17], $0x80, $0x38;
	[tilespmem:$0x15980] =	vst v63  }
0xdd: {  	s28 =	sadd.s32 $0x7080, s18;
	s23 =	spop (v2sf);
	s6 =	sadd.s32 s4, s22  }
0xde: {  	[tilespmem:s1], [sflag:$0x2] =	stream.linear.gather [hbm4b:s6+s17], $0x80, $0x38;
	[tilespmem:$0x15980] =	vst v63  }
.Ltmp4:
0xdf: {  	s24 =	sand.u32 $0x1FFFFFF0, s23;
	s25 =	spop (v2sf);
	(pc) =	sbr.rel .LBB2_6-.Ltmp4, $4  }
0xe0: {  	s31 =	sadd.s32 $0x7100, s18;
	s26 =	sand.u32 $0x1FFFFFF0, s25;
	s0 =	sadd.s32 s4, s24  }
0xe1: {  	[tilespmem:s28], [sflag:$0x2] =	stream.linear.gather [hbm4b:s0+s17], $0x80, $0x38;
	[tilespmem:$0x15980] =	vst v63  }
0xe2: {  	s18 =	simm.s32 $0x141;
	s19 =	simm.s32 $0x1E1;
	s1 =	sadd.s32 s4, s26  }
0xe3: {  	[tilespmem:s31], [sflag:$0x2] =	stream.linear.gather [hbm4b:s1+s17], $0x80, $0x38;
	[tilespmem:$0x15980] =	vst v63  }
.LBB2_16:
0xe4: {  	s8 =	sadd.s32 $0x400, s9  }
0xe5: {  	s8 =	sshra.s32 s8, $0x2  }
0xe6: {  	v2 =	vmul.f32 $8.000000000e+00, v2;
	v7 =	vld [tilespmem:s8+$0x6980]  }
0xe7: {  	v4 =	vmul.f32 $8.000000000e+00, v4;
	v26 =	vld [tilespmem:s8+$0x6990]  }
0xe8: {  	s25 =	spop (v2sf);
	v25 =	vmul.f32 $8.000000000e+00, v5;
	[tilespmem:s21+$0x10980] =	vst v2;
	v28 =	vld [tilespmem:s8+$0x69A0]  }
0xe9: {  	v27 =	vmul.f32 $8.000000000e+00, v6;
	s9 =	sshll.u32 s25, $0x4;
	[tilespmem:s21+$0x10990] =	vst v4;
	v29 =	vld [tilespmem:s8+$0x69B0]  }
0xea: {  	s9 =	sand.u32 $0x1FFFFFF0, s9;
	[tilespmem:s21+$0x109A0] =	vst v25  }
0xeb: {  	s11 =	sadd.s32 $0x6980, s21;
	[tilespmem:s21+$0x109B0] =	vst v27;
	s26 =	spop (v2sf);
	s9 =	sadd.s32 s4, s9;
	v30 =	vmul.f32 $8.000000000e+00, v7  }
0xec: {  	[tilespmem:s11], [sflag:$0x2] =	stream.linear.gather [hbm4b:s9+s2], $0x80, $0x38;
	v5 =	vmul.f32 $8.000000000e+00, v26;
	[tilespmem:$0x15980] =	vst v63  }
0xed: {  	(v2sf) =	vpush v0, $0x0;
	v31 =	vld [tilespmem:s6+$0x0];
	s28 =	spop (v2sf);
	v32 =	vmul.f32 $8.000000000e+00, v28;
	[tilespmem:s8+$0x10980] =	vst v30  }
0xee: {  	v2 =	vmul.f32 $8.000000000e+00, v29;
	s6 =	sshll.u32 s28, $0x4;
	[tilespmem:s8+$0x10990] =	vst v5  }
0xef: {  	v33 =	vld [tilespmem:s22+$0x6A00];
	s6 =	sand.u32 $0x1FFFFFF0, s6;
	[tilespmem:s8+$0x109A0] =	vst v32  }
0xf0: {  	v34 =	vld [tilespmem:s22+$0x6A10];
	s31 =	sadd.s32 $0x6980, s8;
	[tilespmem:s8+$0x109B0] =	vst v2;
	s6 =	sadd.s32 s4, s6  }
0xf1: {  	v35 =	vld [tilespmem:s22+$0x6A20];
	[tilespmem:s31], [sflag:$0x2] =	stream.linear.gather [hbm4b:s6+s2], $0x80, $0x38  }
0xf2: {  	(v2sf) =	vpush v31, $0x0;
	v36 =	vld [tilespmem:s0+$0x0]  }
0xf3: {  	v37 =	vld [tilespmem:s22+$0x6A30];
	_ =	sdelay $0x1  }
0xf4: {  	[tilespmem:s1+$0x10A20] =	vst v1;
	v39 =	vld [tilespmem:s23+$0x6A00];
	v38 =	vmul.f32 $8.000000000e+00, v33  }
0xf5: {  	s13 =	sadd.s32 $0x6A00, s1;
	s14 =	sadd.s32 s4, s15;
	[tilespmem:s1+$0x10A30] =	vst v3;
	v41 =	vld [tilespmem:s23+$0x6A10];
	v40 =	vmul.f32 $8.000000000e+00, v34  }
0xf6: {  	v43 =	vld [tilespmem:s23+$0x6A20];
	[tilespmem:s13], [sflag:$0x2] =	stream.linear.gather [hbm4b:s14+s2], $0x80, $0x38;
	v42 =	vmul.f32 $8.000000000e+00, v35;
	[tilespmem:s22+$0x10A00] =	vst v38;
	(v2sf) =	vpush v36, $0x0  }
0xf7: {  	v45 =	vld [tilespmem:s23+$0x6A30];
	s15 =	sshll.u32 s26, $0x4;
	v44 =	vmul.f32 $8.000000000e+00, v37;
	[tilespmem:s22+$0x10A10] =	vst v40  }
0xf8: {  	[tilespmem:s22+$0x10A20] =	vst v42;
	s0 =	sand.u32 $0x1FFFFFF0, s15  }
0xf9: {  	s16 =	sadd.s32 $0x6A00, s22;
	v46 =	vmul.f32 $8.000000000e+00, v39;
	v47 =	vld [tilespmem:s21+$0x6A00];
	[tilespmem:s22+$0x10A30] =	vst v44;
	s0 =	sadd.s32 s4, s0  }
0xfa: {  	v4 =	vmul.f32 $8.000000000e+00, v41;
	v48 =	vld [tilespmem:s21+$0x6A10];
	[tilespmem:s16], [sflag:$0x2] =	stream.linear.gather [hbm4b:s0+s2], $0x80, $0x38  }
0xfb: {  	v49 =	vmul.f32 $8.000000000e+00, v43;
	v50 =	vld [tilespmem:s21+$0x6A20];
	[tilespmem:s23+$0x10A00] =	vst v46;
	s22 =	spop (v2sf)  }
0xfc: {  	v3 =	vmul.f32 $8.000000000e+00, v45;
	v51 =	vld [tilespmem:s21+$0x6A30];
	[tilespmem:s23+$0x10A10] =	vst v4;
	s0 =	sshll.u32 s22, $0x4  }
0xfd: {  	[tilespmem:s23+$0x10A20] =	vst v49;
	s0 =	sand.u32 $0x1FFFFFF0, s0  }
0xfe: {  	s24 =	sadd.s32 $0x6A00, s23;
	[tilespmem:s23+$0x10A30] =	vst v3;
	v52 =	vmul.f32 $8.000000000e+00, v47;
	v53 =	vld [tilespmem:s8+$0x6A00];
	s0 =	sadd.s32 s4, s0  }
0xff: {  	v54 =	vmul.f32 $8.000000000e+00, v48;
	v55 =	vld [tilespmem:s8+$0x6A10];
	[tilespmem:s24], [sflag:$0x2] =	stream.linear.gather [hbm4b:s0+s2], $0x80, $0x38  }
0x100: {  	v56 =	vmul.f32 $8.000000000e+00, v50;
	[tilespmem:s21+$0x10A00] =	vst v52;
	v57 =	vld [tilespmem:s8+$0x6A20];
	s25 =	spop (v2sf)  }
0x101: {  	v58 =	vmul.f32 $8.000000000e+00, v51;
	[tilespmem:s21+$0x10A10] =	vst v54;
	v59 =	vld [tilespmem:s8+$0x6A30];
	s0 =	sshll.u32 s25, $0x4  }
0x102: {  	[tilespmem:s21+$0x10A20] =	vst v56;
	s0 =	sand.u32 $0x1FFFFFF0, s0  }
0x103: {  	s26 =	sadd.s32 $0x6A00, s21;
	[tilespmem:s21+$0x10A30] =	vst v58;
	v60 =	vmul.f32 $8.000000000e+00, v53;
	s0 =	sadd.s32 s4, s0  }
0x104: {  	v61 =	vmul.f32 $8.000000000e+00, v55;
	[tilespmem:s26], [sflag:$0x2] =	stream.linear.gather [hbm4b:s0+s2], $0x80, $0x38;
	[tilespmem:$0x15980] =	vst v63  }
0x105: {  	v62 =	vmul.f32 $8.000000000e+00, v57;
	[tilespmem:s8+$0x10A00] =	vst v60;
	s28 =	spop (v2sf)  }
0x106: {  	v63 =	vmul.f32 $8.000000000e+00, v59;
	[tilespmem:s8+$0x10A10] =	vst v61;
	s0 =	sshll.u32 s28, $0x4  }
0x107: {  	[tilespmem:s8+$0x10A20] =	vst v62;
	s0 =	sand.u32 $0x1FFFFFF0, s0  }
0x108: {  	s31 =	sadd.s32 $0x6A00, s8;
	[tilespmem:s8+$0x10A30] =	vst v63;
	s0 =	sadd.s32 s4, s0  }
0x109: {  	[tilespmem:s31], [sflag:$0x2] =	stream.linear.gather [hbm4b:s0+s2], $0x80, $0x38;
	[tilespmem:$0x15980] =	vst v63  }
.LBB2_20:
0x10a: {  	s17 =	sadd.s32 $0x1, s17  }
0x10b: {  	p0 =	sne.s32 s17, $0x14  }
.Ltmp5:
0x10c: {  	_ = 	snop;
	(pc) =	sbr.rel @!p0 .LBB2_21-.Ltmp5, $4  }
0x10d: {  	s0 =	sadd.s32 s20, s7  }
0x10e: {  	s0 =	sshll.u32 s0, $0x4  }
0x10f: {  	s18 =	sadd.s32 $0x140, s18;
	s19 =	sadd.s32 $0x140, s19;
	s0 =	sadd.s32 s5, s0  }
0x110: {  	[hbm4b:s0+s2] =	stream.linear.scatter [tilespmem:s30], [sflag:$0x4], $0x5000, $0x38;
	[tilespmem:$0x15980] =	vst v63  }
.LBB2_6:
0x111: {  	p0 =	seq.s32 s17, $0x0  }
0x112: {  	p1 =	seq.s32 @!p0 s17, $0x13  }
0x113: {  	_ =	swait.ge [sflag:s10], $0x5000;
	p1 =	por p0, !p1  }
.Ltmp6:
0x114: {  	[sflag:s10] =	ssyncset.done $0x0;
	(pc) =	sbr.rel @p1 .LBB2_10-.Ltmp6, $4  }
0x115: {  	s0 =	simm.s32 @!p0 $0x3;
	[sflag:s10] =	ssyncadd.s32 $0xFFFFB000  }
0x116: {  	_ =	swait.ge @!p0 [sflag:s0], $0x5000  }
0x117: {  	[sflag:s0] =	ssyncset.done @!p0 $0x0  }
0x118: {  	[sflag:s0] =	ssyncadd.s32 @!p0 $0xFFFFB000  }
0x119: {  	s14 =	simm.s32 @!p0 $0x1A80  }
0x11a: {  	v0 =	vld [tilespmem:s14+$0x80];
	_ =	sdelay $0x3  }
0x11b: {  	v1 =	vld [tilespmem:s14+$0xFFFFFF00]  }
0x11c: {  	v2 =	vld [tilespmem:s14+$0xFFFFFF80];
	v0 =	vmul.f32 $8.000000000e+00, v0  }
0x11d: {  	s0 =	simm.s32 @!p0 $0xBA80;
	v3 =	vld [tilespmem:s14+$0x0]  }
0x11e: {  	[tilespmem:s0+$0x80] =	vst v0  }
0x11f: {  	v0 =	vld [tilespmem:s14+$0x90]  }
0x120: {  	v1 =	vmul.f32 $8.000000000e+00, v1  }
0x121: {  	v2 =	vmul.f32 $8.000000000e+00, v2  }
0x122: {  	v3 =	vmul.f32 $8.000000000e+00, v3;
	[tilespmem:s0+$0xFFFFFF00] =	vst v1  }
0x123: {  	[tilespmem:s0+$0xFFFFFF80] =	vst v2;
	v1 =	vld [tilespmem:s14+$0xFFFFFF10]  }
0x124: {  	[tilespmem:s0+$0x0] =	vst v3;
	v2 =	vld [tilespmem:s14+$0xFFFFFF90];
	v0 =	vmul.f32 $8.000000000e+00, v0  }
0x125: {  	s1 =	simm.s32 $0x1C80;
	v3 =	vld [tilespmem:s14+$0x10]  }
0x126: {  	[tilespmem:s0+$0x90] =	vst v0;
	v0 =	vld [tilespmem:s1+$0x80]  }
0x127: {  	v4 =	vld [tilespmem:s14+$0xA0]  }
0x128: {  	v5 =	vld [tilespmem:s1+$0xFFFFFF80];
	v1 =	vmul.f32 $8.000000000e+00, v1  }
0x129: {  	v6 =	vld [tilespmem:s1+$0x0];
	v2 =	vmul.f32 $8.000000000e+00, v2  }
0x12a: {  	v3 =	vmul.f32 $8.000000000e+00, v3;
	[tilespmem:s0+$0xFFFFFF10] =	vst v1;
	v1 =	vld [tilespmem:s1+$0xFFFFFF00]  }
0x12b: {  	[tilespmem:s0+$0xFFFFFF90] =	vst v2;
	v2 =	vld [tilespmem:s14+$0xFFFFFF20];
	v0 =	vmul.f32 $8.000000000e+00, v0  }
0x12c: {  	s6 =	simm.s32 $0xBC80;
	[tilespmem:s0+$0x10] =	vst v3;
	v7 =	vld [tilespmem:s14+$0xFFFFFFA0];
	v3 =	vmul.f32 $8.000000000e+00, v4  }
0x12d: {  	v4 =	vmul.f32 $8.000000000e+00, v5;
	[tilespmem:s6+$0x80] =	vst v0;
	v0 =	vld [tilespmem:s14+$0x20]  }
0x12e: {  	v5 =	vmul.f32 $8.000000000e+00, v6;
	v6 =	vld [tilespmem:s1+$0x90];
	[tilespmem:s0+$0xA0] =	vst v3  }
0x12f: {  	v1 =	vmul.f32 $8.000000000e+00, v1;
	[tilespmem:s6+$0xFFFFFF80] =	vst v4;
	v8 =	vld [tilespmem:s14+$0xB0]  }
0x130: {  	v2 =	vmul.f32 $8.000000000e+00, v2;
	[tilespmem:s6+$0x0] =	vst v5;
	v9 =	vld [tilespmem:s1+$0xFFFFFF90]  }
0x131: {  	[tilespmem:s6+$0xFFFFFF00] =	vst v1;
	v5 =	vmul.f32 $8.000000000e+00, v7;
	v3 =	vld [tilespmem:s1+$0x10]  }
0x132: {  	v4 =	vld [tilespmem:s1+$0xFFFFFF10];
	[tilespmem:s0+$0xFFFFFF20] =	vst v2;
	v2 =	vmul.f32 $8.000000000e+00, v0  }
0x133: {  	v1 =	vld [tilespmem:s14+$0xFFFFFF30];
	[tilespmem:s0+$0xFFFFFFA0] =	vst v5;
	v7 =	vmul.f32 $8.000000000e+00, v6  }
0x134: {  	v0 =	vld [tilespmem:s14+$0xFFFFFFB0];
	[tilespmem:s0+$0x20] =	vst v2;
	v5 =	vmul.f32 $8.000000000e+00, v8  }
0x135: {  	s8 =	simm.s32 $0x4;
	s9 =	simm.s32 $0x1E80;
	v6 =	vmul.f32 $8.000000000e+00, v9;
	[tilespmem:s6+$0x90] =	vst v7;
	v2 =	vld [tilespmem:s14+$0x30]  }
.LBB2_8:
0x136: {  	v7 =	vld [tilespmem:s9+$0x80];
	v3 =	vmul.f32 $8.000000000e+00, v3;
	[tilespmem:s0+$0xB0] =	vst v5  }
0x137: {  	s8 =	sadd.s32 $0x4, s8;
	v4 =	vmul.f32 $8.000000000e+00, v4;
	[tilespmem:s6+$0xFFFFFF90] =	vst v6;
	v5 =	vld [tilespmem:s1+$0xA0]  }
0x138: {  	p1 =	slt.u32 s8, $0x9C;
	v6 =	vld [tilespmem:s9+$0xFFFFFF80];
	[tilespmem:s6+$0x10] =	vst v3;
	v1 =	vmul.f32 $8.000000000e+00, v1  }
0x139: {  	v3 =	vld [tilespmem:s9+$0x0];
	[tilespmem:s6+$0xFFFFFF10] =	vst v4;
	v0 =	vmul.f32 $8.000000000e+00, v0  }
0x13a: {  	v4 =	vld [tilespmem:s9+$0xFFFFFF00];
	[tilespmem:s0+$0xFFFFFF30] =	vst v1;
	v1 =	vmul.f32 $8.000000000e+00, v2  }
0x13b: {  	v2 =	vmul.f32 $8.000000000e+00, v7;
	v7 =	vld [tilespmem:s1+$0xFFFFFF20];
	[tilespmem:s0+$0xFFFFFFB0] =	vst v0  }
0x13c: {  	v0 =	vld [tilespmem:s1+$0xFFFFFFA0];
	v5 =	vmul.f32 $8.000000000e+00, v5;
	[tilespmem:s0+$0x30] =	vst v1;
	s0 =	smov.u32 s6;
	s6 =	sadd.s32 $0x200, s6  }
0x13d: {  	v1 =	vmul.f32 $8.000000000e+00, v6;
	[tilespmem:s6+$0x80] =	vst v2;
	v2 =	vld [tilespmem:s1+$0x20]  }
0x13e: {  	v3 =	vmul.f32 $8.000000000e+00, v3;
	v6 =	vld [tilespmem:s9+$0x90];
	[tilespmem:s0+$0xA0] =	vst v5  }
0x13f: {  	v4 =	vmul.f32 $8.000000000e+00, v4;
	[tilespmem:s6+$0xFFFFFF80] =	vst v1;
	v5 =	vld [tilespmem:s1+$0xB0]  }
0x140: {  	v8 =	vld [tilespmem:s9+$0xFFFFFF90];
	[tilespmem:s6+$0x0] =	vst v3;
	v1 =	vmul.f32 $8.000000000e+00, v7  }
.Ltmp7:
0x141: {  	[tilespmem:s6+$0xFFFFFF00] =	vst v4;
	v3 =	vld [tilespmem:s9+$0x10];
	v0 =	vmul.f32 $8.000000000e+00, v0;
	(pc) =	sbr.rel @p1 .LBB2_8-.Ltmp7, $4  }
0x142: {  	v4 =	vld [tilespmem:s9+$0xFFFFFF10];
	[tilespmem:s0+$0xFFFFFF20] =	vst v1;
	v2 =	vmul.f32 $8.000000000e+00, v2  }
0x143: {  	v7 =	vmul.f32 $8.000000000e+00, v6;
	v1 =	vld [tilespmem:s1+$0xFFFFFF30];
	[tilespmem:s0+$0xFFFFFFA0] =	vst v0  }
0x144: {  	v0 =	vld [tilespmem:s1+$0xFFFFFFB0];
	[tilespmem:s0+$0x20] =	vst v2;
	v5 =	vmul.f32 $8.000000000e+00, v5  }
0x145: {  	v6 =	vmul.f32 $8.000000000e+00, v8;
	[tilespmem:s6+$0x90] =	vst v7;
	v2 =	vld [tilespmem:s1+$0x30];
	s1 =	smov.u32 s9;
	s9 =	sadd.s32 $0x200, s9  }
0x146: {  	v3 =	vmul.f32 $8.000000000e+00, v3  }
0x147: {  	v7 =	vld [tilespmem:s1+$0xA0];
	v4 =	vmul.f32 $8.000000000e+00, v4;
	[tilespmem:s6+$0xFFFFFF90] =	vst v6  }
0x148: {  	[tilespmem:s6+$0x10] =	vst v3;
	v53 =	vld [tilespmem:s1+$0xFFFFFFA0]  }
0x149: {  	[tilespmem:s6+$0xFFFFFF10] =	vst v4;
	v54 =	vld [tilespmem:s1+$0x20]  }
0x14a: {  	v4 =	vld [tilespmem:s1+$0xFFFFFF20];
	_ =	sdelay $0x1  }
0x14b: {  	v7 =	vmul.f32 $8.000000000e+00, v7  }
0x14c: {  	v3 =	vmul.f32 $8.000000000e+00, v53  }
0x14d: {  	[tilespmem:s6+$0xA0] =	vst v7;
	v6 =	vmul.f32 $8.000000000e+00, v54  }
0x14e: {  	v55 =	vld [tilespmem:s1+$0xB0];
	v4 =	vmul.f32 $8.000000000e+00, v4;
	[tilespmem:s6+$0xFFFFFFA0] =	vst v3  }
0x14f: {  	[tilespmem:s6+$0x20] =	vst v6;
	v57 =	vld [tilespmem:s1+$0xFFFFFFB0]  }
0x150: {  	v1 =	vmul.f32 $8.000000000e+00, v1;
	[tilespmem:s6+$0xFFFFFF20] =	vst v4;
	v58 =	vld [tilespmem:s1+$0x30]  }
0x151: {  	[tilespmem:s0+$0xB0] =	vst v5;
	v0 =	vmul.f32 $8.000000000e+00, v0;
	v56 =	vld [tilespmem:s1+$0xFFFFFF30]  }
0x152: {  	[tilespmem:s0+$0xFFFFFF30] =	vst v1;
	v59 =	vmul.f32 $8.000000000e+00, v2  }
0x153: {  	[tilespmem:s0+$0xFFFFFFB0] =	vst v0;
	v60 =	vmul.f32 $8.000000000e+00, v55  }
.Ltmp8:
0x154: {  	[tilespmem:s0+$0x30] =	vst v59;
	v62 =	vmul.f32 $8.000000000e+00, v57;
	(pc) =	sbr.rel .LBB2_13-.Ltmp8, $4  }
0x155: {  	[tilespmem:s6+$0xB0] =	vst v60;
	v63 =	vmul.f32 $8.000000000e+00, v58  }
0x156: {  	v61 =	vmul.f32 $8.000000000e+00, v56;
	[tilespmem:s6+$0xFFFFFFB0] =	vst v62  }
0x157: {  	[tilespmem:s6+$0x30] =	vst v63  }
0x158: {  	p1 =	por $0x1, $0x1;
	[tilespmem:s6+$0xFFFFFF30] =	vst v61  }
.LBB2_10:
0x159: {  	s24 =	simm.s32 $0x1A00  }
0x15a: {  	v0 =	vld [tilespmem:s24+$0xFFFFFF80];
	_ =	sdelay $0x4  }
0x15b: {  	v0 =	vmul.f32 $8.000000000e+00, v0  }
0x15c: {  	s25 =	simm.s32 $0xBA00  }
0x15d: {  	v1 =	vld [tilespmem:s18+$0xFFFFFFFF];
	[tilespmem:s25+$0xFFFFFF80] =	vst v0  }
0x15e: {  	v0 =	vld [tilespmem:s24+$0xFFFFFF90]  }
0x15f: {  	s21 =	simm.s32 $0x1B00  }
0x160: {  	v2 =	vld [tilespmem:s21+$0xFFFFFF80];
	_ =	sdelay $0x2  }
0x161: {  	(v2sf) =	vpush v1, $0x0;
	v0 =	vmul.f32 $8.000000000e+00, v0;
	_ =	sdelay $0x1  }
0x162: {  	[tilespmem:s25+$0xFFFFFF90] =	vst v0;
	v0 =	vmul.f32 $8.000000000e+00, v2  }
0x163: {  	s1 =	sadd.s32 $0x2, s18;
	s23 =	simm.s32 $0xBB00;
	v1 =	vld [tilespmem:s24+$0xFFFFFFA0]  }
0x164: {  	v2 =	vld [tilespmem:s1+$0xFFFFFFFF];
	[tilespmem:s23+$0xFFFFFF80] =	vst v0  }
0x165: {  	v0 =	vld [tilespmem:s21+$0xFFFFFF90];
	_ =	sdelay $0x1  }
0x166: {  	s20 =	simm.s32 $0x1C00  }
0x167: {  	v3 =	vld [tilespmem:s20+$0xFFFFFF80];
	v1 =	vmul.f32 $8.000000000e+00, v1;
	_ =	sdelay $0x1  }
0x168: {  	(v2sf) =	vpush v2, $0x0;
	[tilespmem:s25+$0xFFFFFFA0] =	vst v1;
	v0 =	vmul.f32 $8.000000000e+00, v0  }
0x169: {  	v1 =	vld [tilespmem:s24+$0xFFFFFFB0]  }
0x16a: {  	[tilespmem:s23+$0xFFFFFF90] =	vst v0  }
0x16b: {  	v0 =	vmul.f32 $8.000000000e+00, v3;
	v2 =	vld [tilespmem:s21+$0xFFFFFFA0]  }
0x16c: {  	s26 =	simm.s32 $0xBC00;
	s9 =	sadd.s32 $0x2, s1  }
0x16d: {  	s0 =	spop (v2sf);
	v3 =	vld [tilespmem:s9+$0xFFFFFFFF];
	[tilespmem:s26+$0xFFFFFF80] =	vst v0  }
0x16e: {  	s0 =	sshll.u32 s0, $0x4;
	v0 =	vmul.f32 $8.000000000e+00, v1;
	v1 =	vld [tilespmem:s20+$0xFFFFFF90]  }
0x16f: {  	s22 =	simm.s32 $0x1D00;
	s0 =	sand.u32 $0x1FFFFFF0, s0  }
0x170: {  	s6 =	simm.s32 $0x1980;
	s0 =	sadd.s32 s4, s0;
	[tilespmem:s25+$0xFFFFFFB0] =	vst v0;
	v0 =	vld [tilespmem:s22+$0xFFFFFF80];
	v2 =	vmul.f32 $8.000000000e+00, v2  }
0x171: {  	[tilespmem:s6], [sflag:$0x1] =	stream.linear.gather [hbm4b:s0+s2], $0x80, $0x38;
	[tilespmem:$0x15980] =	vst v63  }
0x172: {  	v4 =	vld [tilespmem:s24+$0x0];
	[tilespmem:s23+$0xFFFFFFA0] =	vst v2  }
0x173: {  	(v2sf) =	vpush v3, $0x0;
	s0 =	sadd.s32 $0x2, s9;
	v1 =	vmul.f32 $8.000000000e+00, v1;
	v2 =	vld [tilespmem:s21+$0xFFFFFFB0]  }
0x174: {  	v3 =	vld [tilespmem:s0+$0xFFFFFFFF]  }
0x175: {  	[tilespmem:s26+$0xFFFFFF90] =	vst v1;
	v0 =	vmul.f32 $8.000000000e+00, v0  }
0x176: {  	s28 =	simm.s32 $0xBD00;
	v1 =	vld [tilespmem:s20+$0xFFFFFFA0]  }
0x177: {  	s11 =	spop (v2sf);
	v4 =	vmul.f32 $8.000000000e+00, v4;
	[tilespmem:s28+$0xFFFFFF80] =	vst v0;
	v0 =	vld [tilespmem:s18+$0x0]  }
0x178: {  	s6 =	sshll.u32 s11, $0x4;
	v2 =	vmul.f32 $8.000000000e+00, v2;
	v5 =	vld [tilespmem:s22+$0xFFFFFF90]  }
0x179: {  	s6 =	sand.u32 $0x1FFFFFF0, s6;
	(v2sf) =	vpush v3, $0x0;
	[tilespmem:s25+$0x0] =	vst v4  }
0x17a: {  	s29 =	simm.s32 $0x1E00;
	s8 =	simm.s32 $0x1A80;
	s6 =	sadd.s32 s4, s6;
	v4 =	vld [tilespmem:s24+$0x10];
	[tilespmem:s23+$0xFFFFFFB0] =	vst v2  }
0x17b: {  	v2 =	vld [tilespmem:s29+$0xFFFFFF80];
	v1 =	vmul.f32 $8.000000000e+00, v1;
	[tilespmem:s8], [sflag:$0x1] =	stream.linear.gather [hbm4b:s6+s2], $0x80, $0x38  }
0x17c: {  	v3 =	vld [tilespmem:s21+$0x0];
	(v2sf) =	vpush v0, $0x0  }
0x17d: {  	[tilespmem:s26+$0xFFFFFFA0] =	vst v1;
	v0 =	vmul.f32 $8.000000000e+00, v5  }
0x17e: {  	s6 =	sadd.s32 $0x2, s0;
	v1 =	vld [tilespmem:s20+$0xFFFFFFB0]  }
0x17f: {  	v5 =	vld [tilespmem:s6+$0xFFFFFFFF];
	v4 =	vmul.f32 $8.000000000e+00, v4;
	[tilespmem:s28+$0xFFFFFF90] =	vst v0  }
0x180: {  	v0 =	vmul.f32 $8.000000000e+00, v2;
	v2 =	vld [tilespmem:s22+$0xFFFFFFA0]  }
0x181: {  	s30 =	simm.s32 $0xBE00;
	v6 =	vld [tilespmem:s1+$0x0];
	[tilespmem:s25+$0x10] =	vst v4;
	v3 =	vmul.f32 $8.000000000e+00, v3  }
0x182: {  	s13 =	spop (v2sf);
	[tilespmem:s30+$0xFFFFFF80] =	vst v0;
	v4 =	vld [tilespmem:s24+$0x20]  }
0x183: {  	s14 =	sshll.u32 s13, $0x4;
	v0 =	vmul.f32 $8.000000000e+00, v1;
	v1 =	vld [tilespmem:s29+$0xFFFFFF90];
	[tilespmem:s23+$0x0] =	vst v3  }
0x184: {  	s8 =	sadd.s32 $0x2, s6;
	s1 =	sand.u32 $0x1FFFFFF0, s14;
	v3 =	vld [tilespmem:s21+$0x10]  }
0x185: {  	s31 =	simm.s32 $0x1F00;
	s15 =	simm.s32 $0x1B80;
	v9 =	vld [tilespmem:s8+$0xFFFFFFFF];
	s1 =	sadd.s32 s4, s1;
	(v2sf) =	vpush v5, $0x0;
	[tilespmem:s26+$0xFFFFFFB0] =	vst v0;
	v0 =	vmul.f32 $8.000000000e+00, v2  }
0x186: {  	v2 =	vld [tilespmem:s31+$0xFFFFFF80];
	[tilespmem:s15], [sflag:$0x1] =	stream.linear.gather [hbm4b:s1+s2], $0x80, $0x38  }
0x187: {  	v4 =	vmul.f32 $8.000000000e+00, v4;
	v7 =	vld [tilespmem:s20+$0x0];
	[tilespmem:s28+$0xFFFFFFA0] =	vst v0  }
0x188: {  	s11 =	spop (v2sf);
	(v2sf) =	vpush v6, $0x0;
	v0 =	vmul.f32 $8.000000000e+00, v1;
	v1 =	vld [tilespmem:s22+$0xFFFFFFB0]  }
0x189: {  	[tilespmem:s25+$0x20] =	vst v4;
	v4 =	vmul.f32 $8.000000000e+00, v3  }
0x18a: {  	v8 =	vld [tilespmem:s24+$0x30];
	[tilespmem:s30+$0xFFFFFF90] =	vst v0  }
0x18b: {  	v2 =	vmul.f32 $8.000000000e+00, v2;
	v3 =	vld [tilespmem:s29+$0xFFFFFFA0];
	[tilespmem:s23+$0x10] =	vst v4;
	s13 =	spop (v2sf)  }
0x18c: {  	s1 =	simm.s32 $0xBF00;
	(v2sf) =	vpush v9, $0x0;
	v4 =	vmul.f32 $8.000000000e+00, v7;
	v0 =	vld [tilespmem:s21+$0x20];
	s13 =	sshll.u32 s13, $0x4  }
0x18d: {  	s15 =	simm.s32 $0xA;
	s11 =	sshll.u32 s11, $0x4;
	[tilespmem:s1+$0xFFFFFF80] =	vst v2;
	v7 =	vmul.f32 $8.000000000e+00, v1;
	v1 =	vld [tilespmem:s9+$0x0];
	s16 =	sand.u32 $0x1FFFFFF0, s13  }
0x18e: {  	s13 =	sand.u32 $0x1FFFFFF0, s11;
	v5 =	vld [tilespmem:s31+$0xFFFFFF90];
	s11 =	simm.s32 $0x1C80;
	s9 =	smov.u32 s8;
	[tilespmem:s26+$0x0] =	vst v4  }
0x18f: {  	s14 =	sadd.s32 s4, s16;
	s16 =	simm.s32 $0x2000;
	s13 =	sadd.s32 s4, s13;
	v2 =	vmul.f32 $8.000000000e+00, v8;
	[tilespmem:s28+$0xFFFFFFB0] =	vst v7;
	v4 =	vld [tilespmem:s20+$0x10]  }
.LBB2_11:
0x190: {  	v6 =	vld [tilespmem:s16+$0xFFFFFF80];
	[tilespmem:s11], [sflag:$0x1] =	stream.linear.gather [hbm4b:s13+s2], $0x80, $0x38  }
0x191: {  	v3 =	vmul.f32 $8.000000000e+00, v3;
	[tilespmem:s25+$0x30] =	vst v2;
	s25 =	smov.u32 s23;
	s23 =	smov.u32 s26;
	s26 =	smov.u32 s28  }
0x192: {  	s15 =	sadd.s32 $0x2, s15;
	s28 =	smov.u32 s30;
	s30 =	smov.u32 s1;
	v2 =	vld [tilespmem:s22+$0x0];
	v0 =	vmul.f32 $8.000000000e+00, v0  }
0x193: {  	[tilespmem:s28+$0xFFFFFFA0] =	vst v3;
	(v2sf) =	vpush v1, $0x0;
	[tilespmem:s24], [sflag:$0x1] =	stream.linear.gather [hbm4b:s14+s2], $0x80, $0x38  }
0x194: {  	p1 =	slt.u32 s15, $0x9E;
	s24 =	smov.u32 s21;
	v1 =	vmul.f32 $8.000000000e+00, v5;
	v5 =	vld [tilespmem:s29+$0xFFFFFFB0];
	s11 =	spop (v2sf);
	[tilespmem:s25+$0x20] =	vst v0  }
0x195: {  	s8 =	sadd.s32 $0x2, s8;
	s21 =	smov.u32 s20;
	s11 =	sshll.u32 s11, $0x4;
	v0 =	vmul.f32 $8.000000000e+00, v4;
	v4 =	vld [tilespmem:s24+$0x30]  }
0x196: {  	s20 =	smov.u32 s22;
	s22 =	smov.u32 s29;
	v7 =	vld [tilespmem:s8+$0xFFFFFFFF];
	[tilespmem:s1+$0xFFFFFF90] =	vst v1;
	s13 =	sand.u32 $0x1FFFFFF0, s11  }
.Ltmp9:
0x197: {  	s29 =	smov.u32 s31;
	v1 =	vmul.f32 $8.000000000e+00, v6;
	v3 =	vld [tilespmem:s31+$0xFFFFFFA0];
	v2 =	vmul.f32 $8.000000000e+00, v2;
	[tilespmem:s23+$0x10] =	vst v0;
	s11 =	spop (v2sf);
	(pc) =	sbr.rel @p1 .LBB2_11-.Ltmp9, $4  }
0x198: {  	s1 =	sadd.s32 $0x100, s1;
	s31 =	smov.u32 s16;
	v0 =	vld [tilespmem:s21+$0x20];
	s11 =	sshll.u32 s11, $0x4  }
0x199: {  	[tilespmem:s1+$0xFFFFFF80] =	vst v1;
	v6 =	vmul.f32 $8.000000000e+00, v5;
	v1 =	vld [tilespmem:s0+$0x0];
	s11 =	sand.u32 $0x1FFFFFF0, s11;
	s0 =	smov.u32 s6;
	s6 =	smov.u32 s9  }
0x19a: {  	s9 =	smov.u32 s8;
	v5 =	vld [tilespmem:s16+$0xFFFFFF90];
	[tilespmem:s26+$0x0] =	vst v2;
	v2 =	vmul.f32 $8.000000000e+00, v4;
	s14 =	sadd.s32 s4, s11  }
0x19b: {  	s13 =	sadd.s32 s4, s13;
	s16 =	sadd.s32 $0x100, s16;
	s11 =	sadd.s32 $0xFFFFFF80, s22;
	(v2sf) =	vpush v7, $0x0;
	[tilespmem:s28+$0xFFFFFFB0] =	vst v6;
	v4 =	vld [tilespmem:s20+$0x10]  }
0x19c: {  	_ =	sdelay $0x2  }
0x19d: {  	v5 =	vmul.f32 $8.000000000e+00, v5;
	_ =	sdelay $0x1  }
0x19e: {  	[tilespmem:s1+$0xFFFFFF90] =	vst v5  }
0x19f: {  	v3 =	vmul.f32 $8.000000000e+00, v3;
	v5 =	vld [tilespmem:s31+$0xFFFFFFA0];
	_ =	sdelay $0x1  }
0x1a0: {  	[tilespmem:s30+$0xFFFFFFA0] =	vst v3  }
0x1a1: {  	v3 =	vld [tilespmem:s29+$0xFFFFFFB0];
	_ =	sdelay $0x1  }
0x1a2: {  	v5 =	vmul.f32 $8.000000000e+00, v5  }
0x1a3: {  	[tilespmem:s11], [sflag:$0x1] =	stream.linear.gather [hbm4b:s13+s2], $0x80, $0x38;
	[tilespmem:$0x15980] =	vst v63  }
0x1a4: {  	s8 =	spop (v2sf);
	v6 =	vld [tilespmem:s22+$0x0];
	[tilespmem:s1+$0xFFFFFFA0] =	vst v5  }
0x1a5: {  	s8 =	sshll.u32 s8, $0x4;
	v3 =	vmul.f32 $8.000000000e+00, v3;
	v5 =	vld [tilespmem:s31+$0xFFFFFFB0]  }
0x1a6: {  	s8 =	sand.u32 $0x1FFFFFF0, s8  }
0x1a7: {  	s16 =	sadd.s32 $0xFFFFFF80, s29;
	s8 =	sadd.s32 s4, s8;
	s11 =	spop (v2sf);
	[tilespmem:s30+$0xFFFFFFB0] =	vst v3  }
0x1a8: {  	[tilespmem:s16], [sflag:$0x1] =	stream.linear.gather [hbm4b:s8+s2], $0x80, $0x38;
	[tilespmem:$0x15980] =	vst v63  }
0x1a9: {  	v39 =	vld [tilespmem:s0+$0x0];
	v6 =	vmul.f32 $8.000000000e+00, v6;
	s13 =	spop (v2sf)  }
0x1aa: {  	v7 =	vld [tilespmem:s29+$0x0];
	s0 =	sshll.u32 s13, $0x4;
	v5 =	vmul.f32 $8.000000000e+00, v5  }
0x1ab: {  	(v2sf) =	vpush v1, $0x0;
	[tilespmem:s28+$0x0] =	vst v6;
	s0 =	sand.u32 $0x1FFFFFF0, s0  }
0x1ac: {  	s15 =	sadd.s32 $0xFFFFFF80, s31;
	v40 =	vld [tilespmem:s22+$0x10];
	s0 =	sadd.s32 s4, s0;
	[tilespmem:s1+$0xFFFFFFB0] =	vst v5  }
0x1ad: {  	v4 =	vmul.f32 $8.000000000e+00, v4;
	[tilespmem:s15], [sflag:$0x1] =	stream.linear.gather [hbm4b:s0+s2], $0x80, $0x38;
	[tilespmem:$0x15980] =	vst v63  }
0x1ae: {  	v43 =	vld [tilespmem:s31+$0x0]  }
0x1af: {  	[tilespmem:s26+$0x10] =	vst v4;
	v42 =	vmul.f32 $8.000000000e+00, v7  }
0x1b0: {  	v0 =	vmul.f32 $8.000000000e+00, v0;
	v41 =	vld [tilespmem:s20+$0x20]  }
0x1b1: {  	v44 =	vld [tilespmem:s6+$0x0];
	v4 =	vmul.f32 $8.000000000e+00, v40;
	[tilespmem:s30+$0x0] =	vst v42  }
0x1b2: {  	[tilespmem:s23+$0x20] =	vst v0;
	(v2sf) =	vpush v39, $0x0;
	v45 =	vld [tilespmem:s29+$0x10]  }
0x1b3: {  	v46 =	vld [tilespmem:s21+$0x30];
	[tilespmem:s28+$0x10] =	vst v4;
	v47 =	vmul.f32 $8.000000000e+00, v43  }
0x1b4: {  	v4 =	vld [tilespmem:s22+$0x20]  }
0x1b5: {  	v48 =	vld [tilespmem:s9+$0x0];
	[tilespmem:s1+$0x0] =	vst v47  }
0x1b6: {  	v1 =	vmul.f32 $8.000000000e+00, v41;
	(v2sf) =	vpush v44, $0x0;
	v49 =	vld [tilespmem:s31+$0x10]  }
0x1b7: {  	[tilespmem:s25+$0x30] =	vst v2;
	v0 =	vmul.f32 $8.000000000e+00, v45  }
0x1b8: {  	[tilespmem:s26+$0x20] =	vst v1  }
0x1b9: {  	[tilespmem:s24], [sflag:$0x1] =	stream.linear.gather [hbm4b:s14+s2], $0x80, $0x38;
	v3 =	vmul.f32 $8.000000000e+00, v46;
	v50 =	vld [tilespmem:s20+$0x30];
	[tilespmem:s30+$0x10] =	vst v0  }
0x1ba: {  	s24 =	spop (v2sf);
	v51 =	vmul.f32 $8.000000000e+00, v4;
	v52 =	vld [tilespmem:s29+$0x20];
	(v2sf) =	vpush v48, $0x0  }
0x1bb: {  	s16 =	sshll.u32 s11, $0x4;
	[tilespmem:s23+$0x30] =	vst v3;
	v53 =	vmul.f32 $8.000000000e+00, v49  }
0x1bc: {  	s0 =	sand.u32 $0x1FFFFFF0, s16;
	[tilespmem:s28+$0x20] =	vst v51  }
0x1bd: {  	s0 =	sadd.s32 s4, s0;
	v55 =	vld [tilespmem:s22+$0x30];
	[tilespmem:s1+$0x10] =	vst v53  }
0x1be: {  	v54 =	vmul.f32 $8.000000000e+00, v50;
	[tilespmem:s21], [sflag:$0x1] =	stream.linear.gather [hbm4b:s0+s2], $0x80, $0x38;
	v57 =	vld [tilespmem:s31+$0x20]  }
0x1bf: {  	s0 =	sshll.u32 s24, $0x4;
	v56 =	vmul.f32 $8.000000000e+00, v52  }
0x1c0: {  	[tilespmem:s26+$0x30] =	vst v54;
	s0 =	sand.u32 $0x1FFFFFF0, s0  }
0x1c1: {  	s25 =	spop (v2sf);
	s0 =	sadd.s32 s4, s0;
	[tilespmem:s30+$0x20] =	vst v56  }
0x1c2: {  	[tilespmem:s20], [sflag:$0x1] =	stream.linear.gather [hbm4b:s0+s2], $0x80, $0x38;
	v58 =	vmul.f32 $8.000000000e+00, v55;
	v59 =	vld [tilespmem:s29+$0x30]  }
0x1c3: {  	s0 =	sshll.u32 s25, $0x4;
	v60 =	vmul.f32 $8.000000000e+00, v57  }
0x1c4: {  	s0 =	sand.u32 $0x1FFFFFF0, s0;
	[tilespmem:s28+$0x30] =	vst v58  }
0x1c5: {  	s0 =	sadd.s32 s4, s0;
	s26 =	spop (v2sf);
	[tilespmem:s1+$0x20] =	vst v60  }
0x1c6: {  	[tilespmem:s22], [sflag:$0x1] =	stream.linear.gather [hbm4b:s0+s2], $0x80, $0x38;
	v62 =	vld [tilespmem:s31+$0x30]  }
0x1c7: {  	s0 =	sshll.u32 s26, $0x4;
	v61 =	vmul.f32 $8.000000000e+00, v59  }
0x1c8: {  	s0 =	sand.u32 $0x1FFFFFF0, s0  }
0x1c9: {  	s0 =	sadd.s32 s4, s0;
	[tilespmem:s30+$0x30] =	vst v61;
	s28 =	spop (v2sf)  }
0x1ca: {  	[tilespmem:s29], [sflag:$0x1] =	stream.linear.gather [hbm4b:s0+s2], $0x80, $0x38;
	[tilespmem:$0x15980] =	vst v63  }
0x1cb: {  	s0 =	sshll.u32 s28, $0x4;
	v63 =	vmul.f32 $8.000000000e+00, v62  }
0x1cc: {  	p1 =	por $0x0, $0x0;
	s0 =	sand.u32 $0x1FFFFFF0, s0  }
0x1cd: {  	s30 =	simm.s32 $0x10980;
	s29 =	simm.s32 $0xB980;
	s0 =	sadd.s32 s4, s0;
	[tilespmem:s1+$0x30] =	vst v63  }
0x1ce: {  	[tilespmem:s31], [sflag:$0x1] =	stream.linear.gather [hbm4b:s0+s2], $0x80, $0x38;
	[tilespmem:$0x15980] =	vst v63  }
.LBB2_13:
0x1cf: {  	s20 =	smul.u32 $0x140, s17;
	_ =	sdelay $0x1  }
0x1d0: {  	s0 =	sadd.s32 s3, s20  }
0x1d1: {  	s0 =	sshll.u32 s0, $0x4  }
0x1d2: {  	s0 =	sadd.s32 s5, s0  }
0x1d3: {  	[hbm4b:s0+s2] =	stream.linear.scatter [tilespmem:s29], [sflag:$0x3], $0x5000, $0x38;
	[tilespmem:$0x15980] =	vst v63  }
0x1d4: {  	_ =	swait.ge [sflag:s12], $0x5000  }
.Ltmp10:
0x1d5: {  	[sflag:s12] =	ssyncset.done $0x0;
	(pc) =	sbr.rel @!p1 .LBB2_14-.Ltmp10, $4  }
0x1d6: {  	s0 =	simm.s32 @!p0 $0x4;
	[sflag:s12] =	ssyncadd.s32 $0xFFFFB000  }
0x1d7: {  	_ =	swait.ge @!p0 [sflag:s0], $0x5000  }
0x1d8: {  	[sflag:s0] =	ssyncset.done @!p0 $0x0  }
0x1d9: {  	[sflag:s0] =	ssyncadd.s32 @!p0 $0xFFFFB000  }
0x1da: {  	s0 =	simm.s32 $0x0  }
0x1db: {  	v0 =	vld [tilespmem:s0+$0x6B30]  }
0x1dc: {  	v1 =	vld [tilespmem:s0+$0x6980]  }
0x1dd: {  	v2 =	vld [tilespmem:s0+$0x6990]  }
0x1de: {  	v3 =	vld [tilespmem:s0+$0x69A0]  }
0x1df: {  	v7 =	vld [tilespmem:s0+$0x6A20]  }
0x1e0: {  	v4 =	vld [tilespmem:s0+$0x69B0]  }
0x1e1: {  	v0 =	vmul.f32 $8.000000000e+00, v0  }
0x1e2: {  	v5 =	vld [tilespmem:s0+$0x6A00];
	v1 =	vmul.f32 $8.000000000e+00, v1  }
0x1e3: {  	v6 =	vld [tilespmem:s0+$0x6A10];
	v2 =	vmul.f32 $8.000000000e+00, v2;
	[tilespmem:s0+$0x10B30] =	vst v0  }
0x1e4: {  	v8 =	vld [tilespmem:s0+$0x6A30];
	v7 =	vmul.f32 $8.000000000e+00, v7;
	[tilespmem:s0+$0x10980] =	vst v1  }
0x1e5: {  	v0 =	vmul.f32 $8.000000000e+00, v3;
	[tilespmem:s0+$0x10990] =	vst v2;
	v1 =	vmul.f32 $8.000000000e+00, v4;
	v4 =	vld [tilespmem:s0+$0x6A80]  }
0x1e6: {  	v3 =	vld [tilespmem:s0+$0x6A90];
	[tilespmem:s0+$0x10A20] =	vst v7  }
0x1e7: {  	v2 =	vmul.f32 $8.000000000e+00, v5;
	[tilespmem:s0+$0x109A0] =	vst v0;
	v0 =	vld [tilespmem:s0+$0x6AA0]  }
0x1e8: {  	v5 =	vmul.f32 $8.000000000e+00, v6;
	[tilespmem:s0+$0x109B0] =	vst v1;
	v1 =	vld [tilespmem:s0+$0x6AB0]  }
0x1e9: {  	v6 =	vmul.f32 $8.000000000e+00, v8;
	[tilespmem:s0+$0x10A00] =	vst v2;
	v2 =	vld [tilespmem:s0+$0x6B00]  }
0x1ea: {  	s1 =	simm.s32 $0x0;
	s6 =	simm.s32 $0x800;
	[tilespmem:s0+$0x10A10] =	vst v5;
	v5 =	vmul.f32 $8.000000000e+00, v4;
	v4 =	vld [tilespmem:s0+$0x6B10]  }
.LBB2_18:
0x1eb: {  	s8 =	sshra.s32 s6, $0x2;
	s1 =	sadd.s32 $0x4, s1;
	[tilespmem:s0+$0x10A30] =	vst v6;
	v3 =	vmul.f32 $8.000000000e+00, v3;
	v6 =	vld [tilespmem:s0+$0x6B20]  }
0x1ec: {  	v7 =	vld [tilespmem:s8+$0x6B30];
	p0 =	slt.u32 s1, $0x9C;
	[tilespmem:s0+$0x10A80] =	vst v5;
	v0 =	vmul.f32 $8.000000000e+00, v0  }
0x1ed: {  	v5 =	vld [tilespmem:s8+$0x6980];
	[tilespmem:s0+$0x10A90] =	vst v3;
	v1 =	vmul.f32 $8.000000000e+00, v1  }
0x1ee: {  	v3 =	vld [tilespmem:s8+$0x6990];
	[tilespmem:s0+$0x10AA0] =	vst v0;
	v0 =	vmul.f32 $8.000000000e+00, v2  }
0x1ef: {  	v2 =	vld [tilespmem:s8+$0x69A0];
	[tilespmem:s0+$0x10AB0] =	vst v1;
	v1 =	vmul.f32 $8.000000000e+00, v4  }
0x1f0: {  	v4 =	vld [tilespmem:s8+$0x69B0];
	[tilespmem:s0+$0x10B00] =	vst v0;
	v0 =	vmul.f32 $8.000000000e+00, v6  }
0x1f1: {  	v6 =	vld [tilespmem:s8+$0x6A00];
	v7 =	vmul.f32 $8.000000000e+00, v7;
	[tilespmem:s0+$0x10B10] =	vst v1  }
0x1f2: {  	v1 =	vmul.f32 $8.000000000e+00, v5;
	v5 =	vld [tilespmem:s8+$0x6A10];
	[tilespmem:s0+$0x10B20] =	vst v0;
	s0 =	smov.u32 s8  }
0x1f3: {  	v0 =	vmul.f32 $8.000000000e+00, v3;
	v8 =	vld [tilespmem:s0+$0x6A20];
	[tilespmem:s0+$0x10B30] =	vst v7  }
0x1f4: {  	[tilespmem:s0+$0x10980] =	vst v1;
	v1 =	vmul.f32 $8.000000000e+00, v2;
	v2 =	vld [tilespmem:s0+$0x6A30]  }
0x1f5: {  	[tilespmem:s0+$0x10990] =	vst v0;
	v0 =	vmul.f32 $8.000000000e+00, v4;
	v4 =	vld [tilespmem:s0+$0x6A80]  }
.Ltmp11:
0x1f6: {  	[tilespmem:s0+$0x109A0] =	vst v1;
	v1 =	vmul.f32 $8.000000000e+00, v6;
	v3 =	vld [tilespmem:s0+$0x6A90];
	(pc) =	sbr.rel @p0 .LBB2_18-.Ltmp11, $4  }
0x1f7: {  	[tilespmem:s0+$0x109B0] =	vst v0;
	v5 =	vmul.f32 $8.000000000e+00, v5;
	v0 =	vld [tilespmem:s0+$0x6AA0]  }
0x1f8: {  	[tilespmem:s0+$0x10A00] =	vst v1;
	v7 =	vmul.f32 $8.000000000e+00, v8;
	v1 =	vld [tilespmem:s0+$0x6AB0]  }
0x1f9: {  	[tilespmem:s0+$0x10A10] =	vst v5;
	v6 =	vmul.f32 $8.000000000e+00, v2;
	v2 =	vld [tilespmem:s0+$0x6B00]  }
0x1fa: {  	s6 =	sadd.s32 $0x800, s6;
	[tilespmem:s0+$0x10A20] =	vst v7;
	v5 =	vmul.f32 $8.000000000e+00, v4;
	v4 =	vld [tilespmem:s0+$0x6B10]  }
0x1fb: {  	[tilespmem:s0+$0x10A30] =	vst v6;
	v3 =	vmul.f32 $8.000000000e+00, v3;
	v60 =	vld [tilespmem:s0+$0x6B20]  }
0x1fc: {  	[tilespmem:s0+$0x10A80] =	vst v5;
	v0 =	vmul.f32 $8.000000000e+00, v0  }
0x1fd: {  	[tilespmem:s0+$0x10A90] =	vst v3;
	v1 =	vmul.f32 $8.000000000e+00, v1  }
.Ltmp12:
0x1fe: {  	[tilespmem:s0+$0x10AA0] =	vst v0;
	v61 =	vmul.f32 $8.000000000e+00, v2;
	(pc) =	sbr.rel .LBB2_20-.Ltmp12, $4  }
0x1ff: {  	[tilespmem:s0+$0x10AB0] =	vst v1;
	v62 =	vmul.f32 $8.000000000e+00, v4  }
0x200: {  	[tilespmem:s0+$0x10B00] =	vst v61;
	v63 =	vmul.f32 $8.000000000e+00, v60  }
0x201: {  	[tilespmem:s0+$0x10B10] =	vst v62  }
0x202: {  	[tilespmem:s0+$0x10B20] =	vst v63  }
.LBB2_14:
0x203: {  	v0 =	vld [tilespmem:s19+$0xFFFFFFFF];
	_ =	sdelay $0x4  }
0x204: {  	(v2sf) =	vpush v0, $0x0;
	_ =	sdelay $0x4  }
0x205: {  	s0 =	sadd.s32 $0x2, s19  }
0x206: {  	v0 =	vld [tilespmem:s0+$0xFFFFFFFF]  }
0x207: {  	s1 =	simm.s32 $0x0  }
0x208: {  	v1 =	vld [tilespmem:s1+$0x6980]  }
0x209: {  	v2 =	vld [tilespmem:s1+$0x6990]  }
0x20a: {  	v3 =	vld [tilespmem:s1+$0x69A0]  }
0x20b: {  	v4 =	vld [tilespmem:s1+$0x69B0];
	(v2sf) =	vpush v0, $0x0;
	_ =	sdelay $0x1  }
0x20c: {  	s8 =	sadd.s32 $0x2, s0;
	v0 =	vmul.f32 $8.000000000e+00, v1  }
0x20d: {  	v1 =	vmul.f32 $8.000000000e+00, v2;
	v2 =	vld [tilespmem:s8+$0xFFFFFFFF]  }
0x20e: {  	[tilespmem:s1+$0x10980] =	vst v0;
	v0 =	vmul.f32 $8.000000000e+00, v3;
	s6 =	spop (v2sf)  }
0x20f: {  	[tilespmem:s1+$0x10990] =	vst v1;
	v1 =	vmul.f32 $8.000000000e+00, v4;
	s6 =	sshll.u32 s6, $0x4  }
0x210: {  	s22 =	simm.s32 $0x100;
	[tilespmem:s1+$0x109A0] =	vst v0;
	s6 =	sand.u32 $0x1FFFFFF0, s6  }
0x211: {  	s9 =	simm.s32 $0x6980;
	[tilespmem:s1+$0x109B0] =	vst v1;
	v0 =	vld [tilespmem:s22+$0x6980];
	s6 =	sadd.s32 s4, s6  }
0x212: {  	(v2sf) =	vpush v2, $0x0;
	v2 =	vld [tilespmem:s22+$0x6990];
	[tilespmem:s9], [sflag:$0x2] =	stream.linear.gather [hbm4b:s6+s2], $0x80, $0x38  }
0x213: {  	v1 =	vld [tilespmem:s19+$0x0]  }
0x214: {  	v3 =	vld [tilespmem:s22+$0x69A0]  }
0x215: {  	v4 =	vld [tilespmem:s22+$0x69B0];
	_ =	sdelay $0x1  }
0x216: {  	v0 =	vmul.f32 $8.000000000e+00, v0  }
0x217: {  	(v2sf) =	vpush v1, $0x0;
	v1 =	vmul.f32 $8.000000000e+00, v2  }
0x218: {  	[tilespmem:s22+$0x10980] =	vst v0;
	v0 =	vmul.f32 $8.000000000e+00, v3;
	s24 =	spop (v2sf)  }
0x219: {  	s9 =	sshll.u32 s24, $0x4;
	[tilespmem:s22+$0x10990] =	vst v1;
	v1 =	vmul.f32 $8.000000000e+00, v4  }
0x21a: {  	[tilespmem:s22+$0x109A0] =	vst v0;
	s9 =	sand.u32 $0x1FFFFFF0, s9  }
0x21b: {  	s11 =	simm.s32 $0x6A80;
	s6 =	sadd.s32 $0x2, s8;
	s9 =	sadd.s32 s4, s9;
	[tilespmem:s22+$0x109B0] =	vst v1  }
0x21c: {  	v5 =	vld [tilespmem:s6+$0xFFFFFFFF];
	[tilespmem:s11], [sflag:$0x2] =	stream.linear.gather [hbm4b:s9+s2], $0x80, $0x38  }
0x21d: {  	v6 =	vld [tilespmem:s0+$0x0]  }
0x21e: {  	s23 =	simm.s32 $0x200  }
0x21f: {  	v0 =	vld [tilespmem:s23+$0x6990];
	_ =	sdelay $0x1  }
0x220: {  	v3 =	vld [tilespmem:s23+$0x69B0];
	s25 =	spop (v2sf);
	(v2sf) =	vpush v5, $0x0  }
0x221: {  	v2 =	vld [tilespmem:s23+$0x6980];
	(v2sf) =	vpush v6, $0x0  }
0x222: {  	v1 =	vld [tilespmem:s23+$0x69A0]  }
0x223: {  	v0 =	vmul.f32 $8.000000000e+00, v0  }
0x224: {  	v8 =	vld [tilespmem:s1+$0x6A00]  }
0x225: {  	v9 =	vld [tilespmem:s1+$0x6A10];
	[tilespmem:s23+$0x10990] =	vst v0;
	v0 =	vmul.f32 $8.000000000e+00, v3  }
0x226: {  	v10 =	vld [tilespmem:s1+$0x6A20];
	v2 =	vmul.f32 $8.000000000e+00, v2  }
0x227: {  	v3 =	vld [tilespmem:s1+$0x6A30];
	[tilespmem:s23+$0x109B0] =	vst v0;
	s0 =	sadd.s32 $0x2, s6;
	s9 =	sshll.u32 s25, $0x4;
	v1 =	vmul.f32 $8.000000000e+00, v1  }
0x228: {  	s21 =	simm.s32 $0x300;
	v7 =	vld [tilespmem:s0+$0xFFFFFFFF];
	[tilespmem:s23+$0x10980] =	vst v2;
	s9 =	sand.u32 $0x1FFFFFF0, s9  }
0x229: {  	s26 =	simm.s32 $0x6B80;
	v4 =	vld [tilespmem:s21+$0x6990];
	s9 =	sadd.s32 s4, s9;
	[tilespmem:s23+$0x109A0] =	vst v1  }
0x22a: {  	v2 =	vld [tilespmem:s21+$0x6980];
	v1 =	vmul.f32 $8.000000000e+00, v8;
	[tilespmem:s26], [sflag:$0x2] =	stream.linear.gather [hbm4b:s9+s2], $0x80, $0x38  }
0x22b: {  	v8 =	vmul.f32 $8.000000000e+00, v9;
	v0 =	vld [tilespmem:s8+$0x0];
	s28 =	spop (v2sf)  }
0x22c: {  	v5 =	vld [tilespmem:s21+$0x69A0];
	s14 =	sadd.s32 $0x2, s0;
	[tilespmem:s1+$0x10A00] =	vst v1;
	v1 =	vmul.f32 $8.000000000e+00, v10;
	s31 =	sshll.u32 s28, $0x4  }
0x22d: {  	v3 =	vmul.f32 $8.000000000e+00, v3;
	v6 =	vld [tilespmem:s21+$0x69B0];
	s9 =	simm.s32 $0xC00;
	s8 =	simm.s32 $0x8;
	[tilespmem:s1+$0x10A10] =	vst v8;
	(v2sf) =	vpush v7, $0x0;
	s15 =	sand.u32 $0x1FFFFFF0, s31  }
.LBB2_15:
0x22e: {  	v7 =	vld [tilespmem:s14+$0xFFFFFFFF];
	s11 =	sadd.s32 $0x6A00, s1;
	[tilespmem:s1+$0x10A20] =	vst v1;
	s13 =	sadd.s32 s4, s15  }
0x22f: {  	v1 =	vmul.f32 $8.000000000e+00, v2;
	v8 =	vld [tilespmem:s22+$0x6A00];
	[tilespmem:s1+$0x10A30] =	vst v3;
	[tilespmem:s11], [sflag:$0x2] =	stream.linear.gather [hbm4b:s13+s2], $0x80, $0x38  }
0x230: {  	s8 =	sadd.s32 $0x2, s8;
	v2 =	vmul.f32 $8.000000000e+00, v4;
	s1 =	smov.u32 s22;
	s11 =	spop (v2sf);
	(v2sf) =	vpush v0, $0x0;
	v3 =	vld [tilespmem:s22+$0x6A10]  }
0x231: {  	s9 =	sadd.s32 $0x400, s9;
	p0 =	slt.u32 s8, $0x9E;
	v0 =	vmul.f32 $8.000000000e+00, v5;
	[tilespmem:s21+$0x10980] =	vst v1;
	s11 =	sshll.u32 s11, $0x4;
	v1 =	vld [tilespmem:s1+$0x6A20]  }
0x232: {  	s13 =	sshra.s32 s9, $0x2;
	v5 =	vmul.f32 $8.000000000e+00, v6;
	s22 =	smov.u32 s23;
	[tilespmem:s21+$0x10990] =	vst v2;
	s11 =	sand.u32 $0x1FFFFFF0, s11;
	v9 =	vld [tilespmem:s1+$0x6A30]  }
.Ltmp13:
0x233: {  	s15 =	sadd.s32 $0x6980, s21;
	v2 =	vld [tilespmem:s13+$0x6980];
	[tilespmem:s21+$0x109A0] =	vst v0;
	s11 =	sadd.s32 s4, s11;
	(pc) =	sbr.rel @p0 .LBB2_15-.Ltmp13, $4  }
0x234: {  	v4 =	vld [tilespmem:s13+$0x6990];
	[tilespmem:s21+$0x109B0] =	vst v5;
	[tilespmem:s15], [sflag:$0x2] =	stream.linear.gather [hbm4b:s11+s2], $0x80, $0x38;
	v6 =	vmul.f32 $8.000000000e+00, v8  }
0x235: {  	s23 =	smov.u32 s21;
	s21 =	smov.u32 s13;
	(v2sf) =	vpush v7, $0x0;
	v0 =	vld [tilespmem:s6+$0x0];
	v3 =	vmul.f32 $8.000000000e+00, v3;
	s6 =	spop (v2sf)  }
0x236: {  	v5 =	vld [tilespmem:s21+$0x69A0];
	[tilespmem:s1+$0x10A00] =	vst v6;
	v1 =	vmul.f32 $8.000000000e+00, v1;
	s11 =	sshll.u32 s6, $0x4;
	s6 =	smov.u32 s0;
	s0 =	smov.u32 s14  }
0x237: {  	s14 =	sadd.s32 $0x2, s14;
	v6 =	vld [tilespmem:s21+$0x69B0];
	[tilespmem:s1+$0x10A10] =	vst v3;
	v3 =	vmul.f32 $8.000000000e+00, v9;
	s15 =	sand.u32 $0x1FFFFFF0, s11  }
.Ltmp14:
0x238: {  	_ = 	snop;
	(pc) =	sbr.rel .LBB2_16-.Ltmp14, $1  }
0x239: {  	_ =	sdelay $0x3  }
.LBB2_22:
0x23a: {  	_ =	sfence.sel $0x180000  }
0x23b: {  	[bflag:$0x0] =	sbarrier.arrive $0xFFFF  }
0x23c: {  	_ =	strace $0x90000047  }
0x23d: {  	s0 =	stileid.u32;
	[bflag:$0x2] =	sbarrier.arrive $0xFFFF  }
0x23e: {  	p0 =	sne.s32 s0, $0x0;
	s0 =	rddreg [dreg:$0x2]  }
0x23f: {  	s0 =	sadd.s32 @!p0 $0x100000, s0  }
0x240: {  	[sflag:s0] =	ssyncadd.tile.s32 @!p0 $0x1;
	_ =	shalt  }
.Lfunc_end2:
_tile_overlayer_lowered:
.L_overlay_start_2:
0x241: {  	(tag) =	ssettag $0x2  }
0x242: {  	s0 =	rddreg [dreg:$0x0];
	s2 =	stileid.u32  }
0x243: {  	s1 =	rddreg [dreg:$0x1];
	p0 =	sne.s32 s2, $0x0  }
0x244: {  	s3 =	rddreg [dreg:$0x2];
	[bflag:$0x3] =	sbarrier.arrive $0xFFFF;
	s2 =	simm.s32 @!p0 $0x1C05  }
0x245: {  	[timem:s3], [sflag:s2] =	dma.local @!p0 [hbm:s0], s1  }
0x246: {  	s0 =	simm.s32 @!p0 $0x5  }
0x247: {  	_ =	swait.ge @!p0 [sflag:s0], s1  }
0x248: {  	s1 =	ssub.s32 @!p0 $0x0, s1;
	[sflag:s0] =	ssyncset.done @!p0 $0x0  }
0x249: {  	[sflag:s0] =	ssyncadd.s32 @!p0 s1  }
0x24a: {  	[bflag:$0x3] =	sbarrier.arrive $0xFFFF  }
0x24b: {  	_ =	shalt  }

// kernel: sparse-core-data-format-call.cloned.1.call-start
scs
called_computation_lowered:
.L_overlay_start_0:
0x0: {  	s2 =	sld [smem:$0x3FD9]  }
0x1: {  	s3 =	sld [smem:$0x3FFE];
	_ =	sdelay $0x1  }
0x2: {  	s1 =	srdreg.scid  }
0x3: {  	s0 =	sand.u32 $0x1, s1  }
0x4: {  	s18 =	sshll.u32 s0, $0xA;
	s2 =	sadd.s32 s3, s2  }
0x5: {  	s2 =	sadd.s32 s2, s18  }
0x6: {  	[smem:$0x3FC6] =	sst s2  }
0x7: {  	_ = 	snop  }
0x8: {  	s2 =	sld [smem:$0x3FD0];
	(tm) =	ssettm $0x1  }
0x9: {  	s19 =	sld [smem:$0x3FFB];
	_ =	sdelay $0x3  }
0xa: {  	_ =	strace s19  }
0xb: {  	s3 =	sld [smem:$0x3FFC];
	_ =	sdelay $0x3  }
0xc: {  	_ =	strace s3  }
0xd: {  	s3 =	sld [smem:$0x3FFD];
	_ =	sdelay $0x3  }
0xe: {  	_ =	strace s3  }
0xf: {  	_ =	strace $0x8FFFFFFF  }
0x10: {  	s20 =	sld [smem:$0x3FDB];
	_ =	sdelay $0x1  }
0x11: {  	s4 =	simm.s32 $_scs_section_size  }
0x12: {  	s5 =	simm.s32 $_size__tile_overlayer_lowered;
	s6 =	simm.s32 $_tile_overlayer_lowered  }
0x13: {  	s23 =	simm.s32 $0x1BFF;
	s22 =	sshll.u32 s6, $0x1;
	s3 =	sadd.s32 s4, s20  }
0x14: {  	s7 =	simm.s32 $0x0;
	s21 =	sshll.u32 s5, $0x1;
	s5 =	sadd.s32 s22, s3  }
0x15: {  	[timem:s7], [sflag:s23] =	dma.local [hbm:s5], s21  }
0x16: {  	_ =	swait.ge [sflag:s23], s21  }
0x17: {  	s4 =	ssub.s32 $0x0, s21;
	[sflag:s23] =	ssyncset.done $0x0  }
0x18: {  	[sflag:s23] =	ssyncadd.s32 s4;
	_ =	sdelay $0x1  }
0x19: {  	s24 =	simm.s32 $0x1B8B  }
0x1a: {  	_ =	swait.ge [sflag:s24], $0x1  }
0x1b: {  	[sflag:s24] =	ssyncset.done $0x0  }
0x1c: {  	s26 =	simm.s32 $0x1B8E;
	s25 =	sld [smem:$0x3FFE];
	[sflag:s24] =	ssyncadd.s32 $0xFFFFFFFF  }
0x1d: {  	s27 =	simm.s32 $execute0_lowered;
	[smem:$0x3FD2] =	sst s26  }
0x1e: {  	s5 =	sshll.u32 s27, $0x1;
	_ =	strace $0x80000049;
	[dreg:$0x1] =	wrdreg $0xFFFFFFFF  }
0x1f: {  	s28 =	simm.s32 $_size_execute0_lowered;
	s3 =	sadd.s32 s3, s5;
	[dreg:$0x0] =	wrdreg $0x0  }
0x20: {  	s5 =	sshll.u32 s28, $0x1;
	[dreg:$0x2] =	wrdreg s3  }
0x21: {  	[dreg:$0x3] =	wrdreg s5  }
0x22: {  	[dreg:$0x4] =	wrdreg $0xC0  }
0x23: {  	_ =	task [dreg:s7], $0x5FFFF  }
0x24: {  	[dreg:$0x1] =	wrdreg $0xFFFFFFFF  }
0x25: {  	[dreg:$0x0] =	wrdreg $0x60  }
0x26: {  	[dreg:$0x2] =	wrdreg s25  }
0x27: {  	[dreg:$0x3] =	wrdreg s2  }
0x28: {  	[dreg:$0x4] =	wrdreg $0x9  }
0x29: {  	_ =	task.clear_ibuf [dreg:s7], $0x5FFFF;
	_ =	strace $0x90000049  }
0x2a: {  	s29 =	simm.s32 $0x9;
	_ =	strace $0x8000004B  }
0x2b: {  	_ =	swait.ge [sflag:s29], $0x1  }
0x2c: {  	[sflag:s29] =	ssyncadd.s32 $0xFFFFFFFF  }
0x2d: {  	_ =	strace $0x9000004B  }
0x2e: {  	_ =	sfence  }
0x2f: {  	s30 =	sld [smem:$0x0];
	_ =	sdelay $0x2  }
0x30: {  	s31 =	sshll.u32 s1, $0xD;
	s1 =	sshrl.u32 s1, $0x2  }
0x31: {  	s3 =	sand.u32 $0x4000, s31;
	s1 =	sadd.s32 s1, s30  }
0x32: {  	s0 =	sor.u32 s3, s0;
	s1 =	sshll.u32 s1, $0x11  }
0x33: {  	s0 =	sor.u32 s1, s0  }
0x34: {  	s0 =	sadd.s32 $0x8F2B, s0  }
0x35: {  	[sflag:s0] =	ssyncadd.remote.s32 $0x1  }
0x36: {  	_ =	sfence.sel $0xFFFF  }
0x37: {  	[dreg:$0x0] =	wrdreg $0xFFFFFFFF;
	(pc) =	sbr.abs _section_cstart, $3  }
0x38: {  	[dreg:$0x1] =	wrdreg $0xFFFFFFFF  }
0x39: {  	_ =	task.clear_ibuf [dreg:s7], $0x2FFFF;
	_ =	strace $0x9FFFFFFF  }
0x3a: {  	(tm) =	ssettm $0x7FFFFFFF  }
0x3b: {  	_ =	shalt  }
tec
execute0_lowered:
.L_overlay_start_1:
0x0: {  	(tag) =	ssettag $0x1  }
0x1: {  	s0 =	srdreg.scid  }
0x2: {  	s1 =	sshll.u32 s0, $0x4  }
0x3: {  	s5 =	rddreg [dreg:$0x0];
	s0 =	stileid.u32;
	s1 =	sand.u32 $0x10, s1  }
0x4: {  	s3 =	rddreg [dreg:$0x1];
	s31 =	simm.s32 $0x2;
	s4 =	sor.u32 s0, s1  }
0x5: {  	s13 =	simm.s32 $0x0;
	s9 =	simm.s32 $0x400;
	s2 =	sshll.u32 s4, $0x7  }
0x6: {  	s10 =	simm.s32 $0x8000;
	s14 =	simm.s32 $0x0;
	s6 =	ssub.s32 $0x1000, s2  }
0x7: {  	s1 =	rddreg [dreg:$0x2];
	_ =	strace $0x8000004A;
	s7 =	sand.u32 $0xF80, s6  }
0x8: {  	s4 =	sshll.u32 s4, $0xB;
	p0 =	sne.s32 s7, $0x0;
	s7 =	simm.s32 $0x1  }
.Ltmp0:
0x9: {  	s6 =	sshrl.u32 s6, $0xC;
	s7 =	simm.s32 @!p0 $0x0;
	(pc) =	sbr.rel .LBB1_1-.Ltmp0, $4  }
0xa: {  	s8 =	sadd.s32 s4, s5;
	s4 =	simm.s32 $0x1;
	s30 =	sadd.s32 s7, s6  }
0xb: {  	s11 =	simm.s32 $0x0;
	[sflag:s4] =	ssyncpa.u1 $0x0;
	s5 =	smul.u32 $0x19, s30  }
0xc: {  	s12 =	simm.s32 $0x0;
	[sflag:s31] =	ssyncpa.u1 $0x0;
	p0 =	por $0x0, $0x0  }
0xd: {  	s6 =	sadd.s32 $0xF42C00, s8;
	s7 =	sadd.s32 $0xF52C00, s8;
	s8 =	sadd.s32 $0x1, s5  }
.LBB1_7:
0xe: {  	s15 =	sadd.s32 $0x2, s11  }
0xf: {  	p2 =	sgt.s32 s15, $0x31  }
0x10: {  	s15 =	simm.s32 @p2 $0x0;
	p2 =	sne.s32 s12, s8  }
.Ltmp1:
0x11: {  	p1 =	slt.u32 s12, $0x2;
	(pc) =	sbr.rel @!p2 .LBB1_8-.Ltmp1, $4  }
0x12: {  	s13 =	simm.s32 @!p1 $0x2  }
0x13: {  	s16 =	sadd.s32 $0x1, s12;
	s14 =	smov.u32 s11;
	_ =	swait.ge @!p1 [sflag:s13], $0x4000  }
0x14: {  	p0 =	por !p0, !p0;
	s12 =	smov.u32 s16;
	[sflag:s13] =	ssyncset.done @!p1 $0x0  }
0x15: {  	s11 =	smov.u32 s15;
	[sflag:s13] =	ssyncadd.s32 @!p1 $0xFFFFC000;
	s13 =	smov.u32 s2  }
.LBB1_1:
0x16: {  	p1 =	sge.u32 s12, s5  }
0x17: {  	s15 =	sxor.u32 @!p1 $0xFFFFFFFF, s12  }
0x18: {  	s16 =	sshll.u32 @!p1 s11, $0x10;
	s18 =	simm.s32 @!p1 $0x40;
	s15 =	sshll.u32 @!p1 s15, $0xE  }
0x19: {  	s19 =	simm.s32 @!p1 $0x80;
	s17 =	sadd.s32 @!p1 s16, s6;
	s15 =	sand.u32 @!p1 $0x4000, s15  }
0x1a: {  	[tilespmem:s15], [sflag:$0x1] =	stream.strided.gather @!p1 [hbm4b:s17+s18], $0x2000, s19, s18, $0x38;
	[tilespmem:$0x10100] =	vst v63  }
0x1b: {  	s31 =	sadd.s32 $0xFFFFFFFF, s12;
	s16 =	sadd.s32 @!p1 s16, s7;
	s15 =	sor.u32 @!p1 $0x2000, s15  }
0x1c: {  	[tilespmem:s15], [sflag:$0x1] =	stream.strided.gather @!p1 [hbm4b:s16+s18], $0x2000, s19, s18, $0x38;
	[tilespmem:$0x10100] =	vst v63  }
0x1d: {  	p1 =	sge.u32 s31, s5  }
.Ltmp2:
0x1e: {  	_ = 	snop;
	(pc) =	sbr.rel @p1 .LBB1_7-.Ltmp2, $1  }
0x1f: {  	_ =	sdelay $0x3  }
0x20: {  	s15 =	simm.s32 $0x1;
	s17 =	sand.u32 $0x1, s12  }
0x21: {  	_ =	swait.ge [sflag:s4], $0x4000;
	s15 =	simm.s32 @!p0 $0x0;
	s17 =	smul.u32 $0x10200, s17  }
0x22: {  	p2 =	por $0x1, $0x1;
	[sflag:s4] =	ssyncset.done $0x0;
	s16 =	smul.u32 $0x10200, s15  }
0x23: {  	s18 =	sshll.u32 s15, $0x10;
	[sflag:s4] =	ssyncadd.s32 $0xFFFFC000;
	s30 =	sshrl.u32 s17, $0x2  }
0x24: {  	s31 =	sshrl.u32 s18, $0x2;
	s18 =	simm.s32 $0x0;
	s16 =	sshrl.u32 s16, $0x2  }
0x25: {  	s15 =	sor.u32 $0x8000, s30;
	s17 =	sadd.s32 $0x20, s31;
	s16 =	sor.u32 $0x8000, s16  }
.LBB1_3:
0x26: {  	s19 =	sshll.u32 s18, $0xD  }
0x27: {  	s19 =	sand.u32 $0x3FFFE000, s19  }
0x28: {  	s21 =	sadd.s32 s19, s17  }
0x29: {  	s31 =	smul.u32 $0x8100, s18;
	v3 =	vld [tilespmem:s21+$0x10]  }
0x2a: {  	v1 =	vld [tilespmem:s21+$0xFFFFFFF0]  }
0x2b: {  	s18 =	sshra.s32 s31, $0x2;
	v0 =	vld [tilespmem:s21+$0x0]  }
0x2c: {  	s18 =	sadd.s32 s18, s16;
	v2 =	vld [tilespmem:s21+$0xFFFFFFE0]  }
0x2d: {  	s19 =	sadd.s32 $0x0, s18  }
0x2e: {  	p1 =	por p2, p2;
	s20 =	simm.s32 $0x4;
	s21 =	sadd.s32 $0x40, s21;
	[tilespmem:s19+$0x1830 ss:$0x81] =	vst.msk $0xffff, v3  }
.LBB1_4:
0x2f: {  	v3 =	vld [tilespmem:s21+$0x10];
	p2 =	sne.s32 s20, $0x1FC;
	[tilespmem:s19+$0x810 ss:$0x81] =	vst.msk $0xffff, v1;
	s22 =	smov.u32 s20;
	s20 =	sadd.s32 $0x4, s20  }
.Ltmp3:
0x30: {  	v1 =	vld [tilespmem:s21+$0xFFFFFFF0];
	[tilespmem:s19+$0x1020 ss:$0x81] =	vst.msk $0xffff, v0;
	(pc) =	sbr.rel @p2 .LBB1_4-.Ltmp3, $4  }
0x31: {  	v0 =	vld [tilespmem:s21+$0x0];
	[tilespmem:s19+$0x0 ss:$0x81] =	vst.msk $0xffff, v2  }
0x32: {  	s19 =	sshra.s32 s22, $0x2;
	v2 =	vld [tilespmem:s21+$0xFFFFFFE0]  }
0x33: {  	s19 =	sadd.s32 s19, s18  }
0x34: {  	s21 =	sadd.s32 $0x40, s21;
	[tilespmem:s19+$0x1830 ss:$0x81] =	vst.msk $0xffff, v3  }
.Ltmp4:
0x35: {  	(pc) =	sbr.rel @p1 .LBB1_3-.Ltmp4, $4  }
0x36: {  	_ = 	snop  }
0x37: {  	[tilespmem:s19+$0x810 ss:$0x81] =	vst.msk $0xffff, v1  }
0x38: {  	[tilespmem:s19+$0x1020 ss:$0x81] =	vst.msk $0xffff, v0  }
0x39: {  	s18 =	simm.s32 $0x1;
	p2 =	por $0x0, $0x0;
	[tilespmem:s19+$0x0 ss:$0x81] =	vst.msk $0xffff, v2  }
.Ltmp5:
0x3a: {  	(pc) =	sbr.rel .LBB1_7-.Ltmp5, $4  }
0x3b: {  	s14 =	sshll.u32 s14, $0xF  }
0x3c: {  	s14 =	sadd.s32 s3, s14  }
0x3d: {  	s13 =	sadd.s32 s13, s14  }
0x3e: {  	[hbm4b:s13+s9] =	stream.strided.scatter [tilespmem:s15], [sflag:$0x2], $0x4000, s10, s9, $0x20;
	[tilespmem:$0x10100] =	vst v63  }
.LBB1_8:
0x3f: {  	_ =	sfence.sel $0x180000  }
0x40: {  	s2 =	simm.s32 $0x1;
	[bflag:$0x0] =	sbarrier.arrive $0xFFFF  }
0x41: {  	s31 =	simm.s32 $0x2;
	[sflag:s2] =	ssyncpa.u1 $0x1  }
0x42: {  	[sflag:s31] =	ssyncpa.u1 $0x1  }
0x43: {  	p0 =	sne.s32 s0, $0x0;
	_ =	strace $0x9000004A  }
0x44: {  	s0 =	sadd.s32 @!p0 $0x100000, s1;
	[bflag:$0x2] =	sbarrier.arrive $0xFFFF  }
0x45: {  	[sflag:s0] =	ssyncadd.tile.s32 @!p0 $0x1;
	_ =	shalt  }
.Lfunc_end1:
_tile_overlayer_lowered:
.L_overlay_start_2:
0x46: {  	(tag) =	ssettag $0x2  }
0x47: {  	s0 =	rddreg [dreg:$0x0];
	s2 =	stileid.u32  }
0x48: {  	s1 =	rddreg [dreg:$0x1];
	p0 =	sne.s32 s2, $0x0  }
0x49: {  	s3 =	rddreg [dreg:$0x2];
	[bflag:$0x3] =	sbarrier.arrive $0xFFFF;
	s2 =	simm.s32 @!p0 $0x1C01  }
0x4a: {  	[timem:s3], [sflag:s2] =	dma.local @!p0 [hbm:s0], s1  }
0x4b: {  	s0 =	simm.s32 @!p0 $0x1  }
0x4c: {  	_ =	swait.ge @!p0 [sflag:s0], s1  }
0x4d: {  	s1 =	ssub.s32 @!p0 $0x0, s1;
	[sflag:s0] =	ssyncset.done @!p0 $0x0  }
0x4e: {  	[sflag:s0] =	ssyncadd.s32 @!p0 s1  }
0x4f: {  	[bflag:$0x3] =	sbarrier.arrive $0xFFFF  }
0x50: {  	_ =	shalt  }

</sc_bundles>
